<compile_context>
chip_gen: v7x
topology: tpu7x:2x2x1
jax: 0.10.2.dev20260603
libtpu: 0.0.44.dev20260713+nightly
codegen_flags: <defaults>
</compile_context>

<pallas_src>
import functools

import jax
import jax.numpy as jnp
from jax import lax
from jax.experimental import pallas as pl
from jax.experimental.pallas import tpu as pltpu
from jax.experimental.pallas import tpu_sc as plsc

_C = 16
_TT = 256
_KC = 128


def _tc_body(off_ref, xs_ref, w_ref, b_ref, out_ref, acc_ref):
    g = pl.program_id(0)
    ncols = out_ref.shape[1]

    @pl.when(g == 0)
    def _init():
        out_ref[...] = jnp.zeros(out_ref.shape, jnp.float32)

    rs = off_ref[g * _C]
    re = off_ref[g * _C + _C]
    base0 = (rs // 8) * 8
    nblk = (re - base0 + _TT - 1) // _TT

    def blk(k, carry):
        base = base0 + k * _TT
        xblk = xs_ref[pl.ds(base, _TT), :]
        riota = base + lax.broadcasted_iota(jnp.int32, (_TT, 1), 0)
        acc = jnp.zeros((_TT, ncols), jnp.float32)
        for j in range(_C):
            oe = off_ref[g * _C + j]
            oe1 = off_ref[g * _C + j + 1]
            m = (riota >= oe) & (riota < oe1)
            dotj = jnp.dot(xblk, w_ref[j], preferred_element_type=jnp.float32)
            brow = b_ref[pl.ds(j, 1), :]
            acc = acc + jnp.where(m, dotj + brow, 0.0)
        out_ref[pl.ds(base, _TT), :] = out_ref[pl.ds(base, _TT), :] + acc
        return carry

    lax.fori_loop(0, nblk, blk, 0)


def _grouped_matmul(off, xs_pad, W, b):
    E, D, _ = W.shape
    B_pad = xs_pad.shape[0]
    grid = (E // _C,)
    grid_spec = pltpu.PrefetchScalarGridSpec(
        num_scalar_prefetch=1,
        grid=grid,
        in_specs=[
            pl.BlockSpec((B_pad, D), lambda g, off_ref: (0, 0)),
            pl.BlockSpec((_C, D, D), lambda g, off_ref: (g, 0, 0)),
            pl.BlockSpec((_C, D), lambda g, off_ref: (g, 0)),
        ],
        out_specs=pl.BlockSpec((B_pad, D), lambda g, off_ref: (0, 0)),
        scratch_shapes=[pltpu.VMEM((_TT, D), jnp.float32)],
    )
    return pl.pallas_call(
        _tc_body,
        grid_spec=grid_spec,
        out_shape=jax.ShapeDtypeStruct((B_pad, D), jnp.float32),
    )(off, xs_pad, W, b)


def _sc_mesh():
    return plsc.VectorSubcoreMesh(core_axis_name="c", subcore_axis_name="s")


def _sc_hist_rank(ids, E, NW):
    B = ids.shape[0]
    tpw = B // NW
    TPL = tpw // 16

    @functools.partial(
        pl.kernel,
        mesh=_sc_mesh(),
        out_type=(
            jax.ShapeDtypeStruct((NW, E * 16), jnp.int32),
            jax.ShapeDtypeStruct((B,), jnp.int32),
        ),
        scratch_types=[
            pltpu.VMEM((tpw,), jnp.int32),
            pltpu.VMEM((E * 16,), jnp.int32),
            pltpu.VMEM((tpw,), jnp.int32),
        ],
        compiler_params=pltpu.CompilerParams(needs_layout_passes=False),
    )
    def k(ids_hbm, hist_hbm, rank_hbm, ids_v, hist_v, rank_v):
        wid = lax.axis_index("s") * 2 + lax.axis_index("c")
        base = wid * tpw
        lane = lax.iota(jnp.int32, 16)
        pltpu.sync_copy(ids_hbm.at[pl.ds(base, tpw)], ids_v)

        def zero(i, _):
            for u in range(16):
                hist_v[pl.ds(i * 256 + u * 16, 16)] = jnp.zeros((16,), jnp.int32)
            return 0

        lax.fori_loop(0, E // 16, zero, 0)

        def body(j, _):
            idx = lane * TPL + j
            idvec = plsc.load_gather(ids_v, [idx])
            hidx = idvec + lane * E
            c = plsc.load_gather(hist_v, [hidx])
            plsc.store_scatter(hist_v, [hidx], c + 1)
            plsc.store_scatter(rank_v, [idx], c)
            return 0

        lax.fori_loop(0, TPL, body, 0)
        pltpu.sync_copy(hist_v, hist_hbm.at[wid])
        pltpu.sync_copy(rank_v, rank_hbm.at[pl.ds(base, tpw)])

    return k(ids)


def _sc_scatter_x(x, ids, rank, bw_all, B_pad, NW):
    B, D = x.shape
    tpw = B // NW
    TPL = tpw // 16
    nchunk = tpw // _KC
    E16 = bw_all.shape[1]
    E = E16 // 16

    @functools.partial(
        pl.kernel,
        mesh=_sc_mesh(),
        out_type=(
            jax.ShapeDtypeStruct((B_pad, D), jnp.float32),
            jax.ShapeDtypeStruct((NW, nchunk, _KC), jnp.int32),
        ),
        scratch_types=[
            pltpu.VMEM((tpw,), jnp.int32),
            pltpu.VMEM((tpw,), jnp.int32),
            pltpu.VMEM((E16,), jnp.int32),
            pltpu.VMEM((nchunk, _KC), jnp.int32),
            pltpu.VMEM((tpw, D), jnp.float32),
            pltpu.SemaphoreType.DMA,
        ],
        compiler_params=pltpu.CompilerParams(needs_layout_passes=False),
    )
    def k(x_hbm, ids_hbm, rank_hbm, bw_hbm, xs_hbm, pos_hbm,
          ids_v, rank_v, bw_v, pos_v, rows_v, sem):
        wid = lax.axis_index("s") * 2 + lax.axis_index("c")
        base = wid * tpw
        pltpu.sync_copy(ids_hbm.at[pl.ds(base, tpw)], ids_v)
        pltpu.sync_copy(rank_hbm.at[pl.ds(base, tpw)], rank_v)
        pltpu.sync_copy(bw_hbm.at[wid], bw_v)
        pltpu.sync_copy(x_hbm.at[pl.ds(base, tpw)], rows_v)
        for g in range(tpw // 16):
            sublane = (g * 16) // TPL
            sl = pl.ds(g * 16, 16)
            idvec = ids_v[sl]
            rvec = rank_v[sl]
            bvec = plsc.load_gather(bw_v, [idvec + sublane * E])
            pos_v[g // (_KC // 16), pl.ds((g % (_KC // 16)) * 16, 16)] = (
                bvec + rvec
            )
        copies = [
            pltpu.async_copy(
                rows_v.at[pl.ds(j * _KC, _KC)],
                xs_hbm.at[pos_v.at[j]],
                sem,
            )
            for j in range(nchunk)
        ]
        for c in copies:
            c.wait()
        pltpu.sync_copy(pos_v, pos_hbm.at[wid])

    return k(x, ids, rank, bw_all)


def _sc_gather_out(out_s, pos3, B, NW):
    D = out_s.shape[1]
    nchunk = pos3.shape[1]
    tpw = nchunk * _KC

    @functools.partial(
        pl.kernel,
        mesh=_sc_mesh(),
        out_type=jax.ShapeDtypeStruct((B, D), jnp.float32),
        scratch_types=[
            pltpu.VMEM((nchunk, _KC), jnp.int32),
            pltpu.VMEM((tpw, D), jnp.float32),
            pltpu.SemaphoreType.DMA,
        ],
    )
    def k(src_hbm, pos_hbm, out_hbm, idx_v, rows_v, sem):
        wid = lax.axis_index("s") * 2 + lax.axis_index("c")
        base = wid * tpw
        pltpu.sync_copy(pos_hbm.at[wid], idx_v)
        copies = [
            pltpu.async_copy(
                src_hbm.at[idx_v.at[j]],
                rows_v.at[pl.ds(j * _KC, _KC)],
                sem,
            )
            for j in range(nchunk)
        ]
        for c in copies:
            c.wait()
        pltpu.sync_copy(rows_v, out_hbm.at[pl.ds(base, tpw)])

    return k(out_s, pos3)


def kernel(x, ids, W, b):
    B, D = x.shape
    E = W.shape[0]
    B_pad = B + _TT
    NW = 32
    ids32 = ids.astype(jnp.int32)

    hist, rank = _sc_hist_rank(ids32, E, NW)
    hsw = hist.reshape(NW * 16, E)
    colsum = hsw.sum(axis=0)
    off = jnp.concatenate(
        [jnp.zeros((1,), jnp.int32), jnp.cumsum(colsum, dtype=jnp.int32)]
    )
    basew = (
        off[:E][None, :]
        + jnp.cumsum(hsw, axis=0, dtype=jnp.int32)
        - hsw
    )
    bw_all = basew.reshape(NW, 16 * E)

    xs_pad, pos3 = _sc_scatter_x(x, ids32, rank, bw_all, B_pad, NW)
    out_s = _grouped_matmul(off, xs_pad, W, b)
    out = _sc_gather_out(out_s, pos3, B, NW)
    return out

# --- scband reference (transcript-rebuilt; emitter-appended) ---
"""Pipeline reference for scband-stacking-slicing-76106820485562 (READ-ONLY COPY).

The authoritative reference and input builder live on the scoring server;
editing this copy changes nothing except your own understanding.
"""

import jax, jax.numpy as jnp
import numpy as np

STACK_SIZE = 1024
D_IN = 128
D_OUT = 128
B = 16384


def setup_inputs(seed: int = 0) -> dict:
    key = jax.random.key(seed)
    k1, k2, k3, k4 = jax.random.split(key, 4)
    x = jax.random.normal(k1, (B, D_IN), dtype=jnp.float32)
    ids = jax.random.randint(k2, (B,), 0, STACK_SIZE, dtype=jnp.int64)
    # Learned stacked parameters of the StackingSlicing subclass
    # (a stacked linear: one [D_IN, D_OUT] weight and [D_OUT] bias per stack entry).
    W = jax.random.normal(k3, (STACK_SIZE, D_IN, D_OUT), dtype=jnp.float32) * (1.0 / np.sqrt(D_IN))
    b = jax.random.normal(k4, (STACK_SIZE, D_OUT), dtype=jnp.float32) * 0.01
    return {"x": x, "ids": ids, "W": W, "b": b}


def reference(x, ids, W, b):
    # StackingSlicing.__getitem__(ids): slice every sliceable stacked parameter
    # along the stack dimension (param[ids]), then apply the per-entry module.
    W_sliced = jnp.take(W, ids, axis=0)      # [B, D_IN, D_OUT] gather (memory-bound)
    b_sliced = jnp.take(b, ids, axis=0)      # [B, D_OUT]
    # Per-token linear using its selected stack entry.
    out = jnp.einsum('bi,bio->bo', x, W_sliced) + b_sliced
    return out

if __name__ == "__main__":
    import jax
    _d = setup_inputs()
    print(jax.jit(kernel)(*tuple(_d.values())))

</pallas_src>

<mosaic_0001>
#map = affine_map<(d0, d1) -> (0, 0)>
#map1 = affine_map<(d0, d1) -> (0, 0, 0)>
module attributes {stable_mosaic.version = 14 : i64} {
  func.func @k(%arg0: i32, %arg1: i32, %arg2: memref<16640x128xf32, #tpu.memory_space<hbm>>, %arg3: memref<32x4x128xi32, #tpu.memory_space<hbm>>, %arg4: memref<16384x128xf32, #tpu.memory_space<hbm>>, %arg5: memref<4x128xi32, #tpu.memory_space<vmem>>, %arg6: memref<512x128xf32, #tpu.memory_space<vmem>>, %arg7: memref<!tpu.dma_semaphore, #tpu.memory_space<semaphore_mem>>) attributes {dimension_semantics = [#tpu.dimension_semantics<core_parallel>, #tpu.dimension_semantics<subcore_parallel>], iteration_bounds = array<i64: 2, 16>, scalar_prefetch = 0 : i64, scratch_operands = 3 : i64, tpu.core_type = #tpu.core_type<sc_vector_subcore>, window_params = [{transform_indices = #map}, {transform_indices = #map1}, {transform_indices = #map}]} {
    %mul3A = arith.constant 2 : i32
    %mul3A_0 = arith.muli %arg1, %mul3A : i32
    %add3A = arith.addi %mul3A_0, %arg0 : i32
    %mul3A_1 = arith.constant 512 : i32
    %mul3A_2 = arith.muli %add3A, %mul3A_1 : i32
    "tpu.region"() ({
      %run_scoped3A = tpu.sem_alloc : memref<!tpu.dma_semaphore, #tpu.memory_space<semaphore_mem>>
      %dma_start3A_81 = arith.constant 0 : i32
      %dma_start3A_82 = arith.constant 0 : i32
      %dma_start3A_83 = tpu.memref_slice %arg3[%add3A, %dma_start3A_81, %dma_start3A_82] : memref<32x4x128xi32, #tpu.memory_space<hbm>> -> memref<1x4x128xi32, #tpu.memory_space<hbm>>
      %dma_start3A_84 = tpu.memref_squeeze %dma_start3A_83 : memref<1x4x128xi32, #tpu.memory_space<hbm>> -> memref<4x128xi32, #tpu.memory_space<hbm>>
      %dma_start3A_85 = arith.constant 0 : i32
      %dma_start3A_86 = arith.constant 0 : i32
      %dma_start3A_87 = tpu.memref_slice %arg3[%add3A, %dma_start3A_85, %dma_start3A_86] : memref<32x4x128xi32, #tpu.memory_space<hbm>> -> memref<1x4x128xi32, #tpu.memory_space<hbm>>
      %dma_start3A_88 = tpu.memref_squeeze %dma_start3A_87 : memref<1x4x128xi32, #tpu.memory_space<hbm>> -> memref<4x128xi32, #tpu.memory_space<hbm>>
      tpu.enqueue_dma source(%dma_start3A_88 : memref<4x128xi32, #tpu.memory_space<hbm>>) target(%arg5 : memref<4x128xi32, #tpu.memory_space<vmem>>) target_semaphore(%run_scoped3A : memref<!tpu.dma_semaphore, #tpu.memory_space<semaphore_mem>>)
      %dma_wait3A_89 = arith.constant 0 : i32
      %dma_wait3A_90 = arith.constant 0 : i32
      %dma_wait3A_91 = tpu.memref_slice %arg3[%add3A, %dma_wait3A_89, %dma_wait3A_90] : memref<32x4x128xi32, #tpu.memory_space<hbm>> -> memref<1x4x128xi32, #tpu.memory_space<hbm>>
      %dma_wait3A_92 = tpu.memref_squeeze %dma_wait3A_91 : memref<1x4x128xi32, #tpu.memory_space<hbm>> -> memref<4x128xi32, #tpu.memory_space<hbm>>
      %dma_wait3A_93 = arith.constant 0 : i32
      %dma_wait3A_94 = arith.constant 0 : i32
      %dma_wait3A_95 = tpu.memref_slice %arg3[%add3A, %dma_wait3A_93, %dma_wait3A_94] : memref<32x4x128xi32, #tpu.memory_space<hbm>> -> memref<1x4x128xi32, #tpu.memory_space<hbm>>
      %dma_wait3A_96 = tpu.memref_squeeze %dma_wait3A_95 : memref<1x4x128xi32, #tpu.memory_space<hbm>> -> memref<4x128xi32, #tpu.memory_space<hbm>>
      tpu.wait_dma2 semaphore(%run_scoped3A : memref<!tpu.dma_semaphore, #tpu.memory_space<semaphore_mem>>) src(%dma_wait3A_96 : memref<4x128xi32, #tpu.memory_space<hbm>>) dst(%arg5 : memref<4x128xi32, #tpu.memory_space<vmem>>)
      tpu.yield
    }) : () -> ()
    %dma_start3A = arith.constant 0 : i32
    %dma_start3A_3 = arith.constant 0 : i32
    %dma_start3A_4 = arith.constant 0 : i32
    %dma_start3A_5 = tpu.memref_slice %arg6[%dma_start3A_3, %dma_start3A_4] : memref<512x128xf32, #tpu.memory_space<vmem>> -> memref<128x128xf32, #tpu.memory_space<vmem>>
    %dma_start3A_6 = arith.constant 0 : i32
    %dma_start3A_7 = tpu.memref_slice %arg5[%dma_start3A, %dma_start3A_6] : memref<4x128xi32, #tpu.memory_space<vmem>> -> memref<1x128xi32, #tpu.memory_space<vmem>>
    %dma_start3A_8 = tpu.memref_squeeze %dma_start3A_7 : memref<1x128xi32, #tpu.memory_space<vmem>> -> memref<128xi32, #tpu.memory_space<vmem>>
    %dma_start3A_9 = arith.constant 0 : i32
    %dma_start3A_10 = arith.constant 0 : i32
    %dma_start3A_11 = tpu.memref_slice %arg2[%dma_start3A_9, %dma_start3A_10] : memref<16640x128xf32, #tpu.memory_space<hbm>> -> memref<16640x128xf32, #tpu.memory_space<hbm>>
    tpu.enqueue_indirect_dma source(%dma_start3A_11 : memref<16640x128xf32, #tpu.memory_space<hbm>>) target(%dma_start3A_5 : memref<128x128xf32, #tpu.memory_space<vmem>>) offsets(%dma_start3A_8 : memref<128xi32, #tpu.memory_space<vmem>>) semaphore(%arg7 : memref<!tpu.dma_semaphore, #tpu.memory_space<semaphore_mem>>)
    %dma_start3A_12 = arith.constant 1 : i32
    %dma_start3A_13 = arith.constant 128 : i32
    %dma_start3A_14 = arith.constant 0 : i32
    %dma_start3A_15 = tpu.memref_slice %arg6[%dma_start3A_13, %dma_start3A_14] : memref<512x128xf32, #tpu.memory_space<vmem>> -> memref<128x128xf32, #tpu.memory_space<vmem>>
    %dma_start3A_16 = arith.constant 0 : i32
    %dma_start3A_17 = tpu.memref_slice %arg5[%dma_start3A_12, %dma_start3A_16] : memref<4x128xi32, #tpu.memory_space<vmem>> -> memref<1x128xi32, #tpu.memory_space<vmem>>
    %dma_start3A_18 = tpu.memref_squeeze %dma_start3A_17 : memref<1x128xi32, #tpu.memory_space<vmem>> -> memref<128xi32, #tpu.memory_space<vmem>>
    %dma_start3A_19 = arith.constant 0 : i32
    %dma_start3A_20 = arith.constant 0 : i32
    %dma_start3A_21 = tpu.memref_slice %arg2[%dma_start3A_19, %dma_start3A_20] : memref<16640x128xf32, #tpu.memory_space<hbm>> -> memref<16640x128xf32, #tpu.memory_space<hbm>>
    tpu.enqueue_indirect_dma source(%dma_start3A_21 : memref<16640x128xf32, #tpu.memory_space<hbm>>) target(%dma_start3A_15 : memref<128x128xf32, #tpu.memory_space<vmem>>) offsets(%dma_start3A_18 : memref<128xi32, #tpu.memory_space<vmem>>) semaphore(%arg7 : memref<!tpu.dma_semaphore, #tpu.memory_space<semaphore_mem>>)
    %dma_start3A_22 = arith.constant 2 : i32
    %dma_start3A_23 = arith.constant 256 : i32
    %dma_start3A_24 = arith.constant 0 : i32
    %dma_start3A_25 = tpu.memref_slice %arg6[%dma_start3A_23, %dma_start3A_24] : memref<512x128xf32, #tpu.memory_space<vmem>> -> memref<128x128xf32, #tpu.memory_space<vmem>>
    %dma_start3A_26 = arith.constant 0 : i32
    %dma_start3A_27 = tpu.memref_slice %arg5[%dma_start3A_22, %dma_start3A_26] : memref<4x128xi32, #tpu.memory_space<vmem>> -> memref<1x128xi32, #tpu.memory_space<vmem>>
    %dma_start3A_28 = tpu.memref_squeeze %dma_start3A_27 : memref<1x128xi32, #tpu.memory_space<vmem>> -> memref<128xi32, #tpu.memory_space<vmem>>
    %dma_start3A_29 = arith.constant 0 : i32
    %dma_start3A_30 = arith.constant 0 : i32
    %dma_start3A_31 = tpu.memref_slice %arg2[%dma_start3A_29, %dma_start3A_30] : memref<16640x128xf32, #tpu.memory_space<hbm>> -> memref<16640x128xf32, #tpu.memory_space<hbm>>
    tpu.enqueue_indirect_dma source(%dma_start3A_31 : memref<16640x128xf32, #tpu.memory_space<hbm>>) target(%dma_start3A_25 : memref<128x128xf32, #tpu.memory_space<vmem>>) offsets(%dma_start3A_28 : memref<128xi32, #tpu.memory_space<vmem>>) semaphore(%arg7 : memref<!tpu.dma_semaphore, #tpu.memory_space<semaphore_mem>>)
    %dma_start3A_32 = arith.constant 3 : i32
    %dma_start3A_33 = arith.constant 384 : i32
    %dma_start3A_34 = arith.constant 0 : i32
    %dma_start3A_35 = tpu.memref_slice %arg6[%dma_start3A_33, %dma_start3A_34] : memref<512x128xf32, #tpu.memory_space<vmem>> -> memref<128x128xf32, #tpu.memory_space<vmem>>
    %dma_start3A_36 = arith.constant 0 : i32
    %dma_start3A_37 = tpu.memref_slice %arg5[%dma_start3A_32, %dma_start3A_36] : memref<4x128xi32, #tpu.memory_space<vmem>> -> memref<1x128xi32, #tpu.memory_space<vmem>>
    %dma_start3A_38 = tpu.memref_squeeze %dma_start3A_37 : memref<1x128xi32, #tpu.memory_space<vmem>> -> memref<128xi32, #tpu.memory_space<vmem>>
    %dma_start3A_39 = arith.constant 0 : i32
    %dma_start3A_40 = arith.constant 0 : i32
    %dma_start3A_41 = tpu.memref_slice %arg2[%dma_start3A_39, %dma_start3A_40] : memref<16640x128xf32, #tpu.memory_space<hbm>> -> memref<16640x128xf32, #tpu.memory_space<hbm>>
    tpu.enqueue_indirect_dma source(%dma_start3A_41 : memref<16640x128xf32, #tpu.memory_space<hbm>>) target(%dma_start3A_35 : memref<128x128xf32, #tpu.memory_space<vmem>>) offsets(%dma_start3A_38 : memref<128xi32, #tpu.memory_space<vmem>>) semaphore(%arg7 : memref<!tpu.dma_semaphore, #tpu.memory_space<semaphore_mem>>)
    %dma_wait3A = arith.constant 0 : i32
    %dma_wait3A_42 = arith.constant 0 : i32
    %dma_wait3A_43 = arith.constant 0 : i32
    %dma_wait3A_44 = tpu.memref_slice %arg6[%dma_wait3A_42, %dma_wait3A_43] : memref<512x128xf32, #tpu.memory_space<vmem>> -> memref<128x128xf32, #tpu.memory_space<vmem>>
    %dma_wait3A_45 = arith.constant 0 : i32
    %dma_wait3A_46 = tpu.memref_slice %arg5[%dma_wait3A, %dma_wait3A_45] : memref<4x128xi32, #tpu.memory_space<vmem>> -> memref<1x128xi32, #tpu.memory_space<vmem>>
    %dma_wait3A_47 = tpu.memref_squeeze %dma_wait3A_46 : memref<1x128xi32, #tpu.memory_space<vmem>> -> memref<128xi32, #tpu.memory_space<vmem>>
    %dma_wait3A_48 = arith.constant 0 : i32
    %dma_wait3A_49 = arith.constant 0 : i32
    %dma_wait3A_50 = tpu.memref_slice %arg2[%dma_wait3A_48, %dma_wait3A_49] : memref<16640x128xf32, #tpu.memory_space<hbm>> -> memref<16640x128xf32, #tpu.memory_space<hbm>>
    tpu.wait_indirect_dma semaphore(%arg7 : memref<!tpu.dma_semaphore, #tpu.memory_space<semaphore_mem>>) src(%dma_wait3A_50 : memref<16640x128xf32, #tpu.memory_space<hbm>>) dst(%dma_wait3A_44 : memref<128x128xf32, #tpu.memory_space<vmem>>)
    %dma_wait3A_51 = arith.constant 1 : i32
    %dma_wait3A_52 = arith.constant 128 : i32
    %dma_wait3A_53 = arith.constant 0 : i32
    %dma_wait3A_54 = tpu.memref_slice %arg6[%dma_wait3A_52, %dma_wait3A_53] : memref<512x128xf32, #tpu.memory_space<vmem>> -> memref<128x128xf32, #tpu.memory_space<vmem>>
    %dma_wait3A_55 = arith.constant 0 : i32
    %dma_wait3A_56 = tpu.memref_slice %arg5[%dma_wait3A_51, %dma_wait3A_55] : memref<4x128xi32, #tpu.memory_space<vmem>> -> memref<1x128xi32, #tpu.memory_space<vmem>>
    %dma_wait3A_57 = tpu.memref_squeeze %dma_wait3A_56 : memref<1x128xi32, #tpu.memory_space<vmem>> -> memref<128xi32, #tpu.memory_space<vmem>>
    %dma_wait3A_58 = arith.constant 0 : i32
    %dma_wait3A_59 = arith.constant 0 : i32
    %dma_wait3A_60 = tpu.memref_slice %arg2[%dma_wait3A_58, %dma_wait3A_59] : memref<16640x128xf32, #tpu.memory_space<hbm>> -> memref<16640x128xf32, #tpu.memory_space<hbm>>
    tpu.wait_indirect_dma semaphore(%arg7 : memref<!tpu.dma_semaphore, #tpu.memory_space<semaphore_mem>>) src(%dma_wait3A_60 : memref<16640x128xf32, #tpu.memory_space<hbm>>) dst(%dma_wait3A_54 : memref<128x128xf32, #tpu.memory_space<vmem>>)
    %dma_wait3A_61 = arith.constant 2 : i32
    %dma_wait3A_62 = arith.constant 256 : i32
    %dma_wait3A_63 = arith.constant 0 : i32
    %dma_wait3A_64 = tpu.memref_slice %arg6[%dma_wait3A_62, %dma_wait3A_63] : memref<512x128xf32, #tpu.memory_space<vmem>> -> memref<128x128xf32, #tpu.memory_space<vmem>>
    %dma_wait3A_65 = arith.constant 0 : i32
    %dma_wait3A_66 = tpu.memref_slice %arg5[%dma_wait3A_61, %dma_wait3A_65] : memref<4x128xi32, #tpu.memory_space<vmem>> -> memref<1x128xi32, #tpu.memory_space<vmem>>
    %dma_wait3A_67 = tpu.memref_squeeze %dma_wait3A_66 : memref<1x128xi32, #tpu.memory_space<vmem>> -> memref<128xi32, #tpu.memory_space<vmem>>
    %dma_wait3A_68 = arith.constant 0 : i32
    %dma_wait3A_69 = arith.constant 0 : i32
    %dma_wait3A_70 = tpu.memref_slice %arg2[%dma_wait3A_68, %dma_wait3A_69] : memref<16640x128xf32, #tpu.memory_space<hbm>> -> memref<16640x128xf32, #tpu.memory_space<hbm>>
    tpu.wait_indirect_dma semaphore(%arg7 : memref<!tpu.dma_semaphore, #tpu.memory_space<semaphore_mem>>) src(%dma_wait3A_70 : memref<16640x128xf32, #tpu.memory_space<hbm>>) dst(%dma_wait3A_64 : memref<128x128xf32, #tpu.memory_space<vmem>>)
    %dma_wait3A_71 = arith.constant 3 : i32
    %dma_wait3A_72 = arith.constant 384 : i32
    %dma_wait3A_73 = arith.constant 0 : i32
    %dma_wait3A_74 = tpu.memref_slice %arg6[%dma_wait3A_72, %dma_wait3A_73] : memref<512x128xf32, #tpu.memory_space<vmem>> -> memref<128x128xf32, #tpu.memory_space<vmem>>
    %dma_wait3A_75 = arith.constant 0 : i32
    %dma_wait3A_76 = tpu.memref_slice %arg5[%dma_wait3A_71, %dma_wait3A_75] : memref<4x128xi32, #tpu.memory_space<vmem>> -> memref<1x128xi32, #tpu.memory_space<vmem>>
    %dma_wait3A_77 = tpu.memref_squeeze %dma_wait3A_76 : memref<1x128xi32, #tpu.memory_space<vmem>> -> memref<128xi32, #tpu.memory_space<vmem>>
    %dma_wait3A_78 = arith.constant 0 : i32
    %dma_wait3A_79 = arith.constant 0 : i32
    %dma_wait3A_80 = tpu.memref_slice %arg2[%dma_wait3A_78, %dma_wait3A_79] : memref<16640x128xf32, #tpu.memory_space<hbm>> -> memref<16640x128xf32, #tpu.memory_space<hbm>>
    tpu.wait_indirect_dma semaphore(%arg7 : memref<!tpu.dma_semaphore, #tpu.memory_space<semaphore_mem>>) src(%dma_wait3A_80 : memref<16640x128xf32, #tpu.memory_space<hbm>>) dst(%dma_wait3A_74 : memref<128x128xf32, #tpu.memory_space<vmem>>)
    "tpu.region"() ({
      %run_scoped3A = tpu.sem_alloc : memref<!tpu.dma_semaphore, #tpu.memory_space<semaphore_mem>>
      %dma_start3A_81 = arith.constant 0 : i32
      %dma_start3A_82 = tpu.memref_slice %arg4[%mul3A_2, %dma_start3A_81] : memref<16384x128xf32, #tpu.memory_space<hbm>> -> memref<512x128xf32, #tpu.memory_space<hbm>>
      %dma_start3A_83 = arith.constant 0 : i32
      %dma_start3A_84 = tpu.memref_slice %arg4[%mul3A_2, %dma_start3A_83] : memref<16384x128xf32, #tpu.memory_space<hbm>> -> memref<512x128xf32, #tpu.memory_space<hbm>>
      tpu.enqueue_dma source(%arg6 : memref<512x128xf32, #tpu.memory_space<vmem>>) target(%dma_start3A_84 : memref<512x128xf32, #tpu.memory_space<hbm>>) target_semaphore(%run_scoped3A : memref<!tpu.dma_semaphore, #tpu.memory_space<semaphore_mem>>)
      %dma_wait3A_85 = arith.constant 0 : i32
      %dma_wait3A_86 = tpu.memref_slice %arg4[%mul3A_2, %dma_wait3A_85] : memref<16384x128xf32, #tpu.memory_space<hbm>> -> memref<512x128xf32, #tpu.memory_space<hbm>>
      %dma_wait3A_87 = arith.constant 0 : i32
      %dma_wait3A_88 = tpu.memref_slice %arg4[%mul3A_2, %dma_wait3A_87] : memref<16384x128xf32, #tpu.memory_space<hbm>> -> memref<512x128xf32, #tpu.memory_space<hbm>>
      tpu.wait_dma2 semaphore(%run_scoped3A : memref<!tpu.dma_semaphore, #tpu.memory_space<semaphore_mem>>) src(%arg6 : memref<512x128xf32, #tpu.memory_space<vmem>>) dst(%dma_wait3A_88 : memref<512x128xf32, #tpu.memory_space<hbm>>)
      tpu.yield
    }) : () -> ()
    return
  }
}

#map = affine_map<(d0, d1) -> (0, 0)>
#map1 = affine_map<(d0, d1) -> (0)>
#map2 = affine_map<(d0, d1) -> (0, 0, 0)>
module attributes {stable_mosaic.version = 14 : i64} {
  func.func @k(%arg0: i32, %arg1: i32, %arg2: memref<16384x128xf32, #tpu.memory_space<hbm>>, %arg3: memref<16384xi32, #tpu.memory_space<hbm>>, %arg4: memref<16384xi32, #tpu.memory_space<hbm>>, %arg5: memref<32x16384xi32, #tpu.memory_space<hbm>>, %arg6: memref<16640x128xf32, #tpu.memory_space<hbm>>, %arg7: memref<32x4x128xi32, #tpu.memory_space<hbm>>, %arg8: memref<512xi32, #tpu.memory_space<vmem>>, %arg9: memref<512xi32, #tpu.memory_space<vmem>>, %arg10: memref<16384xi32, #tpu.memory_space<vmem>>, %arg11: memref<4x128xi32, #tpu.memory_space<vmem>>, %arg12: memref<512x128xf32, #tpu.memory_space<vmem>>, %arg13: memref<!tpu.dma_semaphore, #tpu.memory_space<semaphore_mem>>) attributes {dimension_semantics = [#tpu.dimension_semantics<core_parallel>, #tpu.dimension_semantics<subcore_parallel>], iteration_bounds = array<i64: 2, 16>, scalar_prefetch = 0 : i64, scratch_operands = 6 : i64, tpu.core_type = #tpu.core_type<sc_vector_subcore>, window_params = [{transform_indices = #map}, {transform_indices = #map1}, {transform_indices = #map1}, {transform_indices = #map}, {transform_indices = #map}, {transform_indices = #map2}]} {
    %mul3A = arith.constant 2 : i32
    %mul3A_0 = arith.muli %arg1, %mul3A : i32
    %add3A = arith.addi %mul3A_0, %arg0 : i32
    %mul3A_1 = arith.constant 512 : i32
    %mul3A_2 = arith.muli %add3A, %mul3A_1 : i32
    "tpu.region"() ({
      %run_scoped3A = tpu.sem_alloc : memref<!tpu.dma_semaphore, #tpu.memory_space<semaphore_mem>>
      %dma_start3A_494 = tpu.memref_slice %arg3[%mul3A_2] : memref<16384xi32, #tpu.memory_space<hbm>> -> memref<512xi32, #tpu.memory_space<hbm>>
      %dma_start3A_495 = tpu.memref_slice %arg3[%mul3A_2] : memref<16384xi32, #tpu.memory_space<hbm>> -> memref<512xi32, #tpu.memory_space<hbm>>
      tpu.enqueue_dma source(%dma_start3A_495 : memref<512xi32, #tpu.memory_space<hbm>>) target(%arg8 : memref<512xi32, #tpu.memory_space<vmem>>) target_semaphore(%run_scoped3A : memref<!tpu.dma_semaphore, #tpu.memory_space<semaphore_mem>>)
      %dma_wait3A_496 = tpu.memref_slice %arg3[%mul3A_2] : memref<16384xi32, #tpu.memory_space<hbm>> -> memref<512xi32, #tpu.memory_space<hbm>>
      %dma_wait3A_497 = tpu.memref_slice %arg3[%mul3A_2] : memref<16384xi32, #tpu.memory_space<hbm>> -> memref<512xi32, #tpu.memory_space<hbm>>
      tpu.wait_dma2 semaphore(%run_scoped3A : memref<!tpu.dma_semaphore, #tpu.memory_space<semaphore_mem>>) src(%dma_wait3A_497 : memref<512xi32, #tpu.memory_space<hbm>>) dst(%arg8 : memref<512xi32, #tpu.memory_space<vmem>>)
      tpu.yield
    }) : () -> ()
    "tpu.region"() ({
      %run_scoped3A = tpu.sem_alloc : memref<!tpu.dma_semaphore, #tpu.memory_space<semaphore_mem>>
      %dma_start3A_494 = tpu.memref_slice %arg4[%mul3A_2] : memref<16384xi32, #tpu.memory_space<hbm>> -> memref<512xi32, #tpu.memory_space<hbm>>
      %dma_start3A_495 = tpu.memref_slice %arg4[%mul3A_2] : memref<16384xi32, #tpu.memory_space<hbm>> -> memref<512xi32, #tpu.memory_space<hbm>>
      tpu.enqueue_dma source(%dma_start3A_495 : memref<512xi32, #tpu.memory_space<hbm>>) target(%arg9 : memref<512xi32, #tpu.memory_space<vmem>>) target_semaphore(%run_scoped3A : memref<!tpu.dma_semaphore, #tpu.memory_space<semaphore_mem>>)
      %dma_wait3A_496 = tpu.memref_slice %arg4[%mul3A_2] : memref<16384xi32, #tpu.memory_space<hbm>> -> memref<512xi32, #tpu.memory_space<hbm>>
      %dma_wait3A_497 = tpu.memref_slice %arg4[%mul3A_2] : memref<16384xi32, #tpu.memory_space<hbm>> -> memref<512xi32, #tpu.memory_space<hbm>>
      tpu.wait_dma2 semaphore(%run_scoped3A : memref<!tpu.dma_semaphore, #tpu.memory_space<semaphore_mem>>) src(%dma_wait3A_497 : memref<512xi32, #tpu.memory_space<hbm>>) dst(%arg9 : memref<512xi32, #tpu.memory_space<vmem>>)
      tpu.yield
    }) : () -> ()
    "tpu.region"() ({
      %run_scoped3A = tpu.sem_alloc : memref<!tpu.dma_semaphore, #tpu.memory_space<semaphore_mem>>
      %dma_start3A_494 = arith.constant 0 : i32
      %dma_start3A_495 = tpu.memref_slice %arg5[%add3A, %dma_start3A_494] : memref<32x16384xi32, #tpu.memory_space<hbm>> -> memref<1x16384xi32, #tpu.memory_space<hbm>>
      %dma_start3A_496 = tpu.memref_squeeze %dma_start3A_495 : memref<1x16384xi32, #tpu.memory_space<hbm>> -> memref<16384xi32, #tpu.memory_space<hbm>>
      %dma_start3A_497 = arith.constant 0 : i32
      %dma_start3A_498 = tpu.memref_slice %arg5[%add3A, %dma_start3A_497] : memref<32x16384xi32, #tpu.memory_space<hbm>> -> memref<1x16384xi32, #tpu.memory_space<hbm>>
      %dma_start3A_499 = tpu.memref_squeeze %dma_start3A_498 : memref<1x16384xi32, #tpu.memory_space<hbm>> -> memref<16384xi32, #tpu.memory_space<hbm>>
      tpu.enqueue_dma source(%dma_start3A_499 : memref<16384xi32, #tpu.memory_space<hbm>>) target(%arg10 : memref<16384xi32, #tpu.memory_space<vmem>>) target_semaphore(%run_scoped3A : memref<!tpu.dma_semaphore, #tpu.memory_space<semaphore_mem>>)
      %dma_wait3A_500 = arith.constant 0 : i32
      %dma_wait3A_501 = tpu.memref_slice %arg5[%add3A, %dma_wait3A_500] : memref<32x16384xi32, #tpu.memory_space<hbm>> -> memref<1x16384xi32, #tpu.memory_space<hbm>>
      %dma_wait3A_502 = tpu.memref_squeeze %dma_wait3A_501 : memref<1x16384xi32, #tpu.memory_space<hbm>> -> memref<16384xi32, #tpu.memory_space<hbm>>
      %dma_wait3A_503 = arith.constant 0 : i32
      %dma_wait3A_504 = tpu.memref_slice %arg5[%add3A, %dma_wait3A_503] : memref<32x16384xi32, #tpu.memory_space<hbm>> -> memref<1x16384xi32, #tpu.memory_space<hbm>>
      %dma_wait3A_505 = tpu.memref_squeeze %dma_wait3A_504 : memref<1x16384xi32, #tpu.memory_space<hbm>> -> memref<16384xi32, #tpu.memory_space<hbm>>
      tpu.wait_dma2 semaphore(%run_scoped3A : memref<!tpu.dma_semaphore, #tpu.memory_space<semaphore_mem>>) src(%dma_wait3A_505 : memref<16384xi32, #tpu.memory_space<hbm>>) dst(%arg10 : memref<16384xi32, #tpu.memory_space<vmem>>)
      tpu.yield
    }) : () -> ()
    "tpu.region"() ({
      %run_scoped3A = tpu.sem_alloc : memref<!tpu.dma_semaphore, #tpu.memory_space<semaphore_mem>>
      %dma_start3A_494 = arith.constant 0 : i32
      %dma_start3A_495 = tpu.memref_slice %arg2[%mul3A_2, %dma_start3A_494] : memref<16384x128xf32, #tpu.memory_space<hbm>> -> memref<512x128xf32, #tpu.memory_space<hbm>>
      %dma_start3A_496 = arith.constant 0 : i32
      %dma_start3A_497 = tpu.memref_slice %arg2[%mul3A_2, %dma_start3A_496] : memref<16384x128xf32, #tpu.memory_space<hbm>> -> memref<512x128xf32, #tpu.memory_space<hbm>>
      tpu.enqueue_dma source(%dma_start3A_497 : memref<512x128xf32, #tpu.memory_space<hbm>>) target(%arg12 : memref<512x128xf32, #tpu.memory_space<vmem>>) target_semaphore(%run_scoped3A : memref<!tpu.dma_semaphore, #tpu.memory_space<semaphore_mem>>)
      %dma_wait3A_498 = arith.constant 0 : i32
      %dma_wait3A_499 = tpu.memref_slice %arg2[%mul3A_2, %dma_wait3A_498] : memref<16384x128xf32, #tpu.memory_space<hbm>> -> memref<512x128xf32, #tpu.memory_space<hbm>>
      %dma_wait3A_500 = arith.constant 0 : i32
      %dma_wait3A_501 = tpu.memref_slice %arg2[%mul3A_2, %dma_wait3A_500] : memref<16384x128xf32, #tpu.memory_space<hbm>> -> memref<512x128xf32, #tpu.memory_space<hbm>>
      tpu.wait_dma2 semaphore(%run_scoped3A : memref<!tpu.dma_semaphore, #tpu.memory_space<semaphore_mem>>) src(%dma_wait3A_501 : memref<512x128xf32, #tpu.memory_space<hbm>>) dst(%arg12 : memref<512x128xf32, #tpu.memory_space<vmem>>)
      tpu.yield
    }) : () -> ()
    %get3A = arith.constant 0 : index
    %get3A_3 = tpu.vector_load %arg8[%get3A] {strides = array<i32>} : memref<512xi32, #tpu.memory_space<vmem>>, vector<16xi32>,
    %get3A_4 = arith.constant 0 : index
    %get3A_5 = tpu.vector_load %arg9[%get3A_4] {strides = array<i32>} : memref<512xi32, #tpu.memory_space<vmem>>, vector<16xi32>,
    %add3A_6 = arith.constant 0 : i32
    %add3A_7 = vector.broadcast %add3A_6 : i32 to vector<16xi32>
    %add3A_8 = arith.addi %get3A_3, %add3A_7 : vector<16xi32>
    %gather3A = tpu.vector_load_idx %arg10[%add3A_8] : memref<16384xi32, #tpu.memory_space<vmem>>[vector<16xi32>], vector<16xi32>,
    %add3A_9 = arith.addi %gather3A, %get3A_5 : vector<16xi32>
    %swap3A = arith.constant 0 : i32
    %swap3A_10 = arith.index_cast %swap3A : i32 to index
    %swap3A_11 = arith.constant 0 : index
    %swap3A_12 = tpu.vector_load %arg11[%swap3A_10, %swap3A_11] {strides = array<i32>} : memref<4x128xi32, #tpu.memory_space<vmem>>, vector<16xi32>,
    tpu.vector_store %arg11[%swap3A_10, %swap3A_11], %add3A_9 {strides = array<i32>} : memref<4x128xi32, #tpu.memory_space<vmem>>, vector<16xi32>,
    %get3A_13 = arith.constant 16 : index
    %get3A_14 = tpu.vector_load %arg8[%get3A_13] {strides = array<i32>} : memref<512xi32, #tpu.memory_space<vmem>>, vector<16xi32>,
    %get3A_15 = arith.constant 16 : index
    %get3A_16 = tpu.vector_load %arg9[%get3A_15] {strides = array<i32>} : memref<512xi32, #tpu.memory_space<vmem>>, vector<16xi32>,
    %add3A_17 = arith.constant 0 : i32
    %add3A_18 = vector.broadcast %add3A_17 : i32 to vector<16xi32>
    %add3A_19 = arith.addi %get3A_14, %add3A_18 : vector<16xi32>
    %gather3A_20 = tpu.vector_load_idx %arg10[%add3A_19] : memref<16384xi32, #tpu.memory_space<vmem>>[vector<16xi32>], vector<16xi32>,
    %add3A_21 = arith.addi %gather3A_20, %get3A_16 : vector<16xi32>
    %swap3A_22 = arith.constant 0 : i32
    %swap3A_23 = arith.index_cast %swap3A_22 : i32 to index
    %swap3A_24 = arith.constant 16 : index
    %swap3A_25 = tpu.vector_load %arg11[%swap3A_23, %swap3A_24] {strides = array<i32>} : memref<4x128xi32, #tpu.memory_space<vmem>>, vector<16xi32>,
    tpu.vector_store %arg11[%swap3A_23, %swap3A_24], %add3A_21 {strides = array<i32>} : memref<4x128xi32, #tpu.memory_space<vmem>>, vector<16xi32>,
    %get3A_26 = arith.constant 32 : index
    %get3A_27 = tpu.vector_load %arg8[%get3A_26] {strides = array<i32>} : memref<512xi32, #tpu.memory_space<vmem>>, vector<16xi32>,
    %get3A_28 = arith.constant 32 : index
    %get3A_29 = tpu.vector_load %arg9[%get3A_28] {strides = array<i32>} : memref<512xi32, #tpu.memory_space<vmem>>, vector<16xi32>,
    %add3A_30 = arith.constant 1024 : i32
    %add3A_31 = vector.broadcast %add3A_30 : i32 to vector<16xi32>
    %add3A_32 = arith.addi %get3A_27, %add3A_31 : vector<16xi32>
    %gather3A_33 = tpu.vector_load_idx %arg10[%add3A_32] : memref<16384xi32, #tpu.memory_space<vmem>>[vector<16xi32>], vector<16xi32>,
    %add3A_34 = arith.addi %gather3A_33, %get3A_29 : vector<16xi32>
    %swap3A_35 = arith.constant 0 : i32
    %swap3A_36 = arith.index_cast %swap3A_35 : i32 to index
    %swap3A_37 = arith.constant 32 : index
    %swap3A_38 = tpu.vector_load %arg11[%swap3A_36, %swap3A_37] {strides = array<i32>} : memref<4x128xi32, #tpu.memory_space<vmem>>, vector<16xi32>,
    tpu.vector_store %arg11[%swap3A_36, %swap3A_37], %add3A_34 {strides = array<i32>} : memref<4x128xi32, #tpu.memory_space<vmem>>, vector<16xi32>,
    %get3A_39 = arith.constant 48 : index
    %get3A_40 = tpu.vector_load %arg8[%get3A_39] {strides = array<i32>} : memref<512xi32, #tpu.memory_space<vmem>>, vector<16xi32>,
    %get3A_41 = arith.constant 48 : index
    %get3A_42 = tpu.vector_load %arg9[%get3A_41] {strides = array<i32>} : memref<512xi32, #tpu.memory_space<vmem>>, vector<16xi32>,
    %add3A_43 = arith.constant 1024 : i32
    %add3A_44 = vector.broadcast %add3A_43 : i32 to vector<16xi32>
    %add3A_45 = arith.addi %get3A_40, %add3A_44 : vector<16xi32>
    %gather3A_46 = tpu.vector_load_idx %arg10[%add3A_45] : memref<16384xi32, #tpu.memory_space<vmem>>[vector<16xi32>], vector<16xi32>,
    %add3A_47 = arith.addi %gather3A_46, %get3A_42 : vector<16xi32>
    %swap3A_48 = arith.constant 0 : i32
    %swap3A_49 = arith.index_cast %swap3A_48 : i32 to index
    %swap3A_50 = arith.constant 48 : index
    %swap3A_51 = tpu.vector_load %arg11[%swap3A_49, %swap3A_50] {strides = array<i32>} : memref<4x128xi32, #tpu.memory_space<vmem>>, vector<16xi32>,
    tpu.vector_store %arg11[%swap3A_49, %swap3A_50], %add3A_47 {strides = array<i32>} : memref<4x128xi32, #tpu.memory_space<vmem>>, vector<16xi32>,
    %get3A_52 = arith.constant 64 : index
    %get3A_53 = tpu.vector_load %arg8[%get3A_52] {strides = array<i32>} : memref<512xi32, #tpu.memory_space<vmem>>, vector<16xi32>,
    %get3A_54 = arith.constant 64 : index
    %get3A_55 = tpu.vector_load %arg9[%get3A_54] {strides = array<i32>} : memref<512xi32, #tpu.memory_space<vmem>>, vector<16xi32>,
    %add3A_56 = arith.constant 2048 : i32
    %add3A_57 = vector.broadcast %add3A_56 : i32 to vector<16xi32>
    %add3A_58 = arith.addi %get3A_53, %add3A_57 : vector<16xi32>
    %gather3A_59 = tpu.vector_load_idx %arg10[%add3A_58] : memref<16384xi32, #tpu.memory_space<vmem>>[vector<16xi32>], vector<16xi32>,
    %add3A_60 = arith.addi %gather3A_59, %get3A_55 : vector<16xi32>
    %swap3A_61 = arith.constant 0 : i32
    %swap3A_62 = arith.index_cast %swap3A_61 : i32 to index
    %swap3A_63 = arith.constant 64 : index
    %swap3A_64 = tpu.vector_load %arg11[%swap3A_62, %swap3A_63] {strides = array<i32>} : memref<4x128xi32, #tpu.memory_space<vmem>>, vector<16xi32>,
    tpu.vector_store %arg11[%swap3A_62, %swap3A_63], %add3A_60 {strides = array<i32>} : memref<4x128xi32, #tpu.memory_space<vmem>>, vector<16xi32>,
    %get3A_65 = arith.constant 80 : index
    %get3A_66 = tpu.vector_load %arg8[%get3A_65] {strides = array<i32>} : memref<512xi32, #tpu.memory_space<vmem>>, vector<16xi32>,
    %get3A_67 = arith.constant 80 : index
    %get3A_68 = tpu.vector_load %arg9[%get3A_67] {strides = array<i32>} : memref<512xi32, #tpu.memory_space<vmem>>, vector<16xi32>,
    %add3A_69 = arith.constant 2048 : i32
    %add3A_70 = vector.broadcast %add3A_69 : i32 to vector<16xi32>
    %add3A_71 = arith.addi %get3A_66, %add3A_70 : vector<16xi32>
    %gather3A_72 = tpu.vector_load_idx %arg10[%add3A_71] : memref<16384xi32, #tpu.memory_space<vmem>>[vector<16xi32>], vector<16xi32>,
    %add3A_73 = arith.addi %gather3A_72, %get3A_68 : vector<16xi32>
    %swap3A_74 = arith.constant 0 : i32
    %swap3A_75 = arith.index_cast %swap3A_74 : i32 to index
    %swap3A_76 = arith.constant 80 : index
    %swap3A_77 = tpu.vector_load %arg11[%swap3A_75, %swap3A_76] {strides = array<i32>} : memref<4x128xi32, #tpu.memory_space<vmem>>, vector<16xi32>,
    tpu.vector_store %arg11[%swap3A_75, %swap3A_76], %add3A_73 {strides = array<i32>} : memref<4x128xi32, #tpu.memory_space<vmem>>, vector<16xi32>,
    %get3A_78 = arith.constant 96 : index
    %get3A_79 = tpu.vector_load %arg8[%get3A_78] {strides = array<i32>} : memref<512xi32, #tpu.memory_space<vmem>>, vector<16xi32>,
    %get3A_80 = arith.constant 96 : index
    %get3A_81 = tpu.vector_load %arg9[%get3A_80] {strides = array<i32>} : memref<512xi32, #tpu.memory_space<vmem>>, vector<16xi32>,
    %add3A_82 = arith.constant 3072 : i32
    %add3A_83 = vector.broadcast %add3A_82 : i32 to vector<16xi32>
    %add3A_84 = arith.addi %get3A_79, %add3A_83 : vector<16xi32>
    %gather3A_85 = tpu.vector_load_idx %arg10[%add3A_84] : memref<16384xi32, #tpu.memory_space<vmem>>[vector<16xi32>], vector<16xi32>,
    %add3A_86 = arith.addi %gather3A_85, %get3A_81 : vector<16xi32>
    %swap3A_87 = arith.constant 0 : i32
    %swap3A_88 = arith.index_cast %swap3A_87 : i32 to index
    %swap3A_89 = arith.constant 96 : index
    %swap3A_90 = tpu.vector_load %arg11[%swap3A_88, %swap3A_89] {strides = array<i32>} : memref<4x128xi32, #tpu.memory_space<vmem>>, vector<16xi32>,
    tpu.vector_store %arg11[%swap3A_88, %swap3A_89], %add3A_86 {strides = array<i32>} : memref<4x128xi32, #tpu.memory_space<vmem>>, vector<16xi32>,
    %get3A_91 = arith.constant 112 : index
    %get3A_92 = tpu.vector_load %arg8[%get3A_91] {strides = array<i32>} : memref<512xi32, #tpu.memory_space<vmem>>, vector<16xi32>,
    %get3A_93 = arith.constant 112 : index
    %get3A_94 = tpu.vector_load %arg9[%get3A_93] {strides = array<i32>} : memref<512xi32, #tpu.memory_space<vmem>>, vector<16xi32>,
    %add3A_95 = arith.constant 3072 : i32
    %add3A_96 = vector.broadcast %add3A_95 : i32 to vector<16xi32>
    %add3A_97 = arith.addi %get3A_92, %add3A_96 : vector<16xi32>
    %gather3A_98 = tpu.vector_load_idx %arg10[%add3A_97] : memref<16384xi32, #tpu.memory_space<vmem>>[vector<16xi32>], vector<16xi32>,
    %add3A_99 = arith.addi %gather3A_98, %get3A_94 : vector<16xi32>
    %swap3A_100 = arith.constant 0 : i32
    %swap3A_101 = arith.index_cast %swap3A_100 : i32 to index
    %swap3A_102 = arith.constant 112 : index
    %swap3A_103 = tpu.vector_load %arg11[%swap3A_101, %swap3A_102] {strides = array<i32>} : memref<4x128xi32, #tpu.memory_space<vmem>>, vector<16xi32>,
    tpu.vector_store %arg11[%swap3A_101, %swap3A_102], %add3A_99 {strides = array<i32>} : memref<4x128xi32, #tpu.memory_space<vmem>>, vector<16xi32>,
    %get3A_104 = arith.constant 128 : index
    %get3A_105 = tpu.vector_load %arg8[%get3A_104] {strides = array<i32>} : memref<512xi32, #tpu.memory_space<vmem>>, vector<16xi32>,
    %get3A_106 = arith.constant 128 : index
    %get3A_107 = tpu.vector_load %arg9[%get3A_106] {strides = array<i32>} : memref<512xi32, #tpu.memory_space<vmem>>, vector<16xi32>,
    %add3A_108 = arith.constant 4096 : i32
    %add3A_109 = vector.broadcast %add3A_108 : i32 to vector<16xi32>
    %add3A_110 = arith.addi %get3A_105, %add3A_109 : vector<16xi32>
    %gather3A_111 = tpu.vector_load_idx %arg10[%add3A_110] : memref<16384xi32, #tpu.memory_space<vmem>>[vector<16xi32>], vector<16xi32>,
    %add3A_112 = arith.addi %gather3A_111, %get3A_107 : vector<16xi32>
    %swap3A_113 = arith.constant 1 : i32
    %swap3A_114 = arith.index_cast %swap3A_113 : i32 to index
    %swap3A_115 = arith.constant 0 : index
    %swap3A_116 = tpu.vector_load %arg11[%swap3A_114, %swap3A_115] {strides = array<i32>} : memref<4x128xi32, #tpu.memory_space<vmem>>, vector<16xi32>,
    tpu.vector_store %arg11[%swap3A_114, %swap3A_115], %add3A_112 {strides = array<i32>} : memref<4x128xi32, #tpu.memory_space<vmem>>, vector<16xi32>,
    %get3A_117 = arith.constant 144 : index
    %get3A_118 = tpu.vector_load %arg8[%get3A_117] {strides = array<i32>} : memref<512xi32, #tpu.memory_space<vmem>>, vector<16xi32>,
    %get3A_119 = arith.constant 144 : index
    %get3A_120 = tpu.vector_load %arg9[%get3A_119] {strides = array<i32>} : memref<512xi32, #tpu.memory_space<vmem>>, vector<16xi32>,
    %add3A_121 = arith.constant 4096 : i32
    %add3A_122 = vector.broadcast %add3A_121 : i32 to vector<16xi32>
    %add3A_123 = arith.addi %get3A_118, %add3A_122 : vector<16xi32>
    %gather3A_124 = tpu.vector_load_idx %arg10[%add3A_123] : memref<16384xi32, #tpu.memory_space<vmem>>[vector<16xi32>], vector<16xi32>,
    %add3A_125 = arith.addi %gather3A_124, %get3A_120 : vector<16xi32>
    %swap3A_126 = arith.constant 1 : i32
    %swap3A_127 = arith.index_cast %swap3A_126 : i32 to index
    %swap3A_128 = arith.constant 16 : index
    %swap3A_129 = tpu.vector_load %arg11[%swap3A_127, %swap3A_128] {strides = array<i32>} : memref<4x128xi32, #tpu.memory_space<vmem>>, vector<16xi32>,
    tpu.vector_store %arg11[%swap3A_127, %swap3A_128], %add3A_125 {strides = array<i32>} : memref<4x128xi32, #tpu.memory_space<vmem>>, vector<16xi32>,
    %get3A_130 = arith.constant 160 : index
    %get3A_131 = tpu.vector_load %arg8[%get3A_130] {strides = array<i32>} : memref<512xi32, #tpu.memory_space<vmem>>, vector<16xi32>,
    %get3A_132 = arith.constant 160 : index
    %get3A_133 = tpu.vector_load %arg9[%get3A_132] {strides = array<i32>} : memref<512xi32, #tpu.memory_space<vmem>>, vector<16xi32>,
    %add3A_134 = arith.constant 5120 : i32
    %add3A_135 = vector.broadcast %add3A_134 : i32 to vector<16xi32>
    %add3A_136 = arith.addi %get3A_131, %add3A_135 : vector<16xi32>
    %gather3A_137 = tpu.vector_load_idx %arg10[%add3A_136] : memref<16384xi32, #tpu.memory_space<vmem>>[vector<16xi32>], vector<16xi32>,
    %add3A_138 = arith.addi %gather3A_137, %get3A_133 : vector<16xi32>
    %swap3A_139 = arith.constant 1 : i32
    %swap3A_140 = arith.index_cast %swap3A_139 : i32 to index
    %swap3A_141 = arith.constant 32 : index
    %swap3A_142 = tpu.vector_load %arg11[%swap3A_140, %swap3A_141] {strides = array<i32>} : memref<4x128xi32, #tpu.memory_space<vmem>>, vector<16xi32>,
    tpu.vector_store %arg11[%swap3A_140, %swap3A_141], %add3A_138 {strides = array<i32>} : memref<4x128xi32, #tpu.memory_space<vmem>>, vector<16xi32>,
    %get3A_143 = arith.constant 176 : index
    %get3A_144 = tpu.vector_load %arg8[%get3A_143] {strides = array<i32>} : memref<512xi32, #tpu.memory_space<vmem>>, vector<16xi32>,
    %get3A_145 = arith.constant 176 : index
    %get3A_146 = tpu.vector_load %arg9[%get3A_145] {strides = array<i32>} : memref<512xi32, #tpu.memory_space<vmem>>, vector<16xi32>,
    %add3A_147 = arith.constant 5120 : i32
    %add3A_148 = vector.broadcast %add3A_147 : i32 to vector<16xi32>
    %add3A_149 = arith.addi %get3A_144, %add3A_148 : vector<16xi32>
    %gather3A_150 = tpu.vector_load_idx %arg10[%add3A_149] : memref<16384xi32, #tpu.memory_space<vmem>>[vector<16xi32>], vector<16xi32>,
    %add3A_151 = arith.addi %gather3A_150, %get3A_146 : vector<16xi32>
    %swap3A_152 = arith.constant 1 : i32
    %swap3A_153 = arith.index_cast %swap3A_152 : i32 to index
    %swap3A_154 = arith.constant 48 : index
    %swap3A_155 = tpu.vector_load %arg11[%swap3A_153, %swap3A_154] {strides = array<i32>} : memref<4x128xi32, #tpu.memory_space<vmem>>, vector<16xi32>,
    tpu.vector_store %arg11[%swap3A_153, %swap3A_154], %add3A_151 {strides = array<i32>} : memref<4x128xi32, #tpu.memory_space<vmem>>, vector<16xi32>,
    %get3A_156 = arith.constant 192 : index
    %get3A_157 = tpu.vector_load %arg8[%get3A_156] {strides = array<i32>} : memref<512xi32, #tpu.memory_space<vmem>>, vector<16xi32>,
    %get3A_158 = arith.constant 192 : index
    %get3A_159 = tpu.vector_load %arg9[%get3A_158] {strides = array<i32>} : memref<512xi32, #tpu.memory_space<vmem>>, vector<16xi32>,
    %add3A_160 = arith.constant 6144 : i32
    %add3A_161 = vector.broadcast %add3A_160 : i32 to vector<16xi32>
    %add3A_162 = arith.addi %get3A_157, %add3A_161 : vector<16xi32>
    %gather3A_163 = tpu.vector_load_idx %arg10[%add3A_162] : memref<16384xi32, #tpu.memory_space<vmem>>[vector<16xi32>], vector<16xi32>,
    %add3A_164 = arith.addi %gather3A_163, %get3A_159 : vector<16xi32>
    %swap3A_165 = arith.constant 1 : i32
    %swap3A_166 = arith.index_cast %swap3A_165 : i32 to index
    %swap3A_167 = arith.constant 64 : index
    %swap3A_168 = tpu.vector_load %arg11[%swap3A_166, %swap3A_167] {strides = array<i32>} : memref<4x128xi32, #tpu.memory_space<vmem>>, vector<16xi32>,
    tpu.vector_store %arg11[%swap3A_166, %swap3A_167], %add3A_164 {strides = array<i32>} : memref<4x128xi32, #tpu.memory_space<vmem>>, vector<16xi32>,
    %get3A_169 = arith.constant 208 : index
    %get3A_170 = tpu.vector_load %arg8[%get3A_169] {strides = array<i32>} : memref<512xi32, #tpu.memory_space<vmem>>, vector<16xi32>,
    %get3A_171 = arith.constant 208 : index
    %get3A_172 = tpu.vector_load %arg9[%get3A_171] {strides = array<i32>} : memref<512xi32, #tpu.memory_space<vmem>>, vector<16xi32>,
    %add3A_173 = arith.constant 6144 : i32
    %add3A_174 = vector.broadcast %add3A_173 : i32 to vector<16xi32>
    %add3A_175 = arith.addi %get3A_170, %add3A_174 : vector<16xi32>
    %gather3A_176 = tpu.vector_load_idx %arg10[%add3A_175] : memref<16384xi32, #tpu.memory_space<vmem>>[vector<16xi32>], vector<16xi32>,
    %add3A_177 = arith.addi %gather3A_176, %get3A_172 : vector<16xi32>
    %swap3A_178 = arith.constant 1 : i32
    %swap3A_179 = arith.index_cast %swap3A_178 : i32 to index
    %swap3A_180 = arith.constant 80 : index
    %swap3A_181 = tpu.vector_load %arg11[%swap3A_179, %swap3A_180] {strides = array<i32>} : memref<4x128xi32, #tpu.memory_space<vmem>>, vector<16xi32>,
    tpu.vector_store %arg11[%swap3A_179, %swap3A_180], %add3A_177 {strides = array<i32>} : memref<4x128xi32, #tpu.memory_space<vmem>>, vector<16xi32>,
    %get3A_182 = arith.constant 224 : index
    %get3A_183 = tpu.vector_load %arg8[%get3A_182] {strides = array<i32>} : memref<512xi32, #tpu.memory_space<vmem>>, vector<16xi32>,
    %get3A_184 = arith.constant 224 : index
    %get3A_185 = tpu.vector_load %arg9[%get3A_184] {strides = array<i32>} : memref<512xi32, #tpu.memory_space<vmem>>, vector<16xi32>,
    %add3A_186 = arith.constant 7168 : i32
    %add3A_187 = vector.broadcast %add3A_186 : i32 to vector<16xi32>
    %add3A_188 = arith.addi %get3A_183, %add3A_187 : vector<16xi32>
    %gather3A_189 = tpu.vector_load_idx %arg10[%add3A_188] : memref<16384xi32, #tpu.memory_space<vmem>>[vector<16xi32>], vector<16xi32>,
    %add3A_190 = arith.addi %gather3A_189, %get3A_185 : vector<16xi32>
    %swap3A_191 = arith.constant 1 : i32
    %swap3A_192 = arith.index_cast %swap3A_191 : i32 to index
    %swap3A_193 = arith.constant 96 : index
    %swap3A_194 = tpu.vector_load %arg11[%swap3A_192, %swap3A_193] {strides = array<i32>} : memref<4x128xi32, #tpu.memory_space<vmem>>, vector<16xi32>,
    tpu.vector_store %arg11[%swap3A_192, %swap3A_193], %add3A_190 {strides = array<i32>} : memref<4x128xi32, #tpu.memory_space<vmem>>, vector<16xi32>,
    %get3A_195 = arith.constant 240 : index
    %get3A_196 = tpu.vector_load %arg8[%get3A_195] {strides = array<i32>} : memref<512xi32, #tpu.memory_space<vmem>>, vector<16xi32>,
    %get3A_197 = arith.constant 240 : index
    %get3A_198 = tpu.vector_load %arg9[%get3A_197] {strides = array<i32>} : memref<512xi32, #tpu.memory_space<vmem>>, vector<16xi32>,
    %add3A_199 = arith.constant 7168 : i32
    %add3A_200 = vector.broadcast %add3A_199 : i32 to vector<16xi32>
    %add3A_201 = arith.addi %get3A_196, %add3A_200 : vector<16xi32>
    %gather3A_202 = tpu.vector_load_idx %arg10[%add3A_201] : memref<16384xi32, #tpu.memory_space<vmem>>[vector<16xi32>], vector<16xi32>,
    %add3A_203 = arith.addi %gather3A_202, %get3A_198 : vector<16xi32>
    %swap3A_204 = arith.constant 1 : i32
    %swap3A_205 = arith.index_cast %swap3A_204 : i32 to index
    %swap3A_206 = arith.constant 112 : index
    %swap3A_207 = tpu.vector_load %arg11[%swap3A_205, %swap3A_206] {strides = array<i32>} : memref<4x128xi32, #tpu.memory_space<vmem>>, vector<16xi32>,
    tpu.vector_store %arg11[%swap3A_205, %swap3A_206], %add3A_203 {strides = array<i32>} : memref<4x128xi32, #tpu.memory_space<vmem>>, vector<16xi32>,
    %get3A_208 = arith.constant 256 : index
    %get3A_209 = tpu.vector_load %arg8[%get3A_208] {strides = array<i32>} : memref<512xi32, #tpu.memory_space<vmem>>, vector<16xi32>,
    %get3A_210 = arith.constant 256 : index
    %get3A_211 = tpu.vector_load %arg9[%get3A_210] {strides = array<i32>} : memref<512xi32, #tpu.memory_space<vmem>>, vector<16xi32>,
    %add3A_212 = arith.constant 8192 : i32
    %add3A_213 = vector.broadcast %add3A_212 : i32 to vector<16xi32>
    %add3A_214 = arith.addi %get3A_209, %add3A_213 : vector<16xi32>
    %gather3A_215 = tpu.vector_load_idx %arg10[%add3A_214] : memref<16384xi32, #tpu.memory_space<vmem>>[vector<16xi32>], vector<16xi32>,
    %add3A_216 = arith.addi %gather3A_215, %get3A_211 : vector<16xi32>
    %swap3A_217 = arith.constant 2 : i32
    %swap3A_218 = arith.index_cast %swap3A_217 : i32 to index
    %swap3A_219 = arith.constant 0 : index
    %swap3A_220 = tpu.vector_load %arg11[%swap3A_218, %swap3A_219] {strides = array<i32>} : memref<4x128xi32, #tpu.memory_space<vmem>>, vector<16xi32>,
    tpu.vector_store %arg11[%swap3A_218, %swap3A_219], %add3A_216 {strides = array<i32>} : memref<4x128xi32, #tpu.memory_space<vmem>>, vector<16xi32>,
    %get3A_221 = arith.constant 272 : index
    %get3A_222 = tpu.vector_load %arg8[%get3A_221] {strides = array<i32>} : memref<512xi32, #tpu.memory_space<vmem>>, vector<16xi32>,
    %get3A_223 = arith.constant 272 : index
    %get3A_224 = tpu.vector_load %arg9[%get3A_223] {strides = array<i32>} : memref<512xi32, #tpu.memory_space<vmem>>, vector<16xi32>,
    %add3A_225 = arith.constant 8192 : i32
    %add3A_226 = vector.broadcast %add3A_225 : i32 to vector<16xi32>
    %add3A_227 = arith.addi %get3A_222, %add3A_226 : vector<16xi32>
    %gather3A_228 = tpu.vector_load_idx %arg10[%add3A_227] : memref<16384xi32, #tpu.memory_space<vmem>>[vector<16xi32>], vector<16xi32>,
    %add3A_229 = arith.addi %gather3A_228, %get3A_224 : vector<16xi32>
    %swap3A_230 = arith.constant 2 : i32
    %swap3A_231 = arith.index_cast %swap3A_230 : i32 to index
    %swap3A_232 = arith.constant 16 : index
    %swap3A_233 = tpu.vector_load %arg11[%swap3A_231, %swap3A_232] {strides = array<i32>} : memref<4x128xi32, #tpu.memory_space<vmem>>, vector<16xi32>,
    tpu.vector_store %arg11[%swap3A_231, %swap3A_232], %add3A_229 {strides = array<i32>} : memref<4x128xi32, #tpu.memory_space<vmem>>, vector<16xi32>,
    %get3A_234 = arith.constant 288 : index
    %get3A_235 = tpu.vector_load %arg8[%get3A_234] {strides = array<i32>} : memref<512xi32, #tpu.memory_space<vmem>>, vector<16xi32>,
    %get3A_236 = arith.constant 288 : index
    %get3A_237 = tpu.vector_load %arg9[%get3A_236] {strides = array<i32>} : memref<512xi32, #tpu.memory_space<vmem>>, vector<16xi32>,
    %add3A_238 = arith.constant 9216 : i32
    %add3A_239 = vector.broadcast %add3A_238 : i32 to vector<16xi32>
    %add3A_240 = arith.addi %get3A_235, %add3A_239 : vector<16xi32>
    %gather3A_241 = tpu.vector_load_idx %arg10[%add3A_240] : memref<16384xi32, #tpu.memory_space<vmem>>[vector<16xi32>], vector<16xi32>,
    %add3A_242 = arith.addi %gather3A_241, %get3A_237 : vector<16xi32>
    %swap3A_243 = arith.constant 2 : i32
    %swap3A_244 = arith.index_cast %swap3A_243 : i32 to index
    %swap3A_245 = arith.constant 32 : index
    %swap3A_246 = tpu.vector_load %arg11[%swap3A_244, %swap3A_245] {strides = array<i32>} : memref<4x128xi32, #tpu.memory_space<vmem>>, vector<16xi32>,
    tpu.vector_store %arg11[%swap3A_244, %swap3A_245], %add3A_242 {strides = array<i32>} : memref<4x128xi32, #tpu.memory_space<vmem>>, vector<16xi32>,
    %get3A_247 = arith.constant 304 : index
    %get3A_248 = tpu.vector_load %arg8[%get3A_247] {strides = array<i32>} : memref<512xi32, #tpu.memory_space<vmem>>, vector<16xi32>,
    %get3A_249 = arith.constant 304 : index
    %get3A_250 = tpu.vector_load %arg9[%get3A_249] {strides = array<i32>} : memref<512xi32, #tpu.memory_space<vmem>>, vector<16xi32>,
    %add3A_251 = arith.constant 9216 : i32
    %add3A_252 = vector.broadcast %add3A_251 : i32 to vector<16xi32>
    %add3A_253 = arith.addi %get3A_248, %add3A_252 : vector<16xi32>
    %gather3A_254 = tpu.vector_load_idx %arg10[%add3A_253] : memref<16384xi32, #tpu.memory_space<vmem>>[vector<16xi32>], vector<16xi32>,
    %add3A_255 = arith.addi %gather3A_254, %get3A_250 : vector<16xi32>
    %swap3A_256 = arith.constant 2 : i32
    %swap3A_257 = arith.index_cast %swap3A_256 : i32 to index
    %swap3A_258 = arith.constant 48 : index
    %swap3A_259 = tpu.vector_load %arg11[%swap3A_257, %swap3A_258] {strides = array<i32>} : memref<4x128xi32, #tpu.memory_space<vmem>>, vector<16xi32>,
    tpu.vector_store %arg11[%swap3A_257, %swap3A_258], %add3A_255 {strides = array<i32>} : memref<4x128xi32, #tpu.memory_space<vmem>>, vector<16xi32>,
    %get3A_260 = arith.constant 320 : index
    %get3A_261 = tpu.vector_load %arg8[%get3A_260] {strides = array<i32>} : memref<512xi32, #tpu.memory_space<vmem>>, vector<16xi32>,
    %get3A_262 = arith.constant 320 : index
    %get3A_263 = tpu.vector_load %arg9[%get3A_262] {strides = array<i32>} : memref<512xi32, #tpu.memory_space<vmem>>, vector<16xi32>,
    %add3A_264 = arith.constant 10240 : i32
    %add3A_265 = vector.broadcast %add3A_264 : i32 to vector<16xi32>
    %add3A_266 = arith.addi %get3A_261, %add3A_265 : vector<16xi32>
    %gather3A_267 = tpu.vector_load_idx %arg10[%add3A_266] : memref<16384xi32, #tpu.memory_space<vmem>>[vector<16xi32>], vector<16xi32>,
    %add3A_268 = arith.addi %gather3A_267, %get3A_263 : vector<16xi32>
    %swap3A_269 = arith.constant 2 : i32
    %swap3A_270 = arith.index_cast %swap3A_269 : i32 to index
    %swap3A_271 = arith.constant 64 : index
    %swap3A_272 = tpu.vector_load %arg11[%swap3A_270, %swap3A_271] {strides = array<i32>} : memref<4x128xi32, #tpu.memory_space<vmem>>, vector<16xi32>,
    tpu.vector_store %arg11[%swap3A_270, %swap3A_271], %add3A_268 {strides = array<i32>} : memref<4x128xi32, #tpu.memory_space<vmem>>, vector<16xi32>,
    %get3A_273 = arith.constant 336 : index
    %get3A_274 = tpu.vector_load %arg8[%get3A_273] {strides = array<i32>} : memref<512xi32, #tpu.memory_space<vmem>>, vector<16xi32>,
    %get3A_275 = arith.constant 336 : index
    %get3A_276 = tpu.vector_load %arg9[%get3A_275] {strides = array<i32>} : memref<512xi32, #tpu.memory_space<vmem>>, vector<16xi32>,
    %add3A_277 = arith.constant 10240 : i32
    %add3A_278 = vector.broadcast %add3A_277 : i32 to vector<16xi32>
    %add3A_279 = arith.addi %get3A_274, %add3A_278 : vector<16xi32>
    %gather3A_280 = tpu.vector_load_idx %arg10[%add3A_279] : memref<16384xi32, #tpu.memory_space<vmem>>[vector<16xi32>], vector<16xi32>,
    %add3A_281 = arith.addi %gather3A_280, %get3A_276 : vector<16xi32>
    %swap3A_282 = arith.constant 2 : i32
    %swap3A_283 = arith.index_cast %swap3A_282 : i32 to index
    %swap3A_284 = arith.constant 80 : index
    %swap3A_285 = tpu.vector_load %arg11[%swap3A_283, %swap3A_284] {strides = array<i32>} : memref<4x128xi32, #tpu.memory_space<vmem>>, vector<16xi32>,
    tpu.vector_store %arg11[%swap3A_283, %swap3A_284], %add3A_281 {strides = array<i32>} : memref<4x128xi32, #tpu.memory_space<vmem>>, vector<16xi32>,
    %get3A_286 = arith.constant 352 : index
    %get3A_287 = tpu.vector_load %arg8[%get3A_286] {strides = array<i32>} : memref<512xi32, #tpu.memory_space<vmem>>, vector<16xi32>,
    %get3A_288 = arith.constant 352 : index
    %get3A_289 = tpu.vector_load %arg9[%get3A_288] {strides = array<i32>} : memref<512xi32, #tpu.memory_space<vmem>>, vector<16xi32>,
    %add3A_290 = arith.constant 11264 : i32
    %add3A_291 = vector.broadcast %add3A_290 : i32 to vector<16xi32>
    %add3A_292 = arith.addi %get3A_287, %add3A_291 : vector<16xi32>
    %gather3A_293 = tpu.vector_load_idx %arg10[%add3A_292] : memref<16384xi32, #tpu.memory_space<vmem>>[vector<16xi32>], vector<16xi32>,
    %add3A_294 = arith.addi %gather3A_293, %get3A_289 : vector<16xi32>
    %swap3A_295 = arith.constant 2 : i32
    %swap3A_296 = arith.index_cast %swap3A_295 : i32 to index
    %swap3A_297 = arith.constant 96 : index
    %swap3A_298 = tpu.vector_load %arg11[%swap3A_296, %swap3A_297] {strides = array<i32>} : memref<4x128xi32, #tpu.memory_space<vmem>>, vector<16xi32>,
    tpu.vector_store %arg11[%swap3A_296, %swap3A_297], %add3A_294 {strides = array<i32>} : memref<4x128xi32, #tpu.memory_space<vmem>>, vector<16xi32>,
    %get3A_299 = arith.constant 368 : index
    %get3A_300 = tpu.vector_load %arg8[%get3A_299] {strides = array<i32>} : memref<512xi32, #tpu.memory_space<vmem>>, vector<16xi32>,
    %get3A_301 = arith.constant 368 : index
    %get3A_302 = tpu.vector_load %arg9[%get3A_301] {strides = array<i32>} : memref<512xi32, #tpu.memory_space<vmem>>, vector<16xi32>,
    %add3A_303 = arith.constant 11264 : i32
    %add3A_304 = vector.broadcast %add3A_303 : i32 to vector<16xi32>
    %add3A_305 = arith.addi %get3A_300, %add3A_304 : vector<16xi32>
    %gather3A_306 = tpu.vector_load_idx %arg10[%add3A_305] : memref<16384xi32, #tpu.memory_space<vmem>>[vector<16xi32>], vector<16xi32>,
    %add3A_307 = arith.addi %gather3A_306, %get3A_302 : vector<16xi32>
    %swap3A_308 = arith.constant 2 : i32
    %swap3A_309 = arith.index_cast %swap3A_308 : i32 to index
    %swap3A_310 = arith.constant 112 : index
    %swap3A_311 = tpu.vector_load %arg11[%swap3A_309, %swap3A_310] {strides = array<i32>} : memref<4x128xi32, #tpu.memory_space<vmem>>, vector<16xi32>,
    tpu.vector_store %arg11[%swap3A_309, %swap3A_310], %add3A_307 {strides = array<i32>} : memref<4x128xi32, #tpu.memory_space<vmem>>, vector<16xi32>,
    %get3A_312 = arith.constant 384 : index
    %get3A_313 = tpu.vector_load %arg8[%get3A_312] {strides = array<i32>} : memref<512xi32, #tpu.memory_space<vmem>>, vector<16xi32>,
    %get3A_314 = arith.constant 384 : index
    %get3A_315 = tpu.vector_load %arg9[%get3A_314] {strides = array<i32>} : memref<512xi32, #tpu.memory_space<vmem>>, vector<16xi32>,
    %add3A_316 = arith.constant 12288 : i32
    %add3A_317 = vector.broadcast %add3A_316 : i32 to vector<16xi32>
    %add3A_318 = arith.addi %get3A_313, %add3A_317 : vector<16xi32>
    %gather3A_319 = tpu.vector_load_idx %arg10[%add3A_318] : memref<16384xi32, #tpu.memory_space<vmem>>[vector<16xi32>], vector<16xi32>,
    %add3A_320 = arith.addi %gather3A_319, %get3A_315 : vector<16xi32>
    %swap3A_321 = arith.constant 3 : i32
    %swap3A_322 = arith.index_cast %swap3A_321 : i32 to index
    %swap3A_323 = arith.constant 0 : index
    %swap3A_324 = tpu.vector_load %arg11[%swap3A_322, %swap3A_323] {strides = array<i32>} : memref<4x128xi32, #tpu.memory_space<vmem>>, vector<16xi32>,
    tpu.vector_store %arg11[%swap3A_322, %swap3A_323], %add3A_320 {strides = array<i32>} : memref<4x128xi32, #tpu.memory_space<vmem>>, vector<16xi32>,
    %get3A_325 = arith.constant 400 : index
    %get3A_326 = tpu.vector_load %arg8[%get3A_325] {strides = array<i32>} : memref<512xi32, #tpu.memory_space<vmem>>, vector<16xi32>,
    %get3A_327 = arith.constant 400 : index
    %get3A_328 = tpu.vector_load %arg9[%get3A_327] {strides = array<i32>} : memref<512xi32, #tpu.memory_space<vmem>>, vector<16xi32>,
    %add3A_329 = arith.constant 12288 : i32
    %add3A_330 = vector.broadcast %add3A_329 : i32 to vector<16xi32>
    %add3A_331 = arith.addi %get3A_326, %add3A_330 : vector<16xi32>
    %gather3A_332 = tpu.vector_load_idx %arg10[%add3A_331] : memref<16384xi32, #tpu.memory_space<vmem>>[vector<16xi32>], vector<16xi32>,
    %add3A_333 = arith.addi %gather3A_332, %get3A_328 : vector<16xi32>
    %swap3A_334 = arith.constant 3 : i32
    %swap3A_335 = arith.index_cast %swap3A_334 : i32 to index
    %swap3A_336 = arith.constant 16 : index
    %swap3A_337 = tpu.vector_load %arg11[%swap3A_335, %swap3A_336] {strides = array<i32>} : memref<4x128xi32, #tpu.memory_space<vmem>>, vector<16xi32>,
    tpu.vector_store %arg11[%swap3A_335, %swap3A_336], %add3A_333 {strides = array<i32>} : memref<4x128xi32, #tpu.memory_space<vmem>>, vector<16xi32>,
    %get3A_338 = arith.constant 416 : index
    %get3A_339 = tpu.vector_load %arg8[%get3A_338] {strides = array<i32>} : memref<512xi32, #tpu.memory_space<vmem>>, vector<16xi32>,
    %get3A_340 = arith.constant 416 : index
    %get3A_341 = tpu.vector_load %arg9[%get3A_340] {strides = array<i32>} : memref<512xi32, #tpu.memory_space<vmem>>, vector<16xi32>,
    %add3A_342 = arith.constant 13312 : i32
    %add3A_343 = vector.broadcast %add3A_342 : i32 to vector<16xi32>
    %add3A_344 = arith.addi %get3A_339, %add3A_343 : vector<16xi32>
    %gather3A_345 = tpu.vector_load_idx %arg10[%add3A_344] : memref<16384xi32, #tpu.memory_space<vmem>>[vector<16xi32>], vector<16xi32>,
    %add3A_346 = arith.addi %gather3A_345, %get3A_341 : vector<16xi32>
    %swap3A_347 = arith.constant 3 : i32
    %swap3A_348 = arith.index_cast %swap3A_347 : i32 to index
    %swap3A_349 = arith.constant 32 : index
    %swap3A_350 = tpu.vector_load %arg11[%swap3A_348, %swap3A_349] {strides = array<i32>} : memref<4x128xi32, #tpu.memory_space<vmem>>, vector<16xi32>,
    tpu.vector_store %arg11[%swap3A_348, %swap3A_349], %add3A_346 {strides = array<i32>} : memref<4x128xi32, #tpu.memory_space<vmem>>, vector<16xi32>,
    %get3A_351 = arith.constant 432 : index
    %get3A_352 = tpu.vector_load %arg8[%get3A_351] {strides = array<i32>} : memref<512xi32, #tpu.memory_space<vmem>>, vector<16xi32>,
    %get3A_353 = arith.constant 432 : index
    %get3A_354 = tpu.vector_load %arg9[%get3A_353] {strides = array<i32>} : memref<512xi32, #tpu.memory_space<vmem>>, vector<16xi32>,
    %add3A_355 = arith.constant 13312 : i32
    %add3A_356 = vector.broadcast %add3A_355 : i32 to vector<16xi32>
    %add3A_357 = arith.addi %get3A_352, %add3A_356 : vector<16xi32>
    %gather3A_358 = tpu.vector_load_idx %arg10[%add3A_357] : memref<16384xi32, #tpu.memory_space<vmem>>[vector<16xi32>], vector<16xi32>,
    %add3A_359 = arith.addi %gather3A_358, %get3A_354 : vector<16xi32>
    %swap3A_360 = arith.constant 3 : i32
    %swap3A_361 = arith.index_cast %swap3A_360 : i32 to index
    %swap3A_362 = arith.constant 48 : index
    %swap3A_363 = tpu.vector_load %arg11[%swap3A_361, %swap3A_362] {strides = array<i32>} : memref<4x128xi32, #tpu.memory_space<vmem>>, vector<16xi32>,
    tpu.vector_store %arg11[%swap3A_361, %swap3A_362], %add3A_359 {strides = array<i32>} : memref<4x128xi32, #tpu.memory_space<vmem>>, vector<16xi32>,
    %get3A_364 = arith.constant 448 : index
    %get3A_365 = tpu.vector_load %arg8[%get3A_364] {strides = array<i32>} : memref<512xi32, #tpu.memory_space<vmem>>, vector<16xi32>,
    %get3A_366 = arith.constant 448 : index
    %get3A_367 = tpu.vector_load %arg9[%get3A_366] {strides = array<i32>} : memref<512xi32, #tpu.memory_space<vmem>>, vector<16xi32>,
    %add3A_368 = arith.constant 14336 : i32
    %add3A_369 = vector.broadcast %add3A_368 : i32 to vector<16xi32>
    %add3A_370 = arith.addi %get3A_365, %add3A_369 : vector<16xi32>
    %gather3A_371 = tpu.vector_load_idx %arg10[%add3A_370] : memref<16384xi32, #tpu.memory_space<vmem>>[vector<16xi32>], vector<16xi32>,
    %add3A_372 = arith.addi %gather3A_371, %get3A_367 : vector<16xi32>
    %swap3A_373 = arith.constant 3 : i32
    %swap3A_374 = arith.index_cast %swap3A_373 : i32 to index
    %swap3A_375 = arith.constant 64 : index
    %swap3A_376 = tpu.vector_load %arg11[%swap3A_374, %swap3A_375] {strides = array<i32>} : memref<4x128xi32, #tpu.memory_space<vmem>>, vector<16xi32>,
    tpu.vector_store %arg11[%swap3A_374, %swap3A_375], %add3A_372 {strides = array<i32>} : memref<4x128xi32, #tpu.memory_space<vmem>>, vector<16xi32>,
    %get3A_377 = arith.constant 464 : index
    %get3A_378 = tpu.vector_load %arg8[%get3A_377] {strides = array<i32>} : memref<512xi32, #tpu.memory_space<vmem>>, vector<16xi32>,
    %get3A_379 = arith.constant 464 : index
    %get3A_380 = tpu.vector_load %arg9[%get3A_379] {strides = array<i32>} : memref<512xi32, #tpu.memory_space<vmem>>, vector<16xi32>,
    %add3A_381 = arith.constant 14336 : i32
    %add3A_382 = vector.broadcast %add3A_381 : i32 to vector<16xi32>
    %add3A_383 = arith.addi %get3A_378, %add3A_382 : vector<16xi32>
    %gather3A_384 = tpu.vector_load_idx %arg10[%add3A_383] : memref<16384xi32, #tpu.memory_space<vmem>>[vector<16xi32>], vector<16xi32>,
    %add3A_385 = arith.addi %gather3A_384, %get3A_380 : vector<16xi32>
    %swap3A_386 = arith.constant 3 : i32
    %swap3A_387 = arith.index_cast %swap3A_386 : i32 to index
    %swap3A_388 = arith.constant 80 : index
    %swap3A_389 = tpu.vector_load %arg11[%swap3A_387, %swap3A_388] {strides = array<i32>} : memref<4x128xi32, #tpu.memory_space<vmem>>, vector<16xi32>,
    tpu.vector_store %arg11[%swap3A_387, %swap3A_388], %add3A_385 {strides = array<i32>} : memref<4x128xi32, #tpu.memory_space<vmem>>, vector<16xi32>,
    %get3A_390 = arith.constant 480 : index
    %get3A_391 = tpu.vector_load %arg8[%get3A_390] {strides = array<i32>} : memref<512xi32, #tpu.memory_space<vmem>>, vector<16xi32>,
    %get3A_392 = arith.constant 480 : index
    %get3A_393 = tpu.vector_load %arg9[%get3A_392] {strides = array<i32>} : memref<512xi32, #tpu.memory_space<vmem>>, vector<16xi32>,
    %add3A_394 = arith.constant 15360 : i32
    %add3A_395 = vector.broadcast %add3A_394 : i32 to vector<16xi32>
    %add3A_396 = arith.addi %get3A_391, %add3A_395 : vector<16xi32>
    %gather3A_397 = tpu.vector_load_idx %arg10[%add3A_396] : memref<16384xi32, #tpu.memory_space<vmem>>[vector<16xi32>], vector<16xi32>,
    %add3A_398 = arith.addi %gather3A_397, %get3A_393 : vector<16xi32>
    %swap3A_399 = arith.constant 3 : i32
    %swap3A_400 = arith.index_cast %swap3A_399 : i32 to index
    %swap3A_401 = arith.constant 96 : index
    %swap3A_402 = tpu.vector_load %arg11[%swap3A_400, %swap3A_401] {strides = array<i32>} : memref<4x128xi32, #tpu.memory_space<vmem>>, vector<16xi32>,
    tpu.vector_store %arg11[%swap3A_400, %swap3A_401], %add3A_398 {strides = array<i32>} : memref<4x128xi32, #tpu.memory_space<vmem>>, vector<16xi32>,
    %get3A_403 = arith.constant 496 : index
    %get3A_404 = tpu.vector_load %arg8[%get3A_403] {strides = array<i32>} : memref<512xi32, #tpu.memory_space<vmem>>, vector<16xi32>,
    %get3A_405 = arith.constant 496 : index
    %get3A_406 = tpu.vector_load %arg9[%get3A_405] {strides = array<i32>} : memref<512xi32, #tpu.memory_space<vmem>>, vector<16xi32>,
    %add3A_407 = arith.constant 15360 : i32
    %add3A_408 = vector.broadcast %add3A_407 : i32 to vector<16xi32>
    %add3A_409 = arith.addi %get3A_404, %add3A_408 : vector<16xi32>
    %gather3A_410 = tpu.vector_load_idx %arg10[%add3A_409] : memref<16384xi32, #tpu.memory_space<vmem>>[vector<16xi32>], vector<16xi32>,
    %add3A_411 = arith.addi %gather3A_410, %get3A_406 : vector<16xi32>
    %swap3A_412 = arith.constant 3 : i32
    %swap3A_413 = arith.index_cast %swap3A_412 : i32 to index
    %swap3A_414 = arith.constant 112 : index
    %swap3A_415 = tpu.vector_load %arg11[%swap3A_413, %swap3A_414] {strides = array<i32>} : memref<4x128xi32, #tpu.memory_space<vmem>>, vector<16xi32>,
    tpu.vector_store %arg11[%swap3A_413, %swap3A_414], %add3A_411 {strides = array<i32>} : memref<4x128xi32, #tpu.memory_space<vmem>>, vector<16xi32>,
    %dma_start3A = arith.constant 0 : i32
    %dma_start3A_416 = arith.constant 0 : i32
    %dma_start3A_417 = arith.constant 0 : i32
    %dma_start3A_418 = tpu.memref_slice %arg12[%dma_start3A_416, %dma_start3A_417] : memref<512x128xf32, #tpu.memory_space<vmem>> -> memref<128x128xf32, #tpu.memory_space<vmem>>
    %dma_start3A_419 = arith.constant 0 : i32
    %dma_start3A_420 = tpu.memref_slice %arg11[%dma_start3A, %dma_start3A_419] : memref<4x128xi32, #tpu.memory_space<vmem>> -> memref<1x128xi32, #tpu.memory_space<vmem>>
    %dma_start3A_421 = tpu.memref_squeeze %dma_start3A_420 : memref<1x128xi32, #tpu.memory_space<vmem>> -> memref<128xi32, #tpu.memory_space<vmem>>
    %dma_start3A_422 = arith.constant 0 : i32
    %dma_start3A_423 = arith.constant 0 : i32
    %dma_start3A_424 = tpu.memref_slice %arg6[%dma_start3A_422, %dma_start3A_423] : memref<16640x128xf32, #tpu.memory_space<hbm>> -> memref<16640x128xf32, #tpu.memory_space<hbm>>
    tpu.enqueue_indirect_dma source(%dma_start3A_418 : memref<128x128xf32, #tpu.memory_space<vmem>>) target(%dma_start3A_424 : memref<16640x128xf32, #tpu.memory_space<hbm>>) offsets(%dma_start3A_421 : memref<128xi32, #tpu.memory_space<vmem>>) semaphore(%arg13 : memref<!tpu.dma_semaphore, #tpu.memory_space<semaphore_mem>>)
    %dma_start3A_425 = arith.constant 1 : i32
    %dma_start3A_426 = arith.constant 128 : i32
    %dma_start3A_427 = arith.constant 0 : i32
    %dma_start3A_428 = tpu.memref_slice %arg12[%dma_start3A_426, %dma_start3A_427] : memref<512x128xf32, #tpu.memory_space<vmem>> -> memref<128x128xf32, #tpu.memory_space<vmem>>
    %dma_start3A_429 = arith.constant 0 : i32
    %dma_start3A_430 = tpu.memref_slice %arg11[%dma_start3A_425, %dma_start3A_429] : memref<4x128xi32, #tpu.memory_space<vmem>> -> memref<1x128xi32, #tpu.memory_space<vmem>>
    %dma_start3A_431 = tpu.memref_squeeze %dma_start3A_430 : memref<1x128xi32, #tpu.memory_space<vmem>> -> memref<128xi32, #tpu.memory_space<vmem>>
    %dma_start3A_432 = arith.constant 0 : i32
    %dma_start3A_433 = arith.constant 0 : i32
    %dma_start3A_434 = tpu.memref_slice %arg6[%dma_start3A_432, %dma_start3A_433] : memref<16640x128xf32, #tpu.memory_space<hbm>> -> memref<16640x128xf32, #tpu.memory_space<hbm>>
    tpu.enqueue_indirect_dma source(%dma_start3A_428 : memref<128x128xf32, #tpu.memory_space<vmem>>) target(%dma_start3A_434 : memref<16640x128xf32, #tpu.memory_space<hbm>>) offsets(%dma_start3A_431 : memref<128xi32, #tpu.memory_space<vmem>>) semaphore(%arg13 : memref<!tpu.dma_semaphore, #tpu.memory_space<semaphore_mem>>)
    %dma_start3A_435 = arith.constant 2 : i32
    %dma_start3A_436 = arith.constant 256 : i32
    %dma_start3A_437 = arith.constant 0 : i32
    %dma_start3A_438 = tpu.memref_slice %arg12[%dma_start3A_436, %dma_start3A_437] : memref<512x128xf32, #tpu.memory_space<vmem>> -> memref<128x128xf32, #tpu.memory_space<vmem>>
    %dma_start3A_439 = arith.constant 0 : i32
    %dma_start3A_440 = tpu.memref_slice %arg11[%dma_start3A_435, %dma_start3A_439] : memref<4x128xi32, #tpu.memory_space<vmem>> -> memref<1x128xi32, #tpu.memory_space<vmem>>
    %dma_start3A_441 = tpu.memref_squeeze %dma_start3A_440 : memref<1x128xi32, #tpu.memory_space<vmem>> -> memref<128xi32, #tpu.memory_space<vmem>>
    %dma_start3A_442 = arith.constant 0 : i32
    %dma_start3A_443 = arith.constant 0 : i32
    %dma_start3A_444 = tpu.memref_slice %arg6[%dma_start3A_442, %dma_start3A_443] : memref<16640x128xf32, #tpu.memory_space<hbm>> -> memref<16640x128xf32, #tpu.memory_space<hbm>>
    tpu.enqueue_indirect_dma source(%dma_start3A_438 : memref<128x128xf32, #tpu.memory_space<vmem>>) target(%dma_start3A_444 : memref<16640x128xf32, #tpu.memory_space<hbm>>) offsets(%dma_start3A_441 : memref<128xi32, #tpu.memory_space<vmem>>) semaphore(%arg13 : memref<!tpu.dma_semaphore, #tpu.memory_space<semaphore_mem>>)
    %dma_start3A_445 = arith.constant 3 : i32
    %dma_start3A_446 = arith.constant 384 : i32
    %dma_start3A_447 = arith.constant 0 : i32
    %dma_start3A_448 = tpu.memref_slice %arg12[%dma_start3A_446, %dma_start3A_447] : memref<512x128xf32, #tpu.memory_space<vmem>> -> memref<128x128xf32, #tpu.memory_space<vmem>>
    %dma_start3A_449 = arith.constant 0 : i32
    %dma_start3A_450 = tpu.memref_slice %arg11[%dma_start3A_445, %dma_start3A_449] : memref<4x128xi32, #tpu.memory_space<vmem>> -> memref<1x128xi32, #tpu.memory_space<vmem>>
    %dma_start3A_451 = tpu.memref_squeeze %dma_start3A_450 : memref<1x128xi32, #tpu.memory_space<vmem>> -> memref<128xi32, #tpu.memory_space<vmem>>
    %dma_start3A_452 = arith.constant 0 : i32
    %dma_start3A_453 = arith.constant 0 : i32
    %dma_start3A_454 = tpu.memref_slice %arg6[%dma_start3A_452, %dma_start3A_453] : memref<16640x128xf32, #tpu.memory_space<hbm>> -> memref<16640x128xf32, #tpu.memory_space<hbm>>
    tpu.enqueue_indirect_dma source(%dma_start3A_448 : memref<128x128xf32, #tpu.memory_space<vmem>>) target(%dma_start3A_454 : memref<16640x128xf32, #tpu.memory_space<hbm>>) offsets(%dma_start3A_451 : memref<128xi32, #tpu.memory_space<vmem>>) semaphore(%arg13 : memref<!tpu.dma_semaphore, #tpu.memory_space<semaphore_mem>>)
    %dma_wait3A = arith.constant 0 : i32
    %dma_wait3A_455 = arith.constant 0 : i32
    %dma_wait3A_456 = arith.constant 0 : i32
    %dma_wait3A_457 = tpu.memref_slice %arg12[%dma_wait3A_455, %dma_wait3A_456] : memref<512x128xf32, #tpu.memory_space<vmem>> -> memref<128x128xf32, #tpu.memory_space<vmem>>
    %dma_wait3A_458 = arith.constant 0 : i32
    %dma_wait3A_459 = tpu.memref_slice %arg11[%dma_wait3A, %dma_wait3A_458] : memref<4x128xi32, #tpu.memory_space<vmem>> -> memref<1x128xi32, #tpu.memory_space<vmem>>
    %dma_wait3A_460 = tpu.memref_squeeze %dma_wait3A_459 : memref<1x128xi32, #tpu.memory_space<vmem>> -> memref<128xi32, #tpu.memory_space<vmem>>
    %dma_wait3A_461 = arith.constant 0 : i32
    %dma_wait3A_462 = arith.constant 0 : i32
    %dma_wait3A_463 = tpu.memref_slice %arg6[%dma_wait3A_461, %dma_wait3A_462] : memref<16640x128xf32, #tpu.memory_space<hbm>> -> memref<16640x128xf32, #tpu.memory_space<hbm>>
    tpu.wait_indirect_dma semaphore(%arg13 : memref<!tpu.dma_semaphore, #tpu.memory_space<semaphore_mem>>) src(%dma_wait3A_457 : memref<128x128xf32, #tpu.memory_space<vmem>>) dst(%dma_wait3A_463 : memref<16640x128xf32, #tpu.memory_space<hbm>>)
    %dma_wait3A_464 = arith.constant 1 : i32
    %dma_wait3A_465 = arith.constant 128 : i32
    %dma_wait3A_466 = arith.constant 0 : i32
    %dma_wait3A_467 = tpu.memref_slice %arg12[%dma_wait3A_465, %dma_wait3A_466] : memref<512x128xf32, #tpu.memory_space<vmem>> -> memref<128x128xf32, #tpu.memory_space<vmem>>
    %dma_wait3A_468 = arith.constant 0 : i32
    %dma_wait3A_469 = tpu.memref_slice %arg11[%dma_wait3A_464, %dma_wait3A_468] : memref<4x128xi32, #tpu.memory_space<vmem>> -> memref<1x128xi32, #tpu.memory_space<vmem>>
    %dma_wait3A_470 = tpu.memref_squeeze %dma_wait3A_469 : memref<1x128xi32, #tpu.memory_space<vmem>> -> memref<128xi32, #tpu.memory_space<vmem>>
    %dma_wait3A_471 = arith.constant 0 : i32
    %dma_wait3A_472 = arith.constant 0 : i32
    %dma_wait3A_473 = tpu.memref_slice %arg6[%dma_wait3A_471, %dma_wait3A_472] : memref<16640x128xf32, #tpu.memory_space<hbm>> -> memref<16640x128xf32, #tpu.memory_space<hbm>>
    tpu.wait_indirect_dma semaphore(%arg13 : memref<!tpu.dma_semaphore, #tpu.memory_space<semaphore_mem>>) src(%dma_wait3A_467 : memref<128x128xf32, #tpu.memory_space<vmem>>) dst(%dma_wait3A_473 : memref<16640x128xf32, #tpu.memory_space<hbm>>)
    %dma_wait3A_474 = arith.constant 2 : i32
    %dma_wait3A_475 = arith.constant 256 : i32
    %dma_wait3A_476 = arith.constant 0 : i32
    %dma_wait3A_477 = tpu.memref_slice %arg12[%dma_wait3A_475, %dma_wait3A_476] : memref<512x128xf32, #tpu.memory_space<vmem>> -> memref<128x128xf32, #tpu.memory_space<vmem>>
    %dma_wait3A_478 = arith.constant 0 : i32
    %dma_wait3A_479 = tpu.memref_slice %arg11[%dma_wait3A_474, %dma_wait3A_478] : memref<4x128xi32, #tpu.memory_space<vmem>> -> memref<1x128xi32, #tpu.memory_space<vmem>>
    %dma_wait3A_480 = tpu.memref_squeeze %dma_wait3A_479 : memref<1x128xi32, #tpu.memory_space<vmem>> -> memref<128xi32, #tpu.memory_space<vmem>>
    %dma_wait3A_481 = arith.constant 0 : i32
    %dma_wait3A_482 = arith.constant 0 : i32
    %dma_wait3A_483 = tpu.memref_slice %arg6[%dma_wait3A_481, %dma_wait3A_482] : memref<16640x128xf32, #tpu.memory_space<hbm>> -> memref<16640x128xf32, #tpu.memory_space<hbm>>
    tpu.wait_indirect_dma semaphore(%arg13 : memref<!tpu.dma_semaphore, #tpu.memory_space<semaphore_mem>>) src(%dma_wait3A_477 : memref<128x128xf32, #tpu.memory_space<vmem>>) dst(%dma_wait3A_483 : memref<16640x128xf32, #tpu.memory_space<hbm>>)
    %dma_wait3A_484 = arith.constant 3 : i32
    %dma_wait3A_485 = arith.constant 384 : i32
    %dma_wait3A_486 = arith.constant 0 : i32
    %dma_wait3A_487 = tpu.memref_slice %arg12[%dma_wait3A_485, %dma_wait3A_486] : memref<512x128xf32, #tpu.memory_space<vmem>> -> memref<128x128xf32, #tpu.memory_space<vmem>>
    %dma_wait3A_488 = arith.constant 0 : i32
    %dma_wait3A_489 = tpu.memref_slice %arg11[%dma_wait3A_484, %dma_wait3A_488] : memref<4x128xi32, #tpu.memory_space<vmem>> -> memref<1x128xi32, #tpu.memory_space<vmem>>
    %dma_wait3A_490 = tpu.memref_squeeze %dma_wait3A_489 : memref<1x128xi32, #tpu.memory_space<vmem>> -> memref<128xi32, #tpu.memory_space<vmem>>
    %dma_wait3A_491 = arith.constant 0 : i32
    %dma_wait3A_492 = arith.constant 0 : i32
    %dma_wait3A_493 = tpu.memref_slice %arg6[%dma_wait3A_491, %dma_wait3A_492] : memref<16640x128xf32, #tpu.memory_space<hbm>> -> memref<16640x128xf32, #tpu.memory_space<hbm>>
    tpu.wait_indirect_dma semaphore(%arg13 : memref<!tpu.dma_semaphore, #tpu.memory_space<semaphore_mem>>) src(%dma_wait3A_487 : memref<128x128xf32, #tpu.memory_space<vmem>>) dst(%dma_wait3A_493 : memref<16640x128xf32, #tpu.memory_space<hbm>>)
    "tpu.region"() ({
      %run_scoped3A = tpu.sem_alloc : memref<!tpu.dma_semaphore, #tpu.memory_space<semaphore_mem>>
      %dma_start3A_494 = arith.constant 0 : i32
      %dma_start3A_495 = arith.constant 0 : i32
      %dma_start3A_496 = tpu.memref_slice %arg7[%add3A, %dma_start3A_494, %dma_start3A_495] : memref<32x4x128xi32, #tpu.memory_space<hbm>> -> memref<1x4x128xi32, #tpu.memory_space<hbm>>
      %dma_start3A_497 = tpu.memref_squeeze %dma_start3A_496 : memref<1x4x128xi32, #tpu.memory_space<hbm>> -> memref<4x128xi32, #tpu.memory_space<hbm>>
      %dma_start3A_498 = arith.constant 0 : i32
      %dma_start3A_499 = arith.constant 0 : i32
      %dma_start3A_500 = tpu.memref_slice %arg7[%add3A, %dma_start3A_498, %dma_start3A_499] : memref<32x4x128xi32, #tpu.memory_space<hbm>> -> memref<1x4x128xi32, #tpu.memory_space<hbm>>
      %dma_start3A_501 = tpu.memref_squeeze %dma_start3A_500 : memref<1x4x128xi32, #tpu.memory_space<hbm>> -> memref<4x128xi32, #tpu.memory_space<hbm>>
      tpu.enqueue_dma source(%arg11 : memref<4x128xi32, #tpu.memory_space<vmem>>) target(%dma_start3A_501 : memref<4x128xi32, #tpu.memory_space<hbm>>) target_semaphore(%run_scoped3A : memref<!tpu.dma_semaphore, #tpu.memory_space<semaphore_mem>>)
      %dma_wait3A_502 = arith.constant 0 : i32
      %dma_wait3A_503 = arith.constant 0 : i32
      %dma_wait3A_504 = tpu.memref_slice %arg7[%add3A, %dma_wait3A_502, %dma_wait3A_503] : memref<32x4x128xi32, #tpu.memory_space<hbm>> -> memref<1x4x128xi32, #tpu.memory_space<hbm>>
      %dma_wait3A_505 = tpu.memref_squeeze %dma_wait3A_504 : memref<1x4x128xi32, #tpu.memory_space<hbm>> -> memref<4x128xi32, #tpu.memory_space<hbm>>
      %dma_wait3A_506 = arith.constant 0 : i32
      %dma_wait3A_507 = arith.constant 0 : i32
      %dma_wait3A_508 = tpu.memref_slice %arg7[%add3A, %dma_wait3A_506, %dma_wait3A_507] : memref<32x4x128xi32, #tpu.memory_space<hbm>> -> memref<1x4x128xi32, #tpu.memory_space<hbm>>
      %dma_wait3A_509 = tpu.memref_squeeze %dma_wait3A_508 : memref<1x4x128xi32, #tpu.memory_space<hbm>> -> memref<4x128xi32, #tpu.memory_space<hbm>>
      tpu.wait_dma2 semaphore(%run_scoped3A : memref<!tpu.dma_semaphore, #tpu.memory_space<semaphore_mem>>) src(%arg11 : memref<4x128xi32, #tpu.memory_space<vmem>>) dst(%dma_wait3A_509 : memref<4x128xi32, #tpu.memory_space<hbm>>)
      tpu.yield
    }) : () -> ()
    return
  }
}

#map = affine_map<(d0, d1) -> (0)>
#map1 = affine_map<(d0, d1) -> (0, 0)>
module attributes {stable_mosaic.version = 14 : i64} {
  func.func @k(%arg0: i32, %arg1: i32, %arg2: memref<16384xi32, #tpu.memory_space<hbm>>, %arg3: memref<32x16384xi32, #tpu.memory_space<hbm>>, %arg4: memref<16384xi32, #tpu.memory_space<hbm>>, %arg5: memref<512xi32, #tpu.memory_space<vmem>>, %arg6: memref<16384xi32, #tpu.memory_space<vmem>>, %arg7: memref<512xi32, #tpu.memory_space<vmem>>) attributes {dimension_semantics = [#tpu.dimension_semantics<core_parallel>, #tpu.dimension_semantics<subcore_parallel>], iteration_bounds = array<i64: 2, 16>, scalar_prefetch = 0 : i64, scratch_operands = 3 : i64, tpu.core_type = #tpu.core_type<sc_vector_subcore>, window_params = [{transform_indices = #map}, {transform_indices = #map1}, {transform_indices = #map}]} {
    %mul3A = arith.constant 2 : i32
    %mul3A_0 = arith.muli %arg1, %mul3A : i32
    %add3A = arith.addi %mul3A_0, %arg0 : i32
    %mul3A_1 = arith.constant 512 : i32
    %mul3A_2 = arith.muli %add3A, %mul3A_1 : i32
    %iota3A = tpu.iota {dimensions = array<i32: 0>} : vector<16xi32>
    "tpu.region"() ({
      %run_scoped3A = tpu.sem_alloc : memref<!tpu.dma_semaphore, #tpu.memory_space<semaphore_mem>>
      %dma_start3A = tpu.memref_slice %arg2[%mul3A_2] : memref<16384xi32, #tpu.memory_space<hbm>> -> memref<512xi32, #tpu.memory_space<hbm>>
      %dma_start3A_16 = tpu.memref_slice %arg2[%mul3A_2] : memref<16384xi32, #tpu.memory_space<hbm>> -> memref<512xi32, #tpu.memory_space<hbm>>
      tpu.enqueue_dma source(%dma_start3A_16 : memref<512xi32, #tpu.memory_space<hbm>>) target(%arg5 : memref<512xi32, #tpu.memory_space<vmem>>) target_semaphore(%run_scoped3A : memref<!tpu.dma_semaphore, #tpu.memory_space<semaphore_mem>>)
      %dma_wait3A = tpu.memref_slice %arg2[%mul3A_2] : memref<16384xi32, #tpu.memory_space<hbm>> -> memref<512xi32, #tpu.memory_space<hbm>>
      %dma_wait3A_17 = tpu.memref_slice %arg2[%mul3A_2] : memref<16384xi32, #tpu.memory_space<hbm>> -> memref<512xi32, #tpu.memory_space<hbm>>
      tpu.wait_dma2 semaphore(%run_scoped3A : memref<!tpu.dma_semaphore, #tpu.memory_space<semaphore_mem>>) src(%dma_wait3A_17 : memref<512xi32, #tpu.memory_space<hbm>>) dst(%arg5 : memref<512xi32, #tpu.memory_space<vmem>>)
      tpu.yield
    }) : () -> ()
    %scan3A = arith.constant 0 : i32
    %scan3A_3 = arith.constant 0 : i32
    %scan3A_4 = arith.constant 64 : i32
    %scan3A_5 = arith.addi %scan3A_3, %scan3A_4 : i32
    %scan3A_6 = arith.constant 1 : i32
    %scan3A_7 = scf.for %scan3A_16 = %scan3A_3 to %scan3A_5 step %scan3A_6 iter_args(%scan3A_17 = %scan3A) -> (i32)  : i32 {
      %broadcast_in_dim3A = arith.constant 0 : i32
      %broadcast_in_dim3A_18 = vector.broadcast %broadcast_in_dim3A : i32 to vector<16xi32>
      %mul3A_19 = arith.constant 256 : i32
      %mul3A_20 = arith.muli %scan3A_16, %mul3A_19 : i32
      %add3A_21 = arith.constant 0 : i32
      %add3A_22 = arith.addi %mul3A_20, %add3A_21 : i32
      %swap3A = arith.index_cast %add3A_22 : i32 to index
      %swap3A_23 = tpu.vector_load %arg6[%swap3A] {strides = array<i32>} : memref<16384xi32, #tpu.memory_space<vmem>>, vector<16xi32>,
      tpu.vector_store %arg6[%swap3A], %broadcast_in_dim3A_18 {strides = array<i32>} : memref<16384xi32, #tpu.memory_space<vmem>>, vector<16xi32>,
      %broadcast_in_dim3A_24 = arith.constant 0 : i32
      %broadcast_in_dim3A_25 = vector.broadcast %broadcast_in_dim3A_24 : i32 to vector<16xi32>
      %mul3A_26 = arith.constant 256 : i32
      %mul3A_27 = arith.muli %scan3A_16, %mul3A_26 : i32
      %add3A_28 = arith.constant 16 : i32
      %add3A_29 = arith.addi %mul3A_27, %add3A_28 : i32
      %swap3A_30 = arith.index_cast %add3A_29 : i32 to index
      %swap3A_31 = tpu.vector_load %arg6[%swap3A_30] {strides = array<i32>} : memref<16384xi32, #tpu.memory_space<vmem>>, vector<16xi32>,
      tpu.vector_store %arg6[%swap3A_30], %broadcast_in_dim3A_25 {strides = array<i32>} : memref<16384xi32, #tpu.memory_space<vmem>>, vector<16xi32>,
      %broadcast_in_dim3A_32 = arith.constant 0 : i32
      %broadcast_in_dim3A_33 = vector.broadcast %broadcast_in_dim3A_32 : i32 to vector<16xi32>
      %mul3A_34 = arith.constant 256 : i32
      %mul3A_35 = arith.muli %scan3A_16, %mul3A_34 : i32
      %add3A_36 = arith.constant 32 : i32
      %add3A_37 = arith.addi %mul3A_35, %add3A_36 : i32
      %swap3A_38 = arith.index_cast %add3A_37 : i32 to index
      %swap3A_39 = tpu.vector_load %arg6[%swap3A_38] {strides = array<i32>} : memref<16384xi32, #tpu.memory_space<vmem>>, vector<16xi32>,
      tpu.vector_store %arg6[%swap3A_38], %broadcast_in_dim3A_33 {strides = array<i32>} : memref<16384xi32, #tpu.memory_space<vmem>>, vector<16xi32>,
      %broadcast_in_dim3A_40 = arith.constant 0 : i32
      %broadcast_in_dim3A_41 = vector.broadcast %broadcast_in_dim3A_40 : i32 to vector<16xi32>
      %mul3A_42 = arith.constant 256 : i32
      %mul3A_43 = arith.muli %scan3A_16, %mul3A_42 : i32
      %add3A_44 = arith.constant 48 : i32
      %add3A_45 = arith.addi %mul3A_43, %add3A_44 : i32
      %swap3A_46 = arith.index_cast %add3A_45 : i32 to index
      %swap3A_47 = tpu.vector_load %arg6[%swap3A_46] {strides = array<i32>} : memref<16384xi32, #tpu.memory_space<vmem>>, vector<16xi32>,
      tpu.vector_store %arg6[%swap3A_46], %broadcast_in_dim3A_41 {strides = array<i32>} : memref<16384xi32, #tpu.memory_space<vmem>>, vector<16xi32>,
      %broadcast_in_dim3A_48 = arith.constant 0 : i32
      %broadcast_in_dim3A_49 = vector.broadcast %broadcast_in_dim3A_48 : i32 to vector<16xi32>
      %mul3A_50 = arith.constant 256 : i32
      %mul3A_51 = arith.muli %scan3A_16, %mul3A_50 : i32
      %add3A_52 = arith.constant 64 : i32
      %add3A_53 = arith.addi %mul3A_51, %add3A_52 : i32
      %swap3A_54 = arith.index_cast %add3A_53 : i32 to index
      %swap3A_55 = tpu.vector_load %arg6[%swap3A_54] {strides = array<i32>} : memref<16384xi32, #tpu.memory_space<vmem>>, vector<16xi32>,
      tpu.vector_store %arg6[%swap3A_54], %broadcast_in_dim3A_49 {strides = array<i32>} : memref<16384xi32, #tpu.memory_space<vmem>>, vector<16xi32>,
      %broadcast_in_dim3A_56 = arith.constant 0 : i32
      %broadcast_in_dim3A_57 = vector.broadcast %broadcast_in_dim3A_56 : i32 to vector<16xi32>
      %mul3A_58 = arith.constant 256 : i32
      %mul3A_59 = arith.muli %scan3A_16, %mul3A_58 : i32
      %add3A_60 = arith.constant 80 : i32
      %add3A_61 = arith.addi %mul3A_59, %add3A_60 : i32
      %swap3A_62 = arith.index_cast %add3A_61 : i32 to index
      %swap3A_63 = tpu.vector_load %arg6[%swap3A_62] {strides = array<i32>} : memref<16384xi32, #tpu.memory_space<vmem>>, vector<16xi32>,
      tpu.vector_store %arg6[%swap3A_62], %broadcast_in_dim3A_57 {strides = array<i32>} : memref<16384xi32, #tpu.memory_space<vmem>>, vector<16xi32>,
      %broadcast_in_dim3A_64 = arith.constant 0 : i32
      %broadcast_in_dim3A_65 = vector.broadcast %broadcast_in_dim3A_64 : i32 to vector<16xi32>
      %mul3A_66 = arith.constant 256 : i32
      %mul3A_67 = arith.muli %scan3A_16, %mul3A_66 : i32
      %add3A_68 = arith.constant 96 : i32
      %add3A_69 = arith.addi %mul3A_67, %add3A_68 : i32
      %swap3A_70 = arith.index_cast %add3A_69 : i32 to index
      %swap3A_71 = tpu.vector_load %arg6[%swap3A_70] {strides = array<i32>} : memref<16384xi32, #tpu.memory_space<vmem>>, vector<16xi32>,
      tpu.vector_store %arg6[%swap3A_70], %broadcast_in_dim3A_65 {strides = array<i32>} : memref<16384xi32, #tpu.memory_space<vmem>>, vector<16xi32>,
      %broadcast_in_dim3A_72 = arith.constant 0 : i32
      %broadcast_in_dim3A_73 = vector.broadcast %broadcast_in_dim3A_72 : i32 to vector<16xi32>
      %mul3A_74 = arith.constant 256 : i32
      %mul3A_75 = arith.muli %scan3A_16, %mul3A_74 : i32
      %add3A_76 = arith.constant 112 : i32
      %add3A_77 = arith.addi %mul3A_75, %add3A_76 : i32
      %swap3A_78 = arith.index_cast %add3A_77 : i32 to index
      %swap3A_79 = tpu.vector_load %arg6[%swap3A_78] {strides = array<i32>} : memref<16384xi32, #tpu.memory_space<vmem>>, vector<16xi32>,
      tpu.vector_store %arg6[%swap3A_78], %broadcast_in_dim3A_73 {strides = array<i32>} : memref<16384xi32, #tpu.memory_space<vmem>>, vector<16xi32>,
      %broadcast_in_dim3A_80 = arith.constant 0 : i32
      %broadcast_in_dim3A_81 = vector.broadcast %broadcast_in_dim3A_80 : i32 to vector<16xi32>
      %mul3A_82 = arith.constant 256 : i32
      %mul3A_83 = arith.muli %scan3A_16, %mul3A_82 : i32
      %add3A_84 = arith.constant 128 : i32
      %add3A_85 = arith.addi %mul3A_83, %add3A_84 : i32
      %swap3A_86 = arith.index_cast %add3A_85 : i32 to index
      %swap3A_87 = tpu.vector_load %arg6[%swap3A_86] {strides = array<i32>} : memref<16384xi32, #tpu.memory_space<vmem>>, vector<16xi32>,
      tpu.vector_store %arg6[%swap3A_86], %broadcast_in_dim3A_81 {strides = array<i32>} : memref<16384xi32, #tpu.memory_space<vmem>>, vector<16xi32>,
      %broadcast_in_dim3A_88 = arith.constant 0 : i32
      %broadcast_in_dim3A_89 = vector.broadcast %broadcast_in_dim3A_88 : i32 to vector<16xi32>
      %mul3A_90 = arith.constant 256 : i32
      %mul3A_91 = arith.muli %scan3A_16, %mul3A_90 : i32
      %add3A_92 = arith.constant 144 : i32
      %add3A_93 = arith.addi %mul3A_91, %add3A_92 : i32
      %swap3A_94 = arith.index_cast %add3A_93 : i32 to index
      %swap3A_95 = tpu.vector_load %arg6[%swap3A_94] {strides = array<i32>} : memref<16384xi32, #tpu.memory_space<vmem>>, vector<16xi32>,
      tpu.vector_store %arg6[%swap3A_94], %broadcast_in_dim3A_89 {strides = array<i32>} : memref<16384xi32, #tpu.memory_space<vmem>>, vector<16xi32>,
      %broadcast_in_dim3A_96 = arith.constant 0 : i32
      %broadcast_in_dim3A_97 = vector.broadcast %broadcast_in_dim3A_96 : i32 to vector<16xi32>
      %mul3A_98 = arith.constant 256 : i32
      %mul3A_99 = arith.muli %scan3A_16, %mul3A_98 : i32
      %add3A_100 = arith.constant 160 : i32
      %add3A_101 = arith.addi %mul3A_99, %add3A_100 : i32
      %swap3A_102 = arith.index_cast %add3A_101 : i32 to index
      %swap3A_103 = tpu.vector_load %arg6[%swap3A_102] {strides = array<i32>} : memref<16384xi32, #tpu.memory_space<vmem>>, vector<16xi32>,
      tpu.vector_store %arg6[%swap3A_102], %broadcast_in_dim3A_97 {strides = array<i32>} : memref<16384xi32, #tpu.memory_space<vmem>>, vector<16xi32>,
      %broadcast_in_dim3A_104 = arith.constant 0 : i32
      %broadcast_in_dim3A_105 = vector.broadcast %broadcast_in_dim3A_104 : i32 to vector<16xi32>
      %mul3A_106 = arith.constant 256 : i32
      %mul3A_107 = arith.muli %scan3A_16, %mul3A_106 : i32
      %add3A_108 = arith.constant 176 : i32
      %add3A_109 = arith.addi %mul3A_107, %add3A_108 : i32
      %swap3A_110 = arith.index_cast %add3A_109 : i32 to index
      %swap3A_111 = tpu.vector_load %arg6[%swap3A_110] {strides = array<i32>} : memref<16384xi32, #tpu.memory_space<vmem>>, vector<16xi32>,
      tpu.vector_store %arg6[%swap3A_110], %broadcast_in_dim3A_105 {strides = array<i32>} : memref<16384xi32, #tpu.memory_space<vmem>>, vector<16xi32>,
      %broadcast_in_dim3A_112 = arith.constant 0 : i32
      %broadcast_in_dim3A_113 = vector.broadcast %broadcast_in_dim3A_112 : i32 to vector<16xi32>
      %mul3A_114 = arith.constant 256 : i32
      %mul3A_115 = arith.muli %scan3A_16, %mul3A_114 : i32
      %add3A_116 = arith.constant 192 : i32
      %add3A_117 = arith.addi %mul3A_115, %add3A_116 : i32
      %swap3A_118 = arith.index_cast %add3A_117 : i32 to index
      %swap3A_119 = tpu.vector_load %arg6[%swap3A_118] {strides = array<i32>} : memref<16384xi32, #tpu.memory_space<vmem>>, vector<16xi32>,
      tpu.vector_store %arg6[%swap3A_118], %broadcast_in_dim3A_113 {strides = array<i32>} : memref<16384xi32, #tpu.memory_space<vmem>>, vector<16xi32>,
      %broadcast_in_dim3A_120 = arith.constant 0 : i32
      %broadcast_in_dim3A_121 = vector.broadcast %broadcast_in_dim3A_120 : i32 to vector<16xi32>
      %mul3A_122 = arith.constant 256 : i32
      %mul3A_123 = arith.muli %scan3A_16, %mul3A_122 : i32
      %add3A_124 = arith.constant 208 : i32
      %add3A_125 = arith.addi %mul3A_123, %add3A_124 : i32
      %swap3A_126 = arith.index_cast %add3A_125 : i32 to index
      %swap3A_127 = tpu.vector_load %arg6[%swap3A_126] {strides = array<i32>} : memref<16384xi32, #tpu.memory_space<vmem>>, vector<16xi32>,
      tpu.vector_store %arg6[%swap3A_126], %broadcast_in_dim3A_121 {strides = array<i32>} : memref<16384xi32, #tpu.memory_space<vmem>>, vector<16xi32>,
      %broadcast_in_dim3A_128 = arith.constant 0 : i32
      %broadcast_in_dim3A_129 = vector.broadcast %broadcast_in_dim3A_128 : i32 to vector<16xi32>
      %mul3A_130 = arith.constant 256 : i32
      %mul3A_131 = arith.muli %scan3A_16, %mul3A_130 : i32
      %add3A_132 = arith.constant 224 : i32
      %add3A_133 = arith.addi %mul3A_131, %add3A_132 : i32
      %swap3A_134 = arith.index_cast %add3A_133 : i32 to index
      %swap3A_135 = tpu.vector_load %arg6[%swap3A_134] {strides = array<i32>} : memref<16384xi32, #tpu.memory_space<vmem>>, vector<16xi32>,
      tpu.vector_store %arg6[%swap3A_134], %broadcast_in_dim3A_129 {strides = array<i32>} : memref<16384xi32, #tpu.memory_space<vmem>>, vector<16xi32>,
      %broadcast_in_dim3A_136 = arith.constant 0 : i32
      %broadcast_in_dim3A_137 = vector.broadcast %broadcast_in_dim3A_136 : i32 to vector<16xi32>
      %mul3A_138 = arith.constant 256 : i32
      %mul3A_139 = arith.muli %scan3A_16, %mul3A_138 : i32
      %add3A_140 = arith.constant 240 : i32
      %add3A_141 = arith.addi %mul3A_139, %add3A_140 : i32
      %swap3A_142 = arith.index_cast %add3A_141 : i32 to index
      %swap3A_143 = tpu.vector_load %arg6[%swap3A_142] {strides = array<i32>} : memref<16384xi32, #tpu.memory_space<vmem>>, vector<16xi32>,
      tpu.vector_store %arg6[%swap3A_142], %broadcast_in_dim3A_137 {strides = array<i32>} : memref<16384xi32, #tpu.memory_space<vmem>>, vector<16xi32>,
      %scan3A_144 = arith.constant 0 : i32
      scf.yield %scan3A_144 : i32
    }
    %scan3A_8 = arith.constant 64 : i32
    %scan3A_9 = arith.constant 0 : i32
    %scan3A_10 = arith.constant 0 : i32
    %scan3A_11 = arith.constant 32 : i32
    %scan3A_12 = arith.addi %scan3A_10, %scan3A_11 : i32
    %scan3A_13 = arith.constant 1 : i32
    %scan3A_14 = scf.for %scan3A_16 = %scan3A_10 to %scan3A_12 step %scan3A_13 iter_args(%scan3A_17 = %scan3A_9) -> (i32)  : i32 {
      %mul3A_18 = arith.constant 32 : i32
      %mul3A_19 = vector.broadcast %mul3A_18 : i32 to vector<16xi32>
      %mul3A_20 = arith.muli %iota3A, %mul3A_19 : vector<16xi32>
      %add3A_21 = vector.broadcast %scan3A_16 : i32 to vector<16xi32>
      %add3A_22 = arith.addi %mul3A_20, %add3A_21 : vector<16xi32>
      %gather3A = tpu.vector_load_idx %arg5[%add3A_22] : memref<512xi32, #tpu.memory_space<vmem>>[vector<16xi32>], vector<16xi32>,
      %mul3A_23 = arith.constant 1024 : i32
      %mul3A_24 = vector.broadcast %mul3A_23 : i32 to vector<16xi32>
      %mul3A_25 = arith.muli %iota3A, %mul3A_24 : vector<16xi32>
      %add3A_26 = arith.addi %gather3A, %mul3A_25 : vector<16xi32>
      %gather3A_27 = tpu.vector_load_idx %arg6[%add3A_26] : memref<16384xi32, #tpu.memory_space<vmem>>[vector<16xi32>], vector<16xi32>,
      %add3A_28 = arith.constant 1 : i32
      %add3A_29 = vector.broadcast %add3A_28 : i32 to vector<16xi32>
      %add3A_30 = arith.addi %gather3A_27, %add3A_29 : vector<16xi32>
      tpu.vector_store_idx %arg6[%add3A_26], %add3A_30 : memref<16384xi32, #tpu.memory_space<vmem>>[vector<16xi32>], vector<16xi32>,
      tpu.vector_store_idx %arg7[%add3A_22], %gather3A_27 : memref<512xi32, #tpu.memory_space<vmem>>[vector<16xi32>], vector<16xi32>,
      %scan3A_31 = arith.constant 0 : i32
      scf.yield %scan3A_31 : i32
    }
    %scan3A_15 = arith.constant 32 : i32
    "tpu.region"() ({
      %run_scoped3A = tpu.sem_alloc : memref<!tpu.dma_semaphore, #tpu.memory_space<semaphore_mem>>
      %dma_start3A = arith.constant 0 : i32
      %dma_start3A_16 = tpu.memref_slice %arg3[%add3A, %dma_start3A] : memref<32x16384xi32, #tpu.memory_space<hbm>> -> memref<1x16384xi32, #tpu.memory_space<hbm>>
      %dma_start3A_17 = tpu.memref_squeeze %dma_start3A_16 : memref<1x16384xi32, #tpu.memory_space<hbm>> -> memref<16384xi32, #tpu.memory_space<hbm>>
      %dma_start3A_18 = arith.constant 0 : i32
      %dma_start3A_19 = tpu.memref_slice %arg3[%add3A, %dma_start3A_18] : memref<32x16384xi32, #tpu.memory_space<hbm>> -> memref<1x16384xi32, #tpu.memory_space<hbm>>
      %dma_start3A_20 = tpu.memref_squeeze %dma_start3A_19 : memref<1x16384xi32, #tpu.memory_space<hbm>> -> memref<16384xi32, #tpu.memory_space<hbm>>
      tpu.enqueue_dma source(%arg6 : memref<16384xi32, #tpu.memory_space<vmem>>) target(%dma_start3A_20 : memref<16384xi32, #tpu.memory_space<hbm>>) target_semaphore(%run_scoped3A : memref<!tpu.dma_semaphore, #tpu.memory_space<semaphore_mem>>)
      %dma_wait3A = arith.constant 0 : i32
      %dma_wait3A_21 = tpu.memref_slice %arg3[%add3A, %dma_wait3A] : memref<32x16384xi32, #tpu.memory_space<hbm>> -> memref<1x16384xi32, #tpu.memory_space<hbm>>
      %dma_wait3A_22 = tpu.memref_squeeze %dma_wait3A_21 : memref<1x16384xi32, #tpu.memory_space<hbm>> -> memref<16384xi32, #tpu.memory_space<hbm>>
      %dma_wait3A_23 = arith.constant 0 : i32
      %dma_wait3A_24 = tpu.memref_slice %arg3[%add3A, %dma_wait3A_23] : memref<32x16384xi32, #tpu.memory_space<hbm>> -> memref<1x16384xi32, #tpu.memory_space<hbm>>
      %dma_wait3A_25 = tpu.memref_squeeze %dma_wait3A_24 : memref<1x16384xi32, #tpu.memory_space<hbm>> -> memref<16384xi32, #tpu.memory_space<hbm>>
      tpu.wait_dma2 semaphore(%run_scoped3A : memref<!tpu.dma_semaphore, #tpu.memory_space<semaphore_mem>>) src(%arg6 : memref<16384xi32, #tpu.memory_space<vmem>>) dst(%dma_wait3A_25 : memref<16384xi32, #tpu.memory_space<hbm>>)
      tpu.yield
    }) : () -> ()
    "tpu.region"() ({
      %run_scoped3A = tpu.sem_alloc : memref<!tpu.dma_semaphore, #tpu.memory_space<semaphore_mem>>
      %dma_start3A = tpu.memref_slice %arg4[%mul3A_2] : memref<16384xi32, #tpu.memory_space<hbm>> -> memref<512xi32, #tpu.memory_space<hbm>>
      %dma_start3A_16 = tpu.memref_slice %arg4[%mul3A_2] : memref<16384xi32, #tpu.memory_space<hbm>> -> memref<512xi32, #tpu.memory_space<hbm>>
      tpu.enqueue_dma source(%arg7 : memref<512xi32, #tpu.memory_space<vmem>>) target(%dma_start3A_16 : memref<512xi32, #tpu.memory_space<hbm>>) target_semaphore(%run_scoped3A : memref<!tpu.dma_semaphore, #tpu.memory_space<semaphore_mem>>)
      %dma_wait3A = tpu.memref_slice %arg4[%mul3A_2] : memref<16384xi32, #tpu.memory_space<hbm>> -> memref<512xi32, #tpu.memory_space<hbm>>
      %dma_wait3A_17 = tpu.memref_slice %arg4[%mul3A_2] : memref<16384xi32, #tpu.memory_space<hbm>> -> memref<512xi32, #tpu.memory_space<hbm>>
      tpu.wait_dma2 semaphore(%run_scoped3A : memref<!tpu.dma_semaphore, #tpu.memory_space<semaphore_mem>>) src(%arg7 : memref<512xi32, #tpu.memory_space<vmem>>) dst(%dma_wait3A_17 : memref<512xi32, #tpu.memory_space<hbm>>)
      tpu.yield
    }) : () -> ()
    return
  }
}

module attributes {stable_mosaic.version = 14 : i64} {
  func.func @_tc_body(%arg0: i32, %arg1: memref<1025xi32, #tpu.memory_space<smem>>, %arg2: memref<16640x128xf32, #tpu.memory_space<vmem>>, %arg3: memref<16x128x128xf32, #tpu.memory_space<vmem>>, %arg4: memref<16x128xf32, #tpu.memory_space<vmem>>, %arg5: memref<16640x128xf32, #tpu.memory_space<vmem>>, %arg6: memref<256x128xf32, #tpu.memory_space<vmem>>) attributes {dimension_semantics = [#tpu.dimension_semantics<arbitrary>], iteration_bounds = array<i64: 64>, scalar_prefetch = 1 : i64, scratch_operands = 1 : i64, tpu.core_type = #tpu.core_type<tc>, window_params = [{pipeline_mode = #tpu.pipeline_mode<synchronous>, transform_indices = @transform_0, window_bounds = array<i64: 16640, 128>}, {transform_indices = @transform_1, window_bounds = array<i64: 16, 128, 128>}, {transform_indices = @transform_2, window_bounds = array<i64: 16, 128>}, {pipeline_mode = #tpu.pipeline_mode<synchronous>, transform_indices = @transform_3, window_bounds = array<i64: 16640, 128>}]} {
    %eq3A = arith.constant 0 : i32
    %eq3A_0 = arith.cmpi eq, %arg0, %eq3A : i32
    %convert_element_type3A = arith.extui %eq3A_0 : i1 to i32
    %cond3A = arith.constant 0 : i32
    %cond3A_1 = arith.cmpi ne, %convert_element_type3A, %cond3A : i32
    scf.if %cond3A_1 {
      %broadcast_in_dim3A = arith.constant 0.000000e+00 : f32
      %broadcast_in_dim3A_65 = vector.broadcast %broadcast_in_dim3A : f32 to vector<16640x128xf32>
      %swap3A = arith.constant 0 : index
      %swap3A_66 = arith.constant 0 : index
      %swap3A_67 = vector.load %arg5[%swap3A, %swap3A_66] : memref<16640x128xf32, #tpu.memory_space<vmem>>, vector<16640x128xf32>
      tpu.vector_store %arg5[%swap3A, %swap3A_66], %broadcast_in_dim3A_65 {strides = array<i32>} : memref<16640x128xf32, #tpu.memory_space<vmem>>, vector<16640x128xf32>,
    } else {
    }
    %mul3A = arith.constant 16 : i32
    %mul3A_2 = arith.muli %arg0, %mul3A : i32
    %get3A = arith.index_cast %mul3A_2 : i32 to index
    %get3A_3 = memref.load %arg1[%get3A] : memref<1025xi32, #tpu.memory_space<smem>>
    %mul3A_4 = arith.constant 16 : i32
    %mul3A_5 = arith.muli %arg0, %mul3A_4 : i32
    %add3A = arith.constant 16 : i32
    %add3A_6 = arith.addi %mul3A_5, %add3A : i32
    %get3A_7 = arith.index_cast %add3A_6 : i32 to index
    %get3A_8 = memref.load %arg1[%get3A_7] : memref<1025xi32, #tpu.memory_space<smem>>
    %jit3A = arith.constant 8 : i32
    %div3A = arith.divsi %get3A_3, %jit3A : i32
    %sign3A = arith.constant 0 : i32
    %sign3A_9 = arith.cmpi sgt, %get3A_3, %sign3A : i32
    %sign3A_10 = arith.extui %sign3A_9 : i1 to i32
    %sign3A_11 = arith.constant 0 : i32
    %sign3A_12 = arith.cmpi slt, %get3A_3, %sign3A_11 : i32
    %sign3A_13 = arith.extui %sign3A_12 : i1 to i32
    %sign3A_14 = arith.subi %sign3A_10, %sign3A_13 : i32
    %sign3A_15 = arith.constant 0 : i32
    %sign3A_16 = arith.cmpi sgt, %jit3A, %sign3A_15 : i32
    %sign3A_17 = arith.extui %sign3A_16 : i1 to i32
    %sign3A_18 = arith.constant 0 : i32
    %sign3A_19 = arith.cmpi slt, %jit3A, %sign3A_18 : i32
    %sign3A_20 = arith.extui %sign3A_19 : i1 to i32
    %sign3A_21 = arith.subi %sign3A_17, %sign3A_20 : i32
    %ne3A = arith.cmpi ne, %sign3A_14, %sign3A_21 : i32
    %rem3A = arith.remsi %get3A_3, %jit3A : i32
    %ne3A_22 = arith.constant 0 : i32
    %ne3A_23 = arith.cmpi ne, %rem3A, %ne3A_22 : i32
    %and3A = arith.andi %ne3A, %ne3A_23 : i1
    %sub3A = arith.constant 1 : i32
    %sub3A_24 = arith.subi %div3A, %sub3A : i32
    %select_n3A = arith.select %and3A, %sub3A_24, %div3A : i32
    %mul3A_25 = arith.constant 8 : i32
    %mul3A_26 = arith.muli %select_n3A, %mul3A_25 : i32
    %sub3A_27 = arith.subi %get3A_8, %mul3A_26 : i32
    %add3A_28 = arith.constant 256 : i32
    %add3A_29 = arith.addi %sub3A_27, %add3A_28 : i32
    %sub3A_30 = arith.constant 1 : i32
    %sub3A_31 = arith.subi %add3A_29, %sub3A_30 : i32
    %jit3A_32 = arith.constant 256 : i32
    %div3A_33 = arith.divsi %sub3A_31, %jit3A_32 : i32
    %sign3A_34 = arith.constant 0 : i32
    %sign3A_35 = arith.cmpi sgt, %sub3A_31, %sign3A_34 : i32
    %sign3A_36 = arith.extui %sign3A_35 : i1 to i32
    %sign3A_37 = arith.constant 0 : i32
    %sign3A_38 = arith.cmpi slt, %sub3A_31, %sign3A_37 : i32
    %sign3A_39 = arith.extui %sign3A_38 : i1 to i32
    %sign3A_40 = arith.subi %sign3A_36, %sign3A_39 : i32
    %sign3A_41 = arith.constant 0 : i32
    %sign3A_42 = arith.cmpi sgt, %jit3A_32, %sign3A_41 : i32
    %sign3A_43 = arith.extui %sign3A_42 : i1 to i32
    %sign3A_44 = arith.constant 0 : i32
    %sign3A_45 = arith.cmpi slt, %jit3A_32, %sign3A_44 : i32
    %sign3A_46 = arith.extui %sign3A_45 : i1 to i32
    %sign3A_47 = arith.subi %sign3A_43, %sign3A_46 : i32
    %ne3A_48 = arith.cmpi ne, %sign3A_40, %sign3A_47 : i32
    %rem3A_49 = arith.remsi %sub3A_31, %jit3A_32 : i32
    %ne3A_50 = arith.constant 0 : i32
    %ne3A_51 = arith.cmpi ne, %rem3A_49, %ne3A_50 : i32
    %and3A_52 = arith.andi %ne3A_48, %ne3A_51 : i1
    %sub3A_53 = arith.constant 1 : i32
    %sub3A_54 = arith.subi %div3A_33, %sub3A_53 : i32
    %select_n3A_55 = arith.select %and3A_52, %sub3A_54, %div3A_33 : i32
    %while3A = arith.constant 0 : i32
    %while3A_56 = arith.constant 0 : i32
    %while3A_57 = arith.subi %select_n3A_55, %while3A_56 : i32
    %while3A_58 = arith.addi %while3A_56, %while3A_57 : i32
    %while3A_59 = arith.constant 1 : i32
    %while3A_60 = arith.divsi %while3A_57, %while3A_59 : i32
    %while3A_61 = arith.muli %while3A_60, %while3A_59 : i32
    %while3A_62 = arith.addi %while3A_56, %while3A_61 : i32
    %while3A_63 = arith.constant 1 : i32
    scf.for %while3A_65 = %while3A_56 to %while3A_62 step %while3A_63  : i32 {
      %mul3A_66 = arith.constant 256 : i32
      %mul3A_67 = arith.muli %while3A_65, %mul3A_66 : i32
      %add3A_68 = arith.addi %mul3A_26, %mul3A_67 : i32
      %get3A_69 = arith.index_cast %add3A_68 : i32 to index
      %get3A_70 = arith.constant 0 : index
      %get3A_71 = vector.load %arg2[%get3A_69, %get3A_70] : memref<16640x128xf32, #tpu.memory_space<vmem>>, vector<256x128xf32>
      %iota3A = tpu.iota {dimensions = array<i32: 0>} : vector<256x1xi32>
      %add3A_72 = vector.broadcast %add3A_68 : i32 to vector<256x1xi32>
      %add3A_73 = arith.addi %add3A_72, %iota3A : vector<256x1xi32>
      %broadcast_in_dim3A = arith.constant 0.000000e+00 : f32
      %broadcast_in_dim3A_74 = vector.broadcast %broadcast_in_dim3A : f32 to vector<256x128xf32>
      %mul3A_75 = arith.constant 16 : i32
      %mul3A_76 = arith.muli %arg0, %mul3A_75 : i32
      %add3A_77 = arith.constant 0 : i32
      %add3A_78 = arith.addi %mul3A_76, %add3A_77 : i32
      %get3A_79 = arith.index_cast %add3A_78 : i32 to index
      %get3A_80 = memref.load %arg1[%get3A_79] : memref<1025xi32, #tpu.memory_space<smem>>
      %mul3A_81 = arith.constant 16 : i32
      %mul3A_82 = arith.muli %arg0, %mul3A_81 : i32
      %add3A_83 = arith.constant 0 : i32
      %add3A_84 = arith.addi %mul3A_82, %add3A_83 : i32
      %add3A_85 = arith.constant 1 : i32
      %add3A_86 = arith.addi %add3A_84, %add3A_85 : i32
      %get3A_87 = arith.index_cast %add3A_86 : i32 to index
      %get3A_88 = memref.load %arg1[%get3A_87] : memref<1025xi32, #tpu.memory_space<smem>>
      %ge3A = vector.broadcast %get3A_80 : i32 to vector<256x1xi32>
      %ge3A_89 = arith.cmpi sge, %add3A_73, %ge3A : vector<256x1xi32>
      %lt3A = vector.broadcast %get3A_88 : i32 to vector<256x1xi32>
      %lt3A_90 = arith.cmpi slt, %add3A_73, %lt3A : vector<256x1xi32>
      %and3A_91 = arith.andi %ge3A_89, %lt3A_90 : vector<256x1xi1>
      %get3A_92 = arith.constant 0 : index
      %get3A_93 = arith.constant 0 : index
      %get3A_94 = arith.constant 0 : index
      %get3A_95 = vector.load %arg3[%get3A_92, %get3A_93, %get3A_94] : memref<16x128x128xf32, #tpu.memory_space<vmem>>, vector<1x128x128xf32>
      %get3A_96 = vector.shape_cast %get3A_95 : vector<1x128x128xf32> to vector<128x128xf32>
      %dot_general3A = arith.constant dense<0.000000e+00> : vector<256x128xf32>
      %dot_general3A_97 = tpu.matmul %get3A_71, %get3A_96, %dot_general3A {dimension_numbers = #tpu.dot_dimension_numbers<[1], [0], [0], [1], [0, 0, 1, 1], [], []>, transpose_lhs_hint = false} : vector<256x128xf32>, vector<128x128xf32>, vector<256x128xf32> -> vector<256x128xf32>
      %get3A_98 = arith.constant 0 : index
      %get3A_99 = arith.constant 0 : index
      %get3A_100 = vector.load %arg4[%get3A_98, %get3A_99] : memref<16x128xf32, #tpu.memory_space<vmem>>, vector<1x128xf32>
      %add3A_101 = vector.broadcast %get3A_100 : vector<1x128xf32> to vector<256x128xf32>
      %add3A_102 = arith.addf %dot_general3A_97, %add3A_101 : vector<256x128xf32>
      %jit3A_103 = arith.constant 0.000000e+00 : f32
      %broadcast_in_dim3A_104 = vector.shape_cast %and3A_91 : vector<256x1xi1> to vector<256x1xi1>
      %broadcast_in_dim3A_105 = vector.broadcast %broadcast_in_dim3A_104 : vector<256x1xi1> to vector<256x128xi1>
      %broadcast_in_dim3A_106 = vector.broadcast %jit3A_103 : f32 to vector<256x128xf32>
      %select_n3A_107 = arith.select %broadcast_in_dim3A_105, %add3A_102, %broadcast_in_dim3A_106 : vector<256x128xi1>, vector<256x128xf32>
      %add3A_108 = arith.addf %broadcast_in_dim3A_74, %select_n3A_107 : vector<256x128xf32>
      %mul3A_109 = arith.constant 16 : i32
      %mul3A_110 = arith.muli %arg0, %mul3A_109 : i32
      %add3A_111 = arith.constant 1 : i32
      %add3A_112 = arith.addi %mul3A_110, %add3A_111 : i32
      %get3A_113 = arith.index_cast %add3A_112 : i32 to index
      %get3A_114 = memref.load %arg1[%get3A_113] : memref<1025xi32, #tpu.memory_space<smem>>
      %mul3A_115 = arith.constant 16 : i32
      %mul3A_116 = arith.muli %arg0, %mul3A_115 : i32
      %add3A_117 = arith.constant 1 : i32
      %add3A_118 = arith.addi %mul3A_116, %add3A_117 : i32
      %add3A_119 = arith.constant 1 : i32
      %add3A_120 = arith.addi %add3A_118, %add3A_119 : i32
      %get3A_121 = arith.index_cast %add3A_120 : i32 to index
      %get3A_122 = memref.load %arg1[%get3A_121] : memref<1025xi32, #tpu.memory_space<smem>>
      %ge3A_123 = vector.broadcast %get3A_114 : i32 to vector<256x1xi32>
      %ge3A_124 = arith.cmpi sge, %add3A_73, %ge3A_123 : vector<256x1xi32>
      %lt3A_125 = vector.broadcast %get3A_122 : i32 to vector<256x1xi32>
      %lt3A_126 = arith.cmpi slt, %add3A_73, %lt3A_125 : vector<256x1xi32>
      %and3A_127 = arith.andi %ge3A_124, %lt3A_126 : vector<256x1xi1>
      %get3A_128 = arith.constant 1 : index
      %get3A_129 = arith.constant 0 : index
      %get3A_130 = arith.constant 0 : index
      %get3A_131 = vector.load %arg3[%get3A_128, %get3A_129, %get3A_130] : memref<16x128x128xf32, #tpu.memory_space<vmem>>, vector<1x128x128xf32>
      %get3A_132 = vector.shape_cast %get3A_131 : vector<1x128x128xf32> to vector<128x128xf32>
      %dot_general3A_133 = arith.constant dense<0.000000e+00> : vector<256x128xf32>
      %dot_general3A_134 = tpu.matmul %get3A_71, %get3A_132, %dot_general3A_133 {dimension_numbers = #tpu.dot_dimension_numbers<[1], [0], [0], [1], [0, 0, 1, 1], [], []>, transpose_lhs_hint = false} : vector<256x128xf32>, vector<128x128xf32>, vector<256x128xf32> -> vector<256x128xf32>
      %get3A_135 = arith.constant 1 : index
      %get3A_136 = arith.constant 0 : index
      %get3A_137 = vector.load %arg4[%get3A_135, %get3A_136] : memref<16x128xf32, #tpu.memory_space<vmem>>, vector<1x128xf32>
      %add3A_138 = vector.broadcast %get3A_137 : vector<1x128xf32> to vector<256x128xf32>
      %add3A_139 = arith.addf %dot_general3A_134, %add3A_138 : vector<256x128xf32>
      %jit3A_140 = arith.constant 0.000000e+00 : f32
      %broadcast_in_dim3A_141 = vector.shape_cast %and3A_127 : vector<256x1xi1> to vector<256x1xi1>
      %broadcast_in_dim3A_142 = vector.broadcast %broadcast_in_dim3A_141 : vector<256x1xi1> to vector<256x128xi1>
      %broadcast_in_dim3A_143 = vector.broadcast %jit3A_140 : f32 to vector<256x128xf32>
      %select_n3A_144 = arith.select %broadcast_in_dim3A_142, %add3A_139, %broadcast_in_dim3A_143 : vector<256x128xi1>, vector<256x128xf32>
      %add3A_145 = arith.addf %add3A_108, %select_n3A_144 : vector<256x128xf32>
      %mul3A_146 = arith.constant 16 : i32
      %mul3A_147 = arith.muli %arg0, %mul3A_146 : i32
      %add3A_148 = arith.constant 2 : i32
      %add3A_149 = arith.addi %mul3A_147, %add3A_148 : i32
      %get3A_150 = arith.index_cast %add3A_149 : i32 to index
      %get3A_151 = memref.load %arg1[%get3A_150] : memref<1025xi32, #tpu.memory_space<smem>>
      %mul3A_152 = arith.constant 16 : i32
      %mul3A_153 = arith.muli %arg0, %mul3A_152 : i32
      %add3A_154 = arith.constant 2 : i32
      %add3A_155 = arith.addi %mul3A_153, %add3A_154 : i32
      %add3A_156 = arith.constant 1 : i32
      %add3A_157 = arith.addi %add3A_155, %add3A_156 : i32
      %get3A_158 = arith.index_cast %add3A_157 : i32 to index
      %get3A_159 = memref.load %arg1[%get3A_158] : memref<1025xi32, #tpu.memory_space<smem>>
      %ge3A_160 = vector.broadcast %get3A_151 : i32 to vector<256x1xi32>
      %ge3A_161 = arith.cmpi sge, %add3A_73, %ge3A_160 : vector<256x1xi32>
      %lt3A_162 = vector.broadcast %get3A_159 : i32 to vector<256x1xi32>
      %lt3A_163 = arith.cmpi slt, %add3A_73, %lt3A_162 : vector<256x1xi32>
      %and3A_164 = arith.andi %ge3A_161, %lt3A_163 : vector<256x1xi1>
      %get3A_165 = arith.constant 2 : index
      %get3A_166 = arith.constant 0 : index
      %get3A_167 = arith.constant 0 : index
      %get3A_168 = vector.load %arg3[%get3A_165, %get3A_166, %get3A_167] : memref<16x128x128xf32, #tpu.memory_space<vmem>>, vector<1x128x128xf32>
      %get3A_169 = vector.shape_cast %get3A_168 : vector<1x128x128xf32> to vector<128x128xf32>
      %dot_general3A_170 = arith.constant dense<0.000000e+00> : vector<256x128xf32>
      %dot_general3A_171 = tpu.matmul %get3A_71, %get3A_169, %dot_general3A_170 {dimension_numbers = #tpu.dot_dimension_numbers<[1], [0], [0], [1], [0, 0, 1, 1], [], []>, transpose_lhs_hint = false} : vector<256x128xf32>, vector<128x128xf32>, vector<256x128xf32> -> vector<256x128xf32>
      %get3A_172 = arith.constant 2 : index
      %get3A_173 = arith.constant 0 : index
      %get3A_174 = vector.load %arg4[%get3A_172, %get3A_173] : memref<16x128xf32, #tpu.memory_space<vmem>>, vector<1x128xf32>
      %add3A_175 = vector.broadcast %get3A_174 : vector<1x128xf32> to vector<256x128xf32>
      %add3A_176 = arith.addf %dot_general3A_171, %add3A_175 : vector<256x128xf32>
      %jit3A_177 = arith.constant 0.000000e+00 : f32
      %broadcast_in_dim3A_178 = vector.shape_cast %and3A_164 : vector<256x1xi1> to vector<256x1xi1>
      %broadcast_in_dim3A_179 = vector.broadcast %broadcast_in_dim3A_178 : vector<256x1xi1> to vector<256x128xi1>
      %broadcast_in_dim3A_180 = vector.broadcast %jit3A_177 : f32 to vector<256x128xf32>
      %select_n3A_181 = arith.select %broadcast_in_dim3A_179, %add3A_176, %broadcast_in_dim3A_180 : vector<256x128xi1>, vector<256x128xf32>
      %add3A_182 = arith.addf %add3A_145, %select_n3A_181 : vector<256x128xf32>
      %mul3A_183 = arith.constant 16 : i32
      %mul3A_184 = arith.muli %arg0, %mul3A_183 : i32
      %add3A_185 = arith.constant 3 : i32
      %add3A_186 = arith.addi %mul3A_184, %add3A_185 : i32
      %get3A_187 = arith.index_cast %add3A_186 : i32 to index
      %get3A_188 = memref.load %arg1[%get3A_187] : memref<1025xi32, #tpu.memory_space<smem>>
      %mul3A_189 = arith.constant 16 : i32
      %mul3A_190 = arith.muli %arg0, %mul3A_189 : i32
      %add3A_191 = arith.constant 3 : i32
      %add3A_192 = arith.addi %mul3A_190, %add3A_191 : i32
      %add3A_193 = arith.constant 1 : i32
      %add3A_194 = arith.addi %add3A_192, %add3A_193 : i32
      %get3A_195 = arith.index_cast %add3A_194 : i32 to index
      %get3A_196 = memref.load %arg1[%get3A_195] : memref<1025xi32, #tpu.memory_space<smem>>
      %ge3A_197 = vector.broadcast %get3A_188 : i32 to vector<256x1xi32>
      %ge3A_198 = arith.cmpi sge, %add3A_73, %ge3A_197 : vector<256x1xi32>
      %lt3A_199 = vector.broadcast %get3A_196 : i32 to vector<256x1xi32>
      %lt3A_200 = arith.cmpi slt, %add3A_73, %lt3A_199 : vector<256x1xi32>
      %and3A_201 = arith.andi %ge3A_198, %lt3A_200 : vector<256x1xi1>
      %get3A_202 = arith.constant 3 : index
      %get3A_203 = arith.constant 0 : index
      %get3A_204 = arith.constant 0 : index
      %get3A_205 = vector.load %arg3[%get3A_202, %get3A_203, %get3A_204] : memref<16x128x128xf32, #tpu.memory_space<vmem>>, vector<1x128x128xf32>
      %get3A_206 = vector.shape_cast %get3A_205 : vector<1x128x128xf32> to vector<128x128xf32>
      %dot_general3A_207 = arith.constant dense<0.000000e+00> : vector<256x128xf32>
      %dot_general3A_208 = tpu.matmul %get3A_71, %get3A_206, %dot_general3A_207 {dimension_numbers = #tpu.dot_dimension_numbers<[1], [0], [0], [1], [0, 0, 1, 1], [], []>, transpose_lhs_hint = false} : vector<256x128xf32>, vector<128x128xf32>, vector<256x128xf32> -> vector<256x128xf32>
      %get3A_209 = arith.constant 3 : index
      %get3A_210 = arith.constant 0 : index
      %get3A_211 = vector.load %arg4[%get3A_209, %get3A_210] : memref<16x128xf32, #tpu.memory_space<vmem>>, vector<1x128xf32>
      %add3A_212 = vector.broadcast %get3A_211 : vector<1x128xf32> to vector<256x128xf32>
      %add3A_213 = arith.addf %dot_general3A_208, %add3A_212 : vector<256x128xf32>
      %jit3A_214 = arith.constant 0.000000e+00 : f32
      %broadcast_in_dim3A_215 = vector.shape_cast %and3A_201 : vector<256x1xi1> to vector<256x1xi1>
      %broadcast_in_dim3A_216 = vector.broadcast %broadcast_in_dim3A_215 : vector<256x1xi1> to vector<256x128xi1>
      %broadcast_in_dim3A_217 = vector.broadcast %jit3A_214 : f32 to vector<256x128xf32>
      %select_n3A_218 = arith.select %broadcast_in_dim3A_216, %add3A_213, %broadcast_in_dim3A_217 : vector<256x128xi1>, vector<256x128xf32>
      %add3A_219 = arith.addf %add3A_182, %select_n3A_218 : vector<256x128xf32>
      %mul3A_220 = arith.constant 16 : i32
      %mul3A_221 = arith.muli %arg0, %mul3A_220 : i32
      %add3A_222 = arith.constant 4 : i32
      %add3A_223 = arith.addi %mul3A_221, %add3A_222 : i32
      %get3A_224 = arith.index_cast %add3A_223 : i32 to index
      %get3A_225 = memref.load %arg1[%get3A_224] : memref<1025xi32, #tpu.memory_space<smem>>
      %mul3A_226 = arith.constant 16 : i32
      %mul3A_227 = arith.muli %arg0, %mul3A_226 : i32
      %add3A_228 = arith.constant 4 : i32
      %add3A_229 = arith.addi %mul3A_227, %add3A_228 : i32
      %add3A_230 = arith.constant 1 : i32
      %add3A_231 = arith.addi %add3A_229, %add3A_230 : i32
      %get3A_232 = arith.index_cast %add3A_231 : i32 to index
      %get3A_233 = memref.load %arg1[%get3A_232] : memref<1025xi32, #tpu.memory_space<smem>>
      %ge3A_234 = vector.broadcast %get3A_225 : i32 to vector<256x1xi32>
      %ge3A_235 = arith.cmpi sge, %add3A_73, %ge3A_234 : vector<256x1xi32>
      %lt3A_236 = vector.broadcast %get3A_233 : i32 to vector<256x1xi32>
      %lt3A_237 = arith.cmpi slt, %add3A_73, %lt3A_236 : vector<256x1xi32>
      %and3A_238 = arith.andi %ge3A_235, %lt3A_237 : vector<256x1xi1>
      %get3A_239 = arith.constant 4 : index
      %get3A_240 = arith.constant 0 : index
      %get3A_241 = arith.constant 0 : index
      %get3A_242 = vector.load %arg3[%get3A_239, %get3A_240, %get3A_241] : memref<16x128x128xf32, #tpu.memory_space<vmem>>, vector<1x128x128xf32>
      %get3A_243 = vector.shape_cast %get3A_242 : vector<1x128x128xf32> to vector<128x128xf32>
      %dot_general3A_244 = arith.constant dense<0.000000e+00> : vector<256x128xf32>
      %dot_general3A_245 = tpu.matmul %get3A_71, %get3A_243, %dot_general3A_244 {dimension_numbers = #tpu.dot_dimension_numbers<[1], [0], [0], [1], [0, 0, 1, 1], [], []>, transpose_lhs_hint = false} : vector<256x128xf32>, vector<128x128xf32>, vector<256x128xf32> -> vector<256x128xf32>
      %get3A_246 = arith.constant 4 : index
      %get3A_247 = arith.constant 0 : index
      %get3A_248 = vector.load %arg4[%get3A_246, %get3A_247] : memref<16x128xf32, #tpu.memory_space<vmem>>, vector<1x128xf32>
      %add3A_249 = vector.broadcast %get3A_248 : vector<1x128xf32> to vector<256x128xf32>
      %add3A_250 = arith.addf %dot_general3A_245, %add3A_249 : vector<256x128xf32>
      %jit3A_251 = arith.constant 0.000000e+00 : f32
      %broadcast_in_dim3A_252 = vector.shape_cast %and3A_238 : vector<256x1xi1> to vector<256x1xi1>
      %broadcast_in_dim3A_253 = vector.broadcast %broadcast_in_dim3A_252 : vector<256x1xi1> to vector<256x128xi1>
      %broadcast_in_dim3A_254 = vector.broadcast %jit3A_251 : f32 to vector<256x128xf32>
      %select_n3A_255 = arith.select %broadcast_in_dim3A_253, %add3A_250, %broadcast_in_dim3A_254 : vector<256x128xi1>, vector<256x128xf32>
      %add3A_256 = arith.addf %add3A_219, %select_n3A_255 : vector<256x128xf32>
      %mul3A_257 = arith.constant 16 : i32
      %mul3A_258 = arith.muli %arg0, %mul3A_257 : i32
      %add3A_259 = arith.constant 5 : i32
      %add3A_260 = arith.addi %mul3A_258, %add3A_259 : i32
      %get3A_261 = arith.index_cast %add3A_260 : i32 to index
      %get3A_262 = memref.load %arg1[%get3A_261] : memref<1025xi32, #tpu.memory_space<smem>>
      %mul3A_263 = arith.constant 16 : i32
      %mul3A_264 = arith.muli %arg0, %mul3A_263 : i32
      %add3A_265 = arith.constant 5 : i32
      %add3A_266 = arith.addi %mul3A_264, %add3A_265 : i32
      %add3A_267 = arith.constant 1 : i32
      %add3A_268 = arith.addi %add3A_266, %add3A_267 : i32
      %get3A_269 = arith.index_cast %add3A_268 : i32 to index
      %get3A_270 = memref.load %arg1[%get3A_269] : memref<1025xi32, #tpu.memory_space<smem>>
      %ge3A_271 = vector.broadcast %get3A_262 : i32 to vector<256x1xi32>
      %ge3A_272 = arith.cmpi sge, %add3A_73, %ge3A_271 : vector<256x1xi32>
      %lt3A_273 = vector.broadcast %get3A_270 : i32 to vector<256x1xi32>
      %lt3A_274 = arith.cmpi slt, %add3A_73, %lt3A_273 : vector<256x1xi32>
      %and3A_275 = arith.andi %ge3A_272, %lt3A_274 : vector<256x1xi1>
      %get3A_276 = arith.constant 5 : index
      %get3A_277 = arith.constant 0 : index
      %get3A_278 = arith.constant 0 : index
      %get3A_279 = vector.load %arg3[%get3A_276, %get3A_277, %get3A_278] : memref<16x128x128xf32, #tpu.memory_space<vmem>>, vector<1x128x128xf32>
      %get3A_280 = vector.shape_cast %get3A_279 : vector<1x128x128xf32> to vector<128x128xf32>
      %dot_general3A_281 = arith.constant dense<0.000000e+00> : vector<256x128xf32>
      %dot_general3A_282 = tpu.matmul %get3A_71, %get3A_280, %dot_general3A_281 {dimension_numbers = #tpu.dot_dimension_numbers<[1], [0], [0], [1], [0, 0, 1, 1], [], []>, transpose_lhs_hint = false} : vector<256x128xf32>, vector<128x128xf32>, vector<256x128xf32> -> vector<256x128xf32>
      %get3A_283 = arith.constant 5 : index
      %get3A_284 = arith.constant 0 : index
      %get3A_285 = vector.load %arg4[%get3A_283, %get3A_284] : memref<16x128xf32, #tpu.memory_space<vmem>>, vector<1x128xf32>
      %add3A_286 = vector.broadcast %get3A_285 : vector<1x128xf32> to vector<256x128xf32>
      %add3A_287 = arith.addf %dot_general3A_282, %add3A_286 : vector<256x128xf32>
      %jit3A_288 = arith.constant 0.000000e+00 : f32
      %broadcast_in_dim3A_289 = vector.shape_cast %and3A_275 : vector<256x1xi1> to vector<256x1xi1>
      %broadcast_in_dim3A_290 = vector.broadcast %broadcast_in_dim3A_289 : vector<256x1xi1> to vector<256x128xi1>
      %broadcast_in_dim3A_291 = vector.broadcast %jit3A_288 : f32 to vector<256x128xf32>
      %select_n3A_292 = arith.select %broadcast_in_dim3A_290, %add3A_287, %broadcast_in_dim3A_291 : vector<256x128xi1>, vector<256x128xf32>
      %add3A_293 = arith.addf %add3A_256, %select_n3A_292 : vector<256x128xf32>
      %mul3A_294 = arith.constant 16 : i32
      %mul3A_295 = arith.muli %arg0, %mul3A_294 : i32
      %add3A_296 = arith.constant 6 : i32
      %add3A_297 = arith.addi %mul3A_295, %add3A_296 : i32
      %get3A_298 = arith.index_cast %add3A_297 : i32 to index
      %get3A_299 = memref.load %arg1[%get3A_298] : memref<1025xi32, #tpu.memory_space<smem>>
      %mul3A_300 = arith.constant 16 : i32
      %mul3A_301 = arith.muli %arg0, %mul3A_300 : i32
      %add3A_302 = arith.constant 6 : i32
      %add3A_303 = arith.addi %mul3A_301, %add3A_302 : i32
      %add3A_304 = arith.constant 1 : i32
      %add3A_305 = arith.addi %add3A_303, %add3A_304 : i32
      %get3A_306 = arith.index_cast %add3A_305 : i32 to index
      %get3A_307 = memref.load %arg1[%get3A_306] : memref<1025xi32, #tpu.memory_space<smem>>
      %ge3A_308 = vector.broadcast %get3A_299 : i32 to vector<256x1xi32>
      %ge3A_309 = arith.cmpi sge, %add3A_73, %ge3A_308 : vector<256x1xi32>
      %lt3A_310 = vector.broadcast %get3A_307 : i32 to vector<256x1xi32>
      %lt3A_311 = arith.cmpi slt, %add3A_73, %lt3A_310 : vector<256x1xi32>
      %and3A_312 = arith.andi %ge3A_309, %lt3A_311 : vector<256x1xi1>
      %get3A_313 = arith.constant 6 : index
      %get3A_314 = arith.constant 0 : index
      %get3A_315 = arith.constant 0 : index
      %get3A_316 = vector.load %arg3[%get3A_313, %get3A_314, %get3A_315] : memref<16x128x128xf32, #tpu.memory_space<vmem>>, vector<1x128x128xf32>
      %get3A_317 = vector.shape_cast %get3A_316 : vector<1x128x128xf32> to vector<128x128xf32>
      %dot_general3A_318 = arith.constant dense<0.000000e+00> : vector<256x128xf32>
      %dot_general3A_319 = tpu.matmul %get3A_71, %get3A_317, %dot_general3A_318 {dimension_numbers = #tpu.dot_dimension_numbers<[1], [0], [0], [1], [0, 0, 1, 1], [], []>, transpose_lhs_hint = false} : vector<256x128xf32>, vector<128x128xf32>, vector<256x128xf32> -> vector<256x128xf32>
      %get3A_320 = arith.constant 6 : index
      %get3A_321 = arith.constant 0 : index
      %get3A_322 = vector.load %arg4[%get3A_320, %get3A_321] : memref<16x128xf32, #tpu.memory_space<vmem>>, vector<1x128xf32>
      %add3A_323 = vector.broadcast %get3A_322 : vector<1x128xf32> to vector<256x128xf32>
      %add3A_324 = arith.addf %dot_general3A_319, %add3A_323 : vector<256x128xf32>
      %jit3A_325 = arith.constant 0.000000e+00 : f32
      %broadcast_in_dim3A_326 = vector.shape_cast %and3A_312 : vector<256x1xi1> to vector<256x1xi1>
      %broadcast_in_dim3A_327 = vector.broadcast %broadcast_in_dim3A_326 : vector<256x1xi1> to vector<256x128xi1>
      %broadcast_in_dim3A_328 = vector.broadcast %jit3A_325 : f32 to vector<256x128xf32>
      %select_n3A_329 = arith.select %broadcast_in_dim3A_327, %add3A_324, %broadcast_in_dim3A_328 : vector<256x128xi1>, vector<256x128xf32>
      %add3A_330 = arith.addf %add3A_293, %select_n3A_329 : vector<256x128xf32>
      %mul3A_331 = arith.constant 16 : i32
      %mul3A_332 = arith.muli %arg0, %mul3A_331 : i32
      %add3A_333 = arith.constant 7 : i32
      %add3A_334 = arith.addi %mul3A_332, %add3A_333 : i32
      %get3A_335 = arith.index_cast %add3A_334 : i32 to index
      %get3A_336 = memref.load %arg1[%get3A_335] : memref<1025xi32, #tpu.memory_space<smem>>
      %mul3A_337 = arith.constant 16 : i32
      %mul3A_338 = arith.muli %arg0, %mul3A_337 : i32
      %add3A_339 = arith.constant 7 : i32
      %add3A_340 = arith.addi %mul3A_338, %add3A_339 : i32
      %add3A_341 = arith.constant 1 : i32
      %add3A_342 = arith.addi %add3A_340, %add3A_341 : i32
      %get3A_343 = arith.index_cast %add3A_342 : i32 to index
      %get3A_344 = memref.load %arg1[%get3A_343] : memref<1025xi32, #tpu.memory_space<smem>>
      %ge3A_345 = vector.broadcast %get3A_336 : i32 to vector<256x1xi32>
      %ge3A_346 = arith.cmpi sge, %add3A_73, %ge3A_345 : vector<256x1xi32>
      %lt3A_347 = vector.broadcast %get3A_344 : i32 to vector<256x1xi32>
      %lt3A_348 = arith.cmpi slt, %add3A_73, %lt3A_347 : vector<256x1xi32>
      %and3A_349 = arith.andi %ge3A_346, %lt3A_348 : vector<256x1xi1>
      %get3A_350 = arith.constant 7 : index
      %get3A_351 = arith.constant 0 : index
      %get3A_352 = arith.constant 0 : index
      %get3A_353 = vector.load %arg3[%get3A_350, %get3A_351, %get3A_352] : memref<16x128x128xf32, #tpu.memory_space<vmem>>, vector<1x128x128xf32>
      %get3A_354 = vector.shape_cast %get3A_353 : vector<1x128x128xf32> to vector<128x128xf32>
      %dot_general3A_355 = arith.constant dense<0.000000e+00> : vector<256x128xf32>
      %dot_general3A_356 = tpu.matmul %get3A_71, %get3A_354, %dot_general3A_355 {dimension_numbers = #tpu.dot_dimension_numbers<[1], [0], [0], [1], [0, 0, 1, 1], [], []>, transpose_lhs_hint = false} : vector<256x128xf32>, vector<128x128xf32>, vector<256x128xf32> -> vector<256x128xf32>
      %get3A_357 = arith.constant 7 : index
      %get3A_358 = arith.constant 0 : index
      %get3A_359 = vector.load %arg4[%get3A_357, %get3A_358] : memref<16x128xf32, #tpu.memory_space<vmem>>, vector<1x128xf32>
      %add3A_360 = vector.broadcast %get3A_359 : vector<1x128xf32> to vector<256x128xf32>
      %add3A_361 = arith.addf %dot_general3A_356, %add3A_360 : vector<256x128xf32>
      %jit3A_362 = arith.constant 0.000000e+00 : f32
      %broadcast_in_dim3A_363 = vector.shape_cast %and3A_349 : vector<256x1xi1> to vector<256x1xi1>
      %broadcast_in_dim3A_364 = vector.broadcast %broadcast_in_dim3A_363 : vector<256x1xi1> to vector<256x128xi1>
      %broadcast_in_dim3A_365 = vector.broadcast %jit3A_362 : f32 to vector<256x128xf32>
      %select_n3A_366 = arith.select %broadcast_in_dim3A_364, %add3A_361, %broadcast_in_dim3A_365 : vector<256x128xi1>, vector<256x128xf32>
      %add3A_367 = arith.addf %add3A_330, %select_n3A_366 : vector<256x128xf32>
      %mul3A_368 = arith.constant 16 : i32
      %mul3A_369 = arith.muli %arg0, %mul3A_368 : i32
      %add3A_370 = arith.constant 8 : i32
      %add3A_371 = arith.addi %mul3A_369, %add3A_370 : i32
      %get3A_372 = arith.index_cast %add3A_371 : i32 to index
      %get3A_373 = memref.load %arg1[%get3A_372] : memref<1025xi32, #tpu.memory_space<smem>>
      %mul3A_374 = arith.constant 16 : i32
      %mul3A_375 = arith.muli %arg0, %mul3A_374 : i32
      %add3A_376 = arith.constant 8 : i32
      %add3A_377 = arith.addi %mul3A_375, %add3A_376 : i32
      %add3A_378 = arith.constant 1 : i32
      %add3A_379 = arith.addi %add3A_377, %add3A_378 : i32
      %get3A_380 = arith.index_cast %add3A_379 : i32 to index
      %get3A_381 = memref.load %arg1[%get3A_380] : memref<1025xi32, #tpu.memory_space<smem>>
      %ge3A_382 = vector.broadcast %get3A_373 : i32 to vector<256x1xi32>
      %ge3A_383 = arith.cmpi sge, %add3A_73, %ge3A_382 : vector<256x1xi32>
      %lt3A_384 = vector.broadcast %get3A_381 : i32 to vector<256x1xi32>
      %lt3A_385 = arith.cmpi slt, %add3A_73, %lt3A_384 : vector<256x1xi32>
      %and3A_386 = arith.andi %ge3A_383, %lt3A_385 : vector<256x1xi1>
      %get3A_387 = arith.constant 8 : index
      %get3A_388 = arith.constant 0 : index
      %get3A_389 = arith.constant 0 : index
      %get3A_390 = vector.load %arg3[%get3A_387, %get3A_388, %get3A_389] : memref<16x128x128xf32, #tpu.memory_space<vmem>>, vector<1x128x128xf32>
      %get3A_391 = vector.shape_cast %get3A_390 : vector<1x128x128xf32> to vector<128x128xf32>
      %dot_general3A_392 = arith.constant dense<0.000000e+00> : vector<256x128xf32>
      %dot_general3A_393 = tpu.matmul %get3A_71, %get3A_391, %dot_general3A_392 {dimension_numbers = #tpu.dot_dimension_numbers<[1], [0], [0], [1], [0, 0, 1, 1], [], []>, transpose_lhs_hint = false} : vector<256x128xf32>, vector<128x128xf32>, vector<256x128xf32> -> vector<256x128xf32>
      %get3A_394 = arith.constant 8 : index
      %get3A_395 = arith.constant 0 : index
      %get3A_396 = vector.load %arg4[%get3A_394, %get3A_395] : memref<16x128xf32, #tpu.memory_space<vmem>>, vector<1x128xf32>
      %add3A_397 = vector.broadcast %get3A_396 : vector<1x128xf32> to vector<256x128xf32>
      %add3A_398 = arith.addf %dot_general3A_393, %add3A_397 : vector<256x128xf32>
      %jit3A_399 = arith.constant 0.000000e+00 : f32
      %broadcast_in_dim3A_400 = vector.shape_cast %and3A_386 : vector<256x1xi1> to vector<256x1xi1>
      %broadcast_in_dim3A_401 = vector.broadcast %broadcast_in_dim3A_400 : vector<256x1xi1> to vector<256x128xi1>
      %broadcast_in_dim3A_402 = vector.broadcast %jit3A_399 : f32 to vector<256x128xf32>
      %select_n3A_403 = arith.select %broadcast_in_dim3A_401, %add3A_398, %broadcast_in_dim3A_402 : vector<256x128xi1>, vector<256x128xf32>
      %add3A_404 = arith.addf %add3A_367, %select_n3A_403 : vector<256x128xf32>
      %mul3A_405 = arith.constant 16 : i32
      %mul3A_406 = arith.muli %arg0, %mul3A_405 : i32
      %add3A_407 = arith.constant 9 : i32
      %add3A_408 = arith.addi %mul3A_406, %add3A_407 : i32
      %get3A_409 = arith.index_cast %add3A_408 : i32 to index
      %get3A_410 = memref.load %arg1[%get3A_409] : memref<1025xi32, #tpu.memory_space<smem>>
      %mul3A_411 = arith.constant 16 : i32
      %mul3A_412 = arith.muli %arg0, %mul3A_411 : i32
      %add3A_413 = arith.constant 9 : i32
      %add3A_414 = arith.addi %mul3A_412, %add3A_413 : i32
      %add3A_415 = arith.constant 1 : i32
      %add3A_416 = arith.addi %add3A_414, %add3A_415 : i32
      %get3A_417 = arith.index_cast %add3A_416 : i32 to index
      %get3A_418 = memref.load %arg1[%get3A_417] : memref<1025xi32, #tpu.memory_space<smem>>
      %ge3A_419 = vector.broadcast %get3A_410 : i32 to vector<256x1xi32>
      %ge3A_420 = arith.cmpi sge, %add3A_73, %ge3A_419 : vector<256x1xi32>
      %lt3A_421 = vector.broadcast %get3A_418 : i32 to vector<256x1xi32>
      %lt3A_422 = arith.cmpi slt, %add3A_73, %lt3A_421 : vector<256x1xi32>
      %and3A_423 = arith.andi %ge3A_420, %lt3A_422 : vector<256x1xi1>
      %get3A_424 = arith.constant 9 : index
      %get3A_425 = arith.constant 0 : index
      %get3A_426 = arith.constant 0 : index
      %get3A_427 = vector.load %arg3[%get3A_424, %get3A_425, %get3A_426] : memref<16x128x128xf32, #tpu.memory_space<vmem>>, vector<1x128x128xf32>
      %get3A_428 = vector.shape_cast %get3A_427 : vector<1x128x128xf32> to vector<128x128xf32>
      %dot_general3A_429 = arith.constant dense<0.000000e+00> : vector<256x128xf32>
      %dot_general3A_430 = tpu.matmul %get3A_71, %get3A_428, %dot_general3A_429 {dimension_numbers = #tpu.dot_dimension_numbers<[1], [0], [0], [1], [0, 0, 1, 1], [], []>, transpose_lhs_hint = false} : vector<256x128xf32>, vector<128x128xf32>, vector<256x128xf32> -> vector<256x128xf32>
      %get3A_431 = arith.constant 9 : index
      %get3A_432 = arith.constant 0 : index
      %get3A_433 = vector.load %arg4[%get3A_431, %get3A_432] : memref<16x128xf32, #tpu.memory_space<vmem>>, vector<1x128xf32>
      %add3A_434 = vector.broadcast %get3A_433 : vector<1x128xf32> to vector<256x128xf32>
      %add3A_435 = arith.addf %dot_general3A_430, %add3A_434 : vector<256x128xf32>
      %jit3A_436 = arith.constant 0.000000e+00 : f32
      %broadcast_in_dim3A_437 = vector.shape_cast %and3A_423 : vector<256x1xi1> to vector<256x1xi1>
      %broadcast_in_dim3A_438 = vector.broadcast %broadcast_in_dim3A_437 : vector<256x1xi1> to vector<256x128xi1>
      %broadcast_in_dim3A_439 = vector.broadcast %jit3A_436 : f32 to vector<256x128xf32>
      %select_n3A_440 = arith.select %broadcast_in_dim3A_438, %add3A_435, %broadcast_in_dim3A_439 : vector<256x128xi1>, vector<256x128xf32>
      %add3A_441 = arith.addf %add3A_404, %select_n3A_440 : vector<256x128xf32>
      %mul3A_442 = arith.constant 16 : i32
      %mul3A_443 = arith.muli %arg0, %mul3A_442 : i32
      %add3A_444 = arith.constant 10 : i32
      %add3A_445 = arith.addi %mul3A_443, %add3A_444 : i32
      %get3A_446 = arith.index_cast %add3A_445 : i32 to index
      %get3A_447 = memref.load %arg1[%get3A_446] : memref<1025xi32, #tpu.memory_space<smem>>
      %mul3A_448 = arith.constant 16 : i32
      %mul3A_449 = arith.muli %arg0, %mul3A_448 : i32
      %add3A_450 = arith.constant 10 : i32
      %add3A_451 = arith.addi %mul3A_449, %add3A_450 : i32
      %add3A_452 = arith.constant 1 : i32
      %add3A_453 = arith.addi %add3A_451, %add3A_452 : i32
      %get3A_454 = arith.index_cast %add3A_453 : i32 to index
      %get3A_455 = memref.load %arg1[%get3A_454] : memref<1025xi32, #tpu.memory_space<smem>>
      %ge3A_456 = vector.broadcast %get3A_447 : i32 to vector<256x1xi32>
      %ge3A_457 = arith.cmpi sge, %add3A_73, %ge3A_456 : vector<256x1xi32>
      %lt3A_458 = vector.broadcast %get3A_455 : i32 to vector<256x1xi32>
      %lt3A_459 = arith.cmpi slt, %add3A_73, %lt3A_458 : vector<256x1xi32>
      %and3A_460 = arith.andi %ge3A_457, %lt3A_459 : vector<256x1xi1>
      %get3A_461 = arith.constant 10 : index
      %get3A_462 = arith.constant 0 : index
      %get3A_463 = arith.constant 0 : index
      %get3A_464 = vector.load %arg3[%get3A_461, %get3A_462, %get3A_463] : memref<16x128x128xf32, #tpu.memory_space<vmem>>, vector<1x128x128xf32>
      %get3A_465 = vector.shape_cast %get3A_464 : vector<1x128x128xf32> to vector<128x128xf32>
      %dot_general3A_466 = arith.constant dense<0.000000e+00> : vector<256x128xf32>
      %dot_general3A_467 = tpu.matmul %get3A_71, %get3A_465, %dot_general3A_466 {dimension_numbers = #tpu.dot_dimension_numbers<[1], [0], [0], [1], [0, 0, 1, 1], [], []>, transpose_lhs_hint = false} : vector<256x128xf32>, vector<128x128xf32>, vector<256x128xf32> -> vector<256x128xf32>
      %get3A_468 = arith.constant 10 : index
      %get3A_469 = arith.constant 0 : index
      %get3A_470 = vector.load %arg4[%get3A_468, %get3A_469] : memref<16x128xf32, #tpu.memory_space<vmem>>, vector<1x128xf32>
      %add3A_471 = vector.broadcast %get3A_470 : vector<1x128xf32> to vector<256x128xf32>
      %add3A_472 = arith.addf %dot_general3A_467, %add3A_471 : vector<256x128xf32>
      %jit3A_473 = arith.constant 0.000000e+00 : f32
      %broadcast_in_dim3A_474 = vector.shape_cast %and3A_460 : vector<256x1xi1> to vector<256x1xi1>
      %broadcast_in_dim3A_475 = vector.broadcast %broadcast_in_dim3A_474 : vector<256x1xi1> to vector<256x128xi1>
      %broadcast_in_dim3A_476 = vector.broadcast %jit3A_473 : f32 to vector<256x128xf32>
      %select_n3A_477 = arith.select %broadcast_in_dim3A_475, %add3A_472, %broadcast_in_dim3A_476 : vector<256x128xi1>, vector<256x128xf32>
      %add3A_478 = arith.addf %add3A_441, %select_n3A_477 : vector<256x128xf32>
      %mul3A_479 = arith.constant 16 : i32
      %mul3A_480 = arith.muli %arg0, %mul3A_479 : i32
      %add3A_481 = arith.constant 11 : i32
      %add3A_482 = arith.addi %mul3A_480, %add3A_481 : i32
      %get3A_483 = arith.index_cast %add3A_482 : i32 to index
      %get3A_484 = memref.load %arg1[%get3A_483] : memref<1025xi32, #tpu.memory_space<smem>>
      %mul3A_485 = arith.constant 16 : i32
      %mul3A_486 = arith.muli %arg0, %mul3A_485 : i32
      %add3A_487 = arith.constant 11 : i32
      %add3A_488 = arith.addi %mul3A_486, %add3A_487 : i32
      %add3A_489 = arith.constant 1 : i32
      %add3A_490 = arith.addi %add3A_488, %add3A_489 : i32
      %get3A_491 = arith.index_cast %add3A_490 : i32 to index
      %get3A_492 = memref.load %arg1[%get3A_491] : memref<1025xi32, #tpu.memory_space<smem>>
      %ge3A_493 = vector.broadcast %get3A_484 : i32 to vector<256x1xi32>
      %ge3A_494 = arith.cmpi sge, %add3A_73, %ge3A_493 : vector<256x1xi32>
      %lt3A_495 = vector.broadcast %get3A_492 : i32 to vector<256x1xi32>
      %lt3A_496 = arith.cmpi slt, %add3A_73, %lt3A_495 : vector<256x1xi32>
      %and3A_497 = arith.andi %ge3A_494, %lt3A_496 : vector<256x1xi1>
      %get3A_498 = arith.constant 11 : index
      %get3A_499 = arith.constant 0 : index
      %get3A_500 = arith.constant 0 : index
      %get3A_501 = vector.load %arg3[%get3A_498, %get3A_499, %get3A_500] : memref<16x128x128xf32, #tpu.memory_space<vmem>>, vector<1x128x128xf32>
      %get3A_502 = vector.shape_cast %get3A_501 : vector<1x128x128xf32> to vector<128x128xf32>
      %dot_general3A_503 = arith.constant dense<0.000000e+00> : vector<256x128xf32>
      %dot_general3A_504 = tpu.matmul %get3A_71, %get3A_502, %dot_general3A_503 {dimension_numbers = #tpu.dot_dimension_numbers<[1], [0], [0], [1], [0, 0, 1, 1], [], []>, transpose_lhs_hint = false} : vector<256x128xf32>, vector<128x128xf32>, vector<256x128xf32> -> vector<256x128xf32>
      %get3A_505 = arith.constant 11 : index
      %get3A_506 = arith.constant 0 : index
      %get3A_507 = vector.load %arg4[%get3A_505, %get3A_506] : memref<16x128xf32, #tpu.memory_space<vmem>>, vector<1x128xf32>
      %add3A_508 = vector.broadcast %get3A_507 : vector<1x128xf32> to vector<256x128xf32>
      %add3A_509 = arith.addf %dot_general3A_504, %add3A_508 : vector<256x128xf32>
      %jit3A_510 = arith.constant 0.000000e+00 : f32
      %broadcast_in_dim3A_511 = vector.shape_cast %and3A_497 : vector<256x1xi1> to vector<256x1xi1>
      %broadcast_in_dim3A_512 = vector.broadcast %broadcast_in_dim3A_511 : vector<256x1xi1> to vector<256x128xi1>
      %broadcast_in_dim3A_513 = vector.broadcast %jit3A_510 : f32 to vector<256x128xf32>
      %select_n3A_514 = arith.select %broadcast_in_dim3A_512, %add3A_509, %broadcast_in_dim3A_513 : vector<256x128xi1>, vector<256x128xf32>
      %add3A_515 = arith.addf %add3A_478, %select_n3A_514 : vector<256x128xf32>
      %mul3A_516 = arith.constant 16 : i32
      %mul3A_517 = arith.muli %arg0, %mul3A_516 : i32
      %add3A_518 = arith.constant 12 : i32
      %add3A_519 = arith.addi %mul3A_517, %add3A_518 : i32
      %get3A_520 = arith.index_cast %add3A_519 : i32 to index
      %get3A_521 = memref.load %arg1[%get3A_520] : memref<1025xi32, #tpu.memory_space<smem>>
      %mul3A_522 = arith.constant 16 : i32
      %mul3A_523 = arith.muli %arg0, %mul3A_522 : i32
      %add3A_524 = arith.constant 12 : i32
      %add3A_525 = arith.addi %mul3A_523, %add3A_524 : i32
      %add3A_526 = arith.constant 1 : i32
      %add3A_527 = arith.addi %add3A_525, %add3A_526 : i32
      %get3A_528 = arith.index_cast %add3A_527 : i32 to index
      %get3A_529 = memref.load %arg1[%get3A_528] : memref<1025xi32, #tpu.memory_space<smem>>
      %ge3A_530 = vector.broadcast %get3A_521 : i32 to vector<256x1xi32>
      %ge3A_531 = arith.cmpi sge, %add3A_73, %ge3A_530 : vector<256x1xi32>
      %lt3A_532 = vector.broadcast %get3A_529 : i32 to vector<256x1xi32>
      %lt3A_533 = arith.cmpi slt, %add3A_73, %lt3A_532 : vector<256x1xi32>
      %and3A_534 = arith.andi %ge3A_531, %lt3A_533 : vector<256x1xi1>
      %get3A_535 = arith.constant 12 : index
      %get3A_536 = arith.constant 0 : index
      %get3A_537 = arith.constant 0 : index
      %get3A_538 = vector.load %arg3[%get3A_535, %get3A_536, %get3A_537] : memref<16x128x128xf32, #tpu.memory_space<vmem>>, vector<1x128x128xf32>
      %get3A_539 = vector.shape_cast %get3A_538 : vector<1x128x128xf32> to vector<128x128xf32>
      %dot_general3A_540 = arith.constant dense<0.000000e+00> : vector<256x128xf32>
      %dot_general3A_541 = tpu.matmul %get3A_71, %get3A_539, %dot_general3A_540 {dimension_numbers = #tpu.dot_dimension_numbers<[1], [0], [0], [1], [0, 0, 1, 1], [], []>, transpose_lhs_hint = false} : vector<256x128xf32>, vector<128x128xf32>, vector<256x128xf32> -> vector<256x128xf32>
      %get3A_542 = arith.constant 12 : index
      %get3A_543 = arith.constant 0 : index
      %get3A_544 = vector.load %arg4[%get3A_542, %get3A_543] : memref<16x128xf32, #tpu.memory_space<vmem>>, vector<1x128xf32>
      %add3A_545 = vector.broadcast %get3A_544 : vector<1x128xf32> to vector<256x128xf32>
      %add3A_546 = arith.addf %dot_general3A_541, %add3A_545 : vector<256x128xf32>
      %jit3A_547 = arith.constant 0.000000e+00 : f32
      %broadcast_in_dim3A_548 = vector.shape_cast %and3A_534 : vector<256x1xi1> to vector<256x1xi1>
      %broadcast_in_dim3A_549 = vector.broadcast %broadcast_in_dim3A_548 : vector<256x1xi1> to vector<256x128xi1>
      %broadcast_in_dim3A_550 = vector.broadcast %jit3A_547 : f32 to vector<256x128xf32>
      %select_n3A_551 = arith.select %broadcast_in_dim3A_549, %add3A_546, %broadcast_in_dim3A_550 : vector<256x128xi1>, vector<256x128xf32>
      %add3A_552 = arith.addf %add3A_515, %select_n3A_551 : vector<256x128xf32>
      %mul3A_553 = arith.constant 16 : i32
      %mul3A_554 = arith.muli %arg0, %mul3A_553 : i32
      %add3A_555 = arith.constant 13 : i32
      %add3A_556 = arith.addi %mul3A_554, %add3A_555 : i32
      %get3A_557 = arith.index_cast %add3A_556 : i32 to index
      %get3A_558 = memref.load %arg1[%get3A_557] : memref<1025xi32, #tpu.memory_space<smem>>
      %mul3A_559 = arith.constant 16 : i32
      %mul3A_560 = arith.muli %arg0, %mul3A_559 : i32
      %add3A_561 = arith.constant 13 : i32
      %add3A_562 = arith.addi %mul3A_560, %add3A_561 : i32
      %add3A_563 = arith.constant 1 : i32
      %add3A_564 = arith.addi %add3A_562, %add3A_563 : i32
      %get3A_565 = arith.index_cast %add3A_564 : i32 to index
      %get3A_566 = memref.load %arg1[%get3A_565] : memref<1025xi32, #tpu.memory_space<smem>>
      %ge3A_567 = vector.broadcast %get3A_558 : i32 to vector<256x1xi32>
      %ge3A_568 = arith.cmpi sge, %add3A_73, %ge3A_567 : vector<256x1xi32>
      %lt3A_569 = vector.broadcast %get3A_566 : i32 to vector<256x1xi32>
      %lt3A_570 = arith.cmpi slt, %add3A_73, %lt3A_569 : vector<256x1xi32>
      %and3A_571 = arith.andi %ge3A_568, %lt3A_570 : vector<256x1xi1>
      %get3A_572 = arith.constant 13 : index
      %get3A_573 = arith.constant 0 : index
      %get3A_574 = arith.constant 0 : index
      %get3A_575 = vector.load %arg3[%get3A_572, %get3A_573, %get3A_574] : memref<16x128x128xf32, #tpu.memory_space<vmem>>, vector<1x128x128xf32>
      %get3A_576 = vector.shape_cast %get3A_575 : vector<1x128x128xf32> to vector<128x128xf32>
      %dot_general3A_577 = arith.constant dense<0.000000e+00> : vector<256x128xf32>
      %dot_general3A_578 = tpu.matmul %get3A_71, %get3A_576, %dot_general3A_577 {dimension_numbers = #tpu.dot_dimension_numbers<[1], [0], [0], [1], [0, 0, 1, 1], [], []>, transpose_lhs_hint = false} : vector<256x128xf32>, vector<128x128xf32>, vector<256x128xf32> -> vector<256x128xf32>
      %get3A_579 = arith.constant 13 : index
      %get3A_580 = arith.constant 0 : index
      %get3A_581 = vector.load %arg4[%get3A_579, %get3A_580] : memref<16x128xf32, #tpu.memory_space<vmem>>, vector<1x128xf32>
      %add3A_582 = vector.broadcast %get3A_581 : vector<1x128xf32> to vector<256x128xf32>
      %add3A_583 = arith.addf %dot_general3A_578, %add3A_582 : vector<256x128xf32>
      %jit3A_584 = arith.constant 0.000000e+00 : f32
      %broadcast_in_dim3A_585 = vector.shape_cast %and3A_571 : vector<256x1xi1> to vector<256x1xi1>
      %broadcast_in_dim3A_586 = vector.broadcast %broadcast_in_dim3A_585 : vector<256x1xi1> to vector<256x128xi1>
      %broadcast_in_dim3A_587 = vector.broadcast %jit3A_584 : f32 to vector<256x128xf32>
      %select_n3A_588 = arith.select %broadcast_in_dim3A_586, %add3A_583, %broadcast_in_dim3A_587 : vector<256x128xi1>, vector<256x128xf32>
      %add3A_589 = arith.addf %add3A_552, %select_n3A_588 : vector<256x128xf32>
      %mul3A_590 = arith.constant 16 : i32
      %mul3A_591 = arith.muli %arg0, %mul3A_590 : i32
      %add3A_592 = arith.constant 14 : i32
      %add3A_593 = arith.addi %mul3A_591, %add3A_592 : i32
      %get3A_594 = arith.index_cast %add3A_593 : i32 to index
      %get3A_595 = memref.load %arg1[%get3A_594] : memref<1025xi32, #tpu.memory_space<smem>>
      %mul3A_596 = arith.constant 16 : i32
      %mul3A_597 = arith.muli %arg0, %mul3A_596 : i32
      %add3A_598 = arith.constant 14 : i32
      %add3A_599 = arith.addi %mul3A_597, %add3A_598 : i32
      %add3A_600 = arith.constant 1 : i32
      %add3A_601 = arith.addi %add3A_599, %add3A_600 : i32
      %get3A_602 = arith.index_cast %add3A_601 : i32 to index
      %get3A_603 = memref.load %arg1[%get3A_602] : memref<1025xi32, #tpu.memory_space<smem>>
      %ge3A_604 = vector.broadcast %get3A_595 : i32 to vector<256x1xi32>
      %ge3A_605 = arith.cmpi sge, %add3A_73, %ge3A_604 : vector<256x1xi32>
      %lt3A_606 = vector.broadcast %get3A_603 : i32 to vector<256x1xi32>
      %lt3A_607 = arith.cmpi slt, %add3A_73, %lt3A_606 : vector<256x1xi32>
      %and3A_608 = arith.andi %ge3A_605, %lt3A_607 : vector<256x1xi1>
      %get3A_609 = arith.constant 14 : index
      %get3A_610 = arith.constant 0 : index
      %get3A_611 = arith.constant 0 : index
      %get3A_612 = vector.load %arg3[%get3A_609, %get3A_610, %get3A_611] : memref<16x128x128xf32, #tpu.memory_space<vmem>>, vector<1x128x128xf32>
      %get3A_613 = vector.shape_cast %get3A_612 : vector<1x128x128xf32> to vector<128x128xf32>
      %dot_general3A_614 = arith.constant dense<0.000000e+00> : vector<256x128xf32>
      %dot_general3A_615 = tpu.matmul %get3A_71, %get3A_613, %dot_general3A_614 {dimension_numbers = #tpu.dot_dimension_numbers<[1], [0], [0], [1], [0, 0, 1, 1], [], []>, transpose_lhs_hint = false} : vector<256x128xf32>, vector<128x128xf32>, vector<256x128xf32> -> vector<256x128xf32>
      %get3A_616 = arith.constant 14 : index
      %get3A_617 = arith.constant 0 : index
      %get3A_618 = vector.load %arg4[%get3A_616, %get3A_617] : memref<16x128xf32, #tpu.memory_space<vmem>>, vector<1x128xf32>
      %add3A_619 = vector.broadcast %get3A_618 : vector<1x128xf32> to vector<256x128xf32>
      %add3A_620 = arith.addf %dot_general3A_615, %add3A_619 : vector<256x128xf32>
      %jit3A_621 = arith.constant 0.000000e+00 : f32
      %broadcast_in_dim3A_622 = vector.shape_cast %and3A_608 : vector<256x1xi1> to vector<256x1xi1>
      %broadcast_in_dim3A_623 = vector.broadcast %broadcast_in_dim3A_622 : vector<256x1xi1> to vector<256x128xi1>
      %broadcast_in_dim3A_624 = vector.broadcast %jit3A_621 : f32 to vector<256x128xf32>
      %select_n3A_625 = arith.select %broadcast_in_dim3A_623, %add3A_620, %broadcast_in_dim3A_624 : vector<256x128xi1>, vector<256x128xf32>
      %add3A_626 = arith.addf %add3A_589, %select_n3A_625 : vector<256x128xf32>
      %mul3A_627 = arith.constant 16 : i32
      %mul3A_628 = arith.muli %arg0, %mul3A_627 : i32
      %add3A_629 = arith.constant 15 : i32
      %add3A_630 = arith.addi %mul3A_628, %add3A_629 : i32
      %get3A_631 = arith.index_cast %add3A_630 : i32 to index
      %get3A_632 = memref.load %arg1[%get3A_631] : memref<1025xi32, #tpu.memory_space<smem>>
      %mul3A_633 = arith.constant 16 : i32
      %mul3A_634 = arith.muli %arg0, %mul3A_633 : i32
      %add3A_635 = arith.constant 15 : i32
      %add3A_636 = arith.addi %mul3A_634, %add3A_635 : i32
      %add3A_637 = arith.constant 1 : i32
      %add3A_638 = arith.addi %add3A_636, %add3A_637 : i32
      %get3A_639 = arith.index_cast %add3A_638 : i32 to index
      %get3A_640 = memref.load %arg1[%get3A_639] : memref<1025xi32, #tpu.memory_space<smem>>
      %ge3A_641 = vector.broadcast %get3A_632 : i32 to vector<256x1xi32>
      %ge3A_642 = arith.cmpi sge, %add3A_73, %ge3A_641 : vector<256x1xi32>
      %lt3A_643 = vector.broadcast %get3A_640 : i32 to vector<256x1xi32>
      %lt3A_644 = arith.cmpi slt, %add3A_73, %lt3A_643 : vector<256x1xi32>
      %and3A_645 = arith.andi %ge3A_642, %lt3A_644 : vector<256x1xi1>
      %get3A_646 = arith.constant 15 : index
      %get3A_647 = arith.constant 0 : index
      %get3A_648 = arith.constant 0 : index
      %get3A_649 = vector.load %arg3[%get3A_646, %get3A_647, %get3A_648] : memref<16x128x128xf32, #tpu.memory_space<vmem>>, vector<1x128x128xf32>
      %get3A_650 = vector.shape_cast %get3A_649 : vector<1x128x128xf32> to vector<128x128xf32>
      %dot_general3A_651 = arith.constant dense<0.000000e+00> : vector<256x128xf32>
      %dot_general3A_652 = tpu.matmul %get3A_71, %get3A_650, %dot_general3A_651 {dimension_numbers = #tpu.dot_dimension_numbers<[1], [0], [0], [1], [0, 0, 1, 1], [], []>, transpose_lhs_hint = false} : vector<256x128xf32>, vector<128x128xf32>, vector<256x128xf32> -> vector<256x128xf32>
      %get3A_653 = arith.constant 15 : index
      %get3A_654 = arith.constant 0 : index
      %get3A_655 = vector.load %arg4[%get3A_653, %get3A_654] : memref<16x128xf32, #tpu.memory_space<vmem>>, vector<1x128xf32>
      %add3A_656 = vector.broadcast %get3A_655 : vector<1x128xf32> to vector<256x128xf32>
      %add3A_657 = arith.addf %dot_general3A_652, %add3A_656 : vector<256x128xf32>
      %jit3A_658 = arith.constant 0.000000e+00 : f32
      %broadcast_in_dim3A_659 = vector.shape_cast %and3A_645 : vector<256x1xi1> to vector<256x1xi1>
      %broadcast_in_dim3A_660 = vector.broadcast %broadcast_in_dim3A_659 : vector<256x1xi1> to vector<256x128xi1>
      %broadcast_in_dim3A_661 = vector.broadcast %jit3A_658 : f32 to vector<256x128xf32>
      %select_n3A_662 = arith.select %broadcast_in_dim3A_660, %add3A_657, %broadcast_in_dim3A_661 : vector<256x128xi1>, vector<256x128xf32>
      %add3A_663 = arith.addf %add3A_626, %select_n3A_662 : vector<256x128xf32>
      %get3A_664 = arith.index_cast %add3A_68 : i32 to index
      %get3A_665 = arith.constant 0 : index
      %get3A_666 = vector.load %arg5[%get3A_664, %get3A_665] : memref<16640x128xf32, #tpu.memory_space<vmem>>, vector<256x128xf32>
      %add3A_667 = arith.addf %get3A_666, %add3A_663 : vector<256x128xf32>
      %swap3A = arith.index_cast %add3A_68 : i32 to index
      %swap3A_668 = arith.constant 0 : index
      %swap3A_669 = vector.load %arg5[%swap3A, %swap3A_668] : memref<16640x128xf32, #tpu.memory_space<vmem>>, vector<256x128xf32>
      tpu.vector_store %arg5[%swap3A, %swap3A_668], %add3A_667 {strides = array<i32>} : memref<16640x128xf32, #tpu.memory_space<vmem>>, vector<256x128xf32>,
    }
    %while3A_64 = arith.constant 1 : i32
    scf.for %while3A_65 = %while3A_62 to %while3A_58 step %while3A_64  : i32 {
      %mul3A_66 = arith.constant 256 : i32
      %mul3A_67 = arith.muli %while3A_65, %mul3A_66 : i32
      %add3A_68 = arith.addi %mul3A_26, %mul3A_67 : i32
      %get3A_69 = arith.index_cast %add3A_68 : i32 to index
      %get3A_70 = arith.constant 0 : index
      %get3A_71 = vector.load %arg2[%get3A_69, %get3A_70] : memref<16640x128xf32, #tpu.memory_space<vmem>>, vector<256x128xf32>
      %iota3A = tpu.iota {dimensions = array<i32: 0>} : vector<256x1xi32>
      %add3A_72 = vector.broadcast %add3A_68 : i32 to vector<256x1xi32>
      %add3A_73 = arith.addi %add3A_72, %iota3A : vector<256x1xi32>
      %broadcast_in_dim3A = arith.constant 0.000000e+00 : f32
      %broadcast_in_dim3A_74 = vector.broadcast %broadcast_in_dim3A : f32 to vector<256x128xf32>
      %mul3A_75 = arith.constant 16 : i32
      %mul3A_76 = arith.muli %arg0, %mul3A_75 : i32
      %add3A_77 = arith.constant 0 : i32
      %add3A_78 = arith.addi %mul3A_76, %add3A_77 : i32
      %get3A_79 = arith.index_cast %add3A_78 : i32 to index
      %get3A_80 = memref.load %arg1[%get3A_79] : memref<1025xi32, #tpu.memory_space<smem>>
      %mul3A_81 = arith.constant 16 : i32
      %mul3A_82 = arith.muli %arg0, %mul3A_81 : i32
      %add3A_83 = arith.constant 0 : i32
      %add3A_84 = arith.addi %mul3A_82, %add3A_83 : i32
      %add3A_85 = arith.constant 1 : i32
      %add3A_86 = arith.addi %add3A_84, %add3A_85 : i32
      %get3A_87 = arith.index_cast %add3A_86 : i32 to index
      %get3A_88 = memref.load %arg1[%get3A_87] : memref<1025xi32, #tpu.memory_space<smem>>
      %ge3A = vector.broadcast %get3A_80 : i32 to vector<256x1xi32>
      %ge3A_89 = arith.cmpi sge, %add3A_73, %ge3A : vector<256x1xi32>
      %lt3A = vector.broadcast %get3A_88 : i32 to vector<256x1xi32>
      %lt3A_90 = arith.cmpi slt, %add3A_73, %lt3A : vector<256x1xi32>
      %and3A_91 = arith.andi %ge3A_89, %lt3A_90 : vector<256x1xi1>
      %get3A_92 = arith.constant 0 : index
      %get3A_93 = arith.constant 0 : index
      %get3A_94 = arith.constant 0 : index
      %get3A_95 = vector.load %arg3[%get3A_92, %get3A_93, %get3A_94] : memref<16x128x128xf32, #tpu.memory_space<vmem>>, vector<1x128x128xf32>
      %get3A_96 = vector.shape_cast %get3A_95 : vector<1x128x128xf32> to vector<128x128xf32>
      %dot_general3A = arith.constant dense<0.000000e+00> : vector<256x128xf32>
      %dot_general3A_97 = tpu.matmul %get3A_71, %get3A_96, %dot_general3A {dimension_numbers = #tpu.dot_dimension_numbers<[1], [0], [0], [1], [0, 0, 1, 1], [], []>, transpose_lhs_hint = false} : vector<256x128xf32>, vector<128x128xf32>, vector<256x128xf32> -> vector<256x128xf32>
      %get3A_98 = arith.constant 0 : index
      %get3A_99 = arith.constant 0 : index
      %get3A_100 = vector.load %arg4[%get3A_98, %get3A_99] : memref<16x128xf32, #tpu.memory_space<vmem>>, vector<1x128xf32>
      %add3A_101 = vector.broadcast %get3A_100 : vector<1x128xf32> to vector<256x128xf32>
      %add3A_102 = arith.addf %dot_general3A_97, %add3A_101 : vector<256x128xf32>
      %jit3A_103 = arith.constant 0.000000e+00 : f32
      %broadcast_in_dim3A_104 = vector.shape_cast %and3A_91 : vector<256x1xi1> to vector<256x1xi1>
      %broadcast_in_dim3A_105 = vector.broadcast %broadcast_in_dim3A_104 : vector<256x1xi1> to vector<256x128xi1>
      %broadcast_in_dim3A_106 = vector.broadcast %jit3A_103 : f32 to vector<256x128xf32>
      %select_n3A_107 = arith.select %broadcast_in_dim3A_105, %add3A_102, %broadcast_in_dim3A_106 : vector<256x128xi1>, vector<256x128xf32>
      %add3A_108 = arith.addf %broadcast_in_dim3A_74, %select_n3A_107 : vector<256x128xf32>
      %mul3A_109 = arith.constant 16 : i32
      %mul3A_110 = arith.muli %arg0, %mul3A_109 : i32
      %add3A_111 = arith.constant 1 : i32
      %add3A_112 = arith.addi %mul3A_110, %add3A_111 : i32
      %get3A_113 = arith.index_cast %add3A_112 : i32 to index
      %get3A_114 = memref.load %arg1[%get3A_113] : memref<1025xi32, #tpu.memory_space<smem>>
      %mul3A_115 = arith.constant 16 : i32
      %mul3A_116 = arith.muli %arg0, %mul3A_115 : i32
      %add3A_117 = arith.constant 1 : i32
      %add3A_118 = arith.addi %mul3A_116, %add3A_117 : i32
      %add3A_119 = arith.constant 1 : i32
      %add3A_120 = arith.addi %add3A_118, %add3A_119 : i32
      %get3A_121 = arith.index_cast %add3A_120 : i32 to index
      %get3A_122 = memref.load %arg1[%get3A_121] : memref<1025xi32, #tpu.memory_space<smem>>
      %ge3A_123 = vector.broadcast %get3A_114 : i32 to vector<256x1xi32>
      %ge3A_124 = arith.cmpi sge, %add3A_73, %ge3A_123 : vector<256x1xi32>
      %lt3A_125 = vector.broadcast %get3A_122 : i32 to vector<256x1xi32>
      %lt3A_126 = arith.cmpi slt, %add3A_73, %lt3A_125 : vector<256x1xi32>
      %and3A_127 = arith.andi %ge3A_124, %lt3A_126 : vector<256x1xi1>
      %get3A_128 = arith.constant 1 : index
      %get3A_129 = arith.constant 0 : index
      %get3A_130 = arith.constant 0 : index
      %get3A_131 = vector.load %arg3[%get3A_128, %get3A_129, %get3A_130] : memref<16x128x128xf32, #tpu.memory_space<vmem>>, vector<1x128x128xf32>
      %get3A_132 = vector.shape_cast %get3A_131 : vector<1x128x128xf32> to vector<128x128xf32>
      %dot_general3A_133 = arith.constant dense<0.000000e+00> : vector<256x128xf32>
      %dot_general3A_134 = tpu.matmul %get3A_71, %get3A_132, %dot_general3A_133 {dimension_numbers = #tpu.dot_dimension_numbers<[1], [0], [0], [1], [0, 0, 1, 1], [], []>, transpose_lhs_hint = false} : vector<256x128xf32>, vector<128x128xf32>, vector<256x128xf32> -> vector<256x128xf32>
      %get3A_135 = arith.constant 1 : index
      %get3A_136 = arith.constant 0 : index
      %get3A_137 = vector.load %arg4[%get3A_135, %get3A_136] : memref<16x128xf32, #tpu.memory_space<vmem>>, vector<1x128xf32>
      %add3A_138 = vector.broadcast %get3A_137 : vector<1x128xf32> to vector<256x128xf32>
      %add3A_139 = arith.addf %dot_general3A_134, %add3A_138 : vector<256x128xf32>
      %jit3A_140 = arith.constant 0.000000e+00 : f32
      %broadcast_in_dim3A_141 = vector.shape_cast %and3A_127 : vector<256x1xi1> to vector<256x1xi1>
      %broadcast_in_dim3A_142 = vector.broadcast %broadcast_in_dim3A_141 : vector<256x1xi1> to vector<256x128xi1>
      %broadcast_in_dim3A_143 = vector.broadcast %jit3A_140 : f32 to vector<256x128xf32>
      %select_n3A_144 = arith.select %broadcast_in_dim3A_142, %add3A_139, %broadcast_in_dim3A_143 : vector<256x128xi1>, vector<256x128xf32>
      %add3A_145 = arith.addf %add3A_108, %select_n3A_144 : vector<256x128xf32>
      %mul3A_146 = arith.constant 16 : i32
      %mul3A_147 = arith.muli %arg0, %mul3A_146 : i32
      %add3A_148 = arith.constant 2 : i32
      %add3A_149 = arith.addi %mul3A_147, %add3A_148 : i32
      %get3A_150 = arith.index_cast %add3A_149 : i32 to index
      %get3A_151 = memref.load %arg1[%get3A_150] : memref<1025xi32, #tpu.memory_space<smem>>
      %mul3A_152 = arith.constant 16 : i32
      %mul3A_153 = arith.muli %arg0, %mul3A_152 : i32
      %add3A_154 = arith.constant 2 : i32
      %add3A_155 = arith.addi %mul3A_153, %add3A_154 : i32
      %add3A_156 = arith.constant 1 : i32
      %add3A_157 = arith.addi %add3A_155, %add3A_156 : i32
      %get3A_158 = arith.index_cast %add3A_157 : i32 to index
      %get3A_159 = memref.load %arg1[%get3A_158] : memref<1025xi32, #tpu.memory_space<smem>>
      %ge3A_160 = vector.broadcast %get3A_151 : i32 to vector<256x1xi32>
      %ge3A_161 = arith.cmpi sge, %add3A_73, %ge3A_160 : vector<256x1xi32>
      %lt3A_162 = vector.broadcast %get3A_159 : i32 to vector<256x1xi32>
      %lt3A_163 = arith.cmpi slt, %add3A_73, %lt3A_162 : vector<256x1xi32>
      %and3A_164 = arith.andi %ge3A_161, %lt3A_163 : vector<256x1xi1>
      %get3A_165 = arith.constant 2 : index
      %get3A_166 = arith.constant 0 : index
      %get3A_167 = arith.constant 0 : index
      %get3A_168 = vector.load %arg3[%get3A_165, %get3A_166, %get3A_167] : memref<16x128x128xf32, #tpu.memory_space<vmem>>, vector<1x128x128xf32>
      %get3A_169 = vector.shape_cast %get3A_168 : vector<1x128x128xf32> to vector<128x128xf32>
      %dot_general3A_170 = arith.constant dense<0.000000e+00> : vector<256x128xf32>
      %dot_general3A_171 = tpu.matmul %get3A_71, %get3A_169, %dot_general3A_170 {dimension_numbers = #tpu.dot_dimension_numbers<[1], [0], [0], [1], [0, 0, 1, 1], [], []>, transpose_lhs_hint = false} : vector<256x128xf32>, vector<128x128xf32>, vector<256x128xf32> -> vector<256x128xf32>
      %get3A_172 = arith.constant 2 : index
      %get3A_173 = arith.constant 0 : index
      %get3A_174 = vector.load %arg4[%get3A_172, %get3A_173] : memref<16x128xf32, #tpu.memory_space<vmem>>, vector<1x128xf32>
      %add3A_175 = vector.broadcast %get3A_174 : vector<1x128xf32> to vector<256x128xf32>
      %add3A_176 = arith.addf %dot_general3A_171, %add3A_175 : vector<256x128xf32>
      %jit3A_177 = arith.constant 0.000000e+00 : f32
      %broadcast_in_dim3A_178 = vector.shape_cast %and3A_164 : vector<256x1xi1> to vector<256x1xi1>
      %broadcast_in_dim3A_179 = vector.broadcast %broadcast_in_dim3A_178 : vector<256x1xi1> to vector<256x128xi1>
      %broadcast_in_dim3A_180 = vector.broadcast %jit3A_177 : f32 to vector<256x128xf32>
      %select_n3A_181 = arith.select %broadcast_in_dim3A_179, %add3A_176, %broadcast_in_dim3A_180 : vector<256x128xi1>, vector<256x128xf32>
      %add3A_182 = arith.addf %add3A_145, %select_n3A_181 : vector<256x128xf32>
      %mul3A_183 = arith.constant 16 : i32
      %mul3A_184 = arith.muli %arg0, %mul3A_183 : i32
      %add3A_185 = arith.constant 3 : i32
      %add3A_186 = arith.addi %mul3A_184, %add3A_185 : i32
      %get3A_187 = arith.index_cast %add3A_186 : i32 to index
      %get3A_188 = memref.load %arg1[%get3A_187] : memref<1025xi32, #tpu.memory_space<smem>>
      %mul3A_189 = arith.constant 16 : i32
      %mul3A_190 = arith.muli %arg0, %mul3A_189 : i32
      %add3A_191 = arith.constant 3 : i32
      %add3A_192 = arith.addi %mul3A_190, %add3A_191 : i32
      %add3A_193 = arith.constant 1 : i32
      %add3A_194 = arith.addi %add3A_192, %add3A_193 : i32
      %get3A_195 = arith.index_cast %add3A_194 : i32 to index
      %get3A_196 = memref.load %arg1[%get3A_195] : memref<1025xi32, #tpu.memory_space<smem>>
      %ge3A_197 = vector.broadcast %get3A_188 : i32 to vector<256x1xi32>
      %ge3A_198 = arith.cmpi sge, %add3A_73, %ge3A_197 : vector<256x1xi32>
      %lt3A_199 = vector.broadcast %get3A_196 : i32 to vector<256x1xi32>
      %lt3A_200 = arith.cmpi slt, %add3A_73, %lt3A_199 : vector<256x1xi32>
      %and3A_201 = arith.andi %ge3A_198, %lt3A_200 : vector<256x1xi1>
      %get3A_202 = arith.constant 3 : index
      %get3A_203 = arith.constant 0 : index
      %get3A_204 = arith.constant 0 : index
      %get3A_205 = vector.load %arg3[%get3A_202, %get3A_203, %get3A_204] : memref<16x128x128xf32, #tpu.memory_space<vmem>>, vector<1x128x128xf32>
      %get3A_206 = vector.shape_cast %get3A_205 : vector<1x128x128xf32> to vector<128x128xf32>
      %dot_general3A_207 = arith.constant dense<0.000000e+00> : vector<256x128xf32>
      %dot_general3A_208 = tpu.matmul %get3A_71, %get3A_206, %dot_general3A_207 {dimension_numbers = #tpu.dot_dimension_numbers<[1], [0], [0], [1], [0, 0, 1, 1], [], []>, transpose_lhs_hint = false} : vector<256x128xf32>, vector<128x128xf32>, vector<256x128xf32> -> vector<256x128xf32>
      %get3A_209 = arith.constant 3 : index
      %get3A_210 = arith.constant 0 : index
      %get3A_211 = vector.load %arg4[%get3A_209, %get3A_210] : memref<16x128xf32, #tpu.memory_space<vmem>>, vector<1x128xf32>
      %add3A_212 = vector.broadcast %get3A_211 : vector<1x128xf32> to vector<256x128xf32>
      %add3A_213 = arith.addf %dot_general3A_208, %add3A_212 : vector<256x128xf32>
      %jit3A_214 = arith.constant 0.000000e+00 : f32
      %broadcast_in_dim3A_215 = vector.shape_cast %and3A_201 : vector<256x1xi1> to vector<256x1xi1>
      %broadcast_in_dim3A_216 = vector.broadcast %broadcast_in_dim3A_215 : vector<256x1xi1> to vector<256x128xi1>
      %broadcast_in_dim3A_217 = vector.broadcast %jit3A_214 : f32 to vector<256x128xf32>
      %select_n3A_218 = arith.select %broadcast_in_dim3A_216, %add3A_213, %broadcast_in_dim3A_217 : vector<256x128xi1>, vector<256x128xf32>
      %add3A_219 = arith.addf %add3A_182, %select_n3A_218 : vector<256x128xf32>
      %mul3A_220 = arith.constant 16 : i32
      %mul3A_221 = arith.muli %arg0, %mul3A_220 : i32
      %add3A_222 = arith.constant 4 : i32
      %add3A_223 = arith.addi %mul3A_221, %add3A_222 : i32
      %get3A_224 = arith.index_cast %add3A_223 : i32 to index
      %get3A_225 = memref.load %arg1[%get3A_224] : memref<1025xi32, #tpu.memory_space<smem>>
      %mul3A_226 = arith.constant 16 : i32
      %mul3A_227 = arith.muli %arg0, %mul3A_226 : i32
      %add3A_228 = arith.constant 4 : i32
      %add3A_229 = arith.addi %mul3A_227, %add3A_228 : i32
      %add3A_230 = arith.constant 1 : i32
      %add3A_231 = arith.addi %add3A_229, %add3A_230 : i32
      %get3A_232 = arith.index_cast %add3A_231 : i32 to index
      %get3A_233 = memref.load %arg1[%get3A_232] : memref<1025xi32, #tpu.memory_space<smem>>
      %ge3A_234 = vector.broadcast %get3A_225 : i32 to vector<256x1xi32>
      %ge3A_235 = arith.cmpi sge, %add3A_73, %ge3A_234 : vector<256x1xi32>
      %lt3A_236 = vector.broadcast %get3A_233 : i32 to vector<256x1xi32>
      %lt3A_237 = arith.cmpi slt, %add3A_73, %lt3A_236 : vector<256x1xi32>
      %and3A_238 = arith.andi %ge3A_235, %lt3A_237 : vector<256x1xi1>
      %get3A_239 = arith.constant 4 : index
      %get3A_240 = arith.constant 0 : index
      %get3A_241 = arith.constant 0 : index
      %get3A_242 = vector.load %arg3[%get3A_239, %get3A_240, %get3A_241] : memref<16x128x128xf32, #tpu.memory_space<vmem>>, vector<1x128x128xf32>
      %get3A_243 = vector.shape_cast %get3A_242 : vector<1x128x128xf32> to vector<128x128xf32>
      %dot_general3A_244 = arith.constant dense<0.000000e+00> : vector<256x128xf32>
      %dot_general3A_245 = tpu.matmul %get3A_71, %get3A_243, %dot_general3A_244 {dimension_numbers = #tpu.dot_dimension_numbers<[1], [0], [0], [1], [0, 0, 1, 1], [], []>, transpose_lhs_hint = false} : vector<256x128xf32>, vector<128x128xf32>, vector<256x128xf32> -> vector<256x128xf32>
      %get3A_246 = arith.constant 4 : index
      %get3A_247 = arith.constant 0 : index
      %get3A_248 = vector.load %arg4[%get3A_246, %get3A_247] : memref<16x128xf32, #tpu.memory_space<vmem>>, vector<1x128xf32>
      %add3A_249 = vector.broadcast %get3A_248 : vector<1x128xf32> to vector<256x128xf32>
      %add3A_250 = arith.addf %dot_general3A_245, %add3A_249 : vector<256x128xf32>
      %jit3A_251 = arith.constant 0.000000e+00 : f32
      %broadcast_in_dim3A_252 = vector.shape_cast %and3A_238 : vector<256x1xi1> to vector<256x1xi1>
      %broadcast_in_dim3A_253 = vector.broadcast %broadcast_in_dim3A_252 : vector<256x1xi1> to vector<256x128xi1>
      %broadcast_in_dim3A_254 = vector.broadcast %jit3A_251 : f32 to vector<256x128xf32>
      %select_n3A_255 = arith.select %broadcast_in_dim3A_253, %add3A_250, %broadcast_in_dim3A_254 : vector<256x128xi1>, vector<256x128xf32>
      %add3A_256 = arith.addf %add3A_219, %select_n3A_255 : vector<256x128xf32>
      %mul3A_257 = arith.constant 16 : i32
      %mul3A_258 = arith.muli %arg0, %mul3A_257 : i32
      %add3A_259 = arith.constant 5 : i32
      %add3A_260 = arith.addi %mul3A_258, %add3A_259 : i32
      %get3A_261 = arith.index_cast %add3A_260 : i32 to index
      %get3A_262 = memref.load %arg1[%get3A_261] : memref<1025xi32, #tpu.memory_space<smem>>
      %mul3A_263 = arith.constant 16 : i32
      %mul3A_264 = arith.muli %arg0, %mul3A_263 : i32
      %add3A_265 = arith.constant 5 : i32
      %add3A_266 = arith.addi %mul3A_264, %add3A_265 : i32
      %add3A_267 = arith.constant 1 : i32
      %add3A_268 = arith.addi %add3A_266, %add3A_267 : i32
      %get3A_269 = arith.index_cast %add3A_268 : i32 to index
      %get3A_270 = memref.load %arg1[%get3A_269] : memref<1025xi32, #tpu.memory_space<smem>>
      %ge3A_271 = vector.broadcast %get3A_262 : i32 to vector<256x1xi32>
      %ge3A_272 = arith.cmpi sge, %add3A_73, %ge3A_271 : vector<256x1xi32>
      %lt3A_273 = vector.broadcast %get3A_270 : i32 to vector<256x1xi32>
      %lt3A_274 = arith.cmpi slt, %add3A_73, %lt3A_273 : vector<256x1xi32>
      %and3A_275 = arith.andi %ge3A_272, %lt3A_274 : vector<256x1xi1>
      %get3A_276 = arith.constant 5 : index
      %get3A_277 = arith.constant 0 : index
      %get3A_278 = arith.constant 0 : index
      %get3A_279 = vector.load %arg3[%get3A_276, %get3A_277, %get3A_278] : memref<16x128x128xf32, #tpu.memory_space<vmem>>, vector<1x128x128xf32>
      %get3A_280 = vector.shape_cast %get3A_279 : vector<1x128x128xf32> to vector<128x128xf32>
      %dot_general3A_281 = arith.constant dense<0.000000e+00> : vector<256x128xf32>
      %dot_general3A_282 = tpu.matmul %get3A_71, %get3A_280, %dot_general3A_281 {dimension_numbers = #tpu.dot_dimension_numbers<[1], [0], [0], [1], [0, 0, 1, 1], [], []>, transpose_lhs_hint = false} : vector<256x128xf32>, vector<128x128xf32>, vector<256x128xf32> -> vector<256x128xf32>
      %get3A_283 = arith.constant 5 : index
      %get3A_284 = arith.constant 0 : index
      %get3A_285 = vector.load %arg4[%get3A_283, %get3A_284] : memref<16x128xf32, #tpu.memory_space<vmem>>, vector<1x128xf32>
      %add3A_286 = vector.broadcast %get3A_285 : vector<1x128xf32> to vector<256x128xf32>
      %add3A_287 = arith.addf %dot_general3A_282, %add3A_286 : vector<256x128xf32>
      %jit3A_288 = arith.constant 0.000000e+00 : f32
      %broadcast_in_dim3A_289 = vector.shape_cast %and3A_275 : vector<256x1xi1> to vector<256x1xi1>
      %broadcast_in_dim3A_290 = vector.broadcast %broadcast_in_dim3A_289 : vector<256x1xi1> to vector<256x128xi1>
      %broadcast_in_dim3A_291 = vector.broadcast %jit3A_288 : f32 to vector<256x128xf32>
      %select_n3A_292 = arith.select %broadcast_in_dim3A_290, %add3A_287, %broadcast_in_dim3A_291 : vector<256x128xi1>, vector<256x128xf32>
      %add3A_293 = arith.addf %add3A_256, %select_n3A_292 : vector<256x128xf32>
      %mul3A_294 = arith.constant 16 : i32
      %mul3A_295 = arith.muli %arg0, %mul3A_294 : i32
      %add3A_296 = arith.constant 6 : i32
      %add3A_297 = arith.addi %mul3A_295, %add3A_296 : i32
      %get3A_298 = arith.index_cast %add3A_297 : i32 to index
      %get3A_299 = memref.load %arg1[%get3A_298] : memref<1025xi32, #tpu.memory_space<smem>>
      %mul3A_300 = arith.constant 16 : i32
      %mul3A_301 = arith.muli %arg0, %mul3A_300 : i32
      %add3A_302 = arith.constant 6 : i32
      %add3A_303 = arith.addi %mul3A_301, %add3A_302 : i32
      %add3A_304 = arith.constant 1 : i32
      %add3A_305 = arith.addi %add3A_303, %add3A_304 : i32
      %get3A_306 = arith.index_cast %add3A_305 : i32 to index
      %get3A_307 = memref.load %arg1[%get3A_306] : memref<1025xi32, #tpu.memory_space<smem>>
      %ge3A_308 = vector.broadcast %get3A_299 : i32 to vector<256x1xi32>
      %ge3A_309 = arith.cmpi sge, %add3A_73, %ge3A_308 : vector<256x1xi32>
      %lt3A_310 = vector.broadcast %get3A_307 : i32 to vector<256x1xi32>
      %lt3A_311 = arith.cmpi slt, %add3A_73, %lt3A_310 : vector<256x1xi32>
      %and3A_312 = arith.andi %ge3A_309, %lt3A_311 : vector<256x1xi1>
      %get3A_313 = arith.constant 6 : index
      %get3A_314 = arith.constant 0 : index
      %get3A_315 = arith.constant 0 : index
      %get3A_316 = vector.load %arg3[%get3A_313, %get3A_314, %get3A_315] : memref<16x128x128xf32, #tpu.memory_space<vmem>>, vector<1x128x128xf32>
      %get3A_317 = vector.shape_cast %get3A_316 : vector<1x128x128xf32> to vector<128x128xf32>
      %dot_general3A_318 = arith.constant dense<0.000000e+00> : vector<256x128xf32>
      %dot_general3A_319 = tpu.matmul %get3A_71, %get3A_317, %dot_general3A_318 {dimension_numbers = #tpu.dot_dimension_numbers<[1], [0], [0], [1], [0, 0, 1, 1], [], []>, transpose_lhs_hint = false} : vector<256x128xf32>, vector<128x128xf32>, vector<256x128xf32> -> vector<256x128xf32>
      %get3A_320 = arith.constant 6 : index
      %get3A_321 = arith.constant 0 : index
      %get3A_322 = vector.load %arg4[%get3A_320, %get3A_321] : memref<16x128xf32, #tpu.memory_space<vmem>>, vector<1x128xf32>
      %add3A_323 = vector.broadcast %get3A_322 : vector<1x128xf32> to vector<256x128xf32>
      %add3A_324 = arith.addf %dot_general3A_319, %add3A_323 : vector<256x128xf32>
      %jit3A_325 = arith.constant 0.000000e+00 : f32
      %broadcast_in_dim3A_326 = vector.shape_cast %and3A_312 : vector<256x1xi1> to vector<256x1xi1>
      %broadcast_in_dim3A_327 = vector.broadcast %broadcast_in_dim3A_326 : vector<256x1xi1> to vector<256x128xi1>
      %broadcast_in_dim3A_328 = vector.broadcast %jit3A_325 : f32 to vector<256x128xf32>
      %select_n3A_329 = arith.select %broadcast_in_dim3A_327, %add3A_324, %broadcast_in_dim3A_328 : vector<256x128xi1>, vector<256x128xf32>
      %add3A_330 = arith.addf %add3A_293, %select_n3A_329 : vector<256x128xf32>
      %mul3A_331 = arith.constant 16 : i32
      %mul3A_332 = arith.muli %arg0, %mul3A_331 : i32
      %add3A_333 = arith.constant 7 : i32
      %add3A_334 = arith.addi %mul3A_332, %add3A_333 : i32
      %get3A_335 = arith.index_cast %add3A_334 : i32 to index
      %get3A_336 = memref.load %arg1[%get3A_335] : memref<1025xi32, #tpu.memory_space<smem>>
      %mul3A_337 = arith.constant 16 : i32
      %mul3A_338 = arith.muli %arg0, %mul3A_337 : i32
      %add3A_339 = arith.constant 7 : i32
      %add3A_340 = arith.addi %mul3A_338, %add3A_339 : i32
      %add3A_341 = arith.constant 1 : i32
      %add3A_342 = arith.addi %add3A_340, %add3A_341 : i32
      %get3A_343 = arith.index_cast %add3A_342 : i32 to index
      %get3A_344 = memref.load %arg1[%get3A_343] : memref<1025xi32, #tpu.memory_space<smem>>
      %ge3A_345 = vector.broadcast %get3A_336 : i32 to vector<256x1xi32>
      %ge3A_346 = arith.cmpi sge, %add3A_73, %ge3A_345 : vector<256x1xi32>
      %lt3A_347 = vector.broadcast %get3A_344 : i32 to vector<256x1xi32>
      %lt3A_348 = arith.cmpi slt, %add3A_73, %lt3A_347 : vector<256x1xi32>
      %and3A_349 = arith.andi %ge3A_346, %lt3A_348 : vector<256x1xi1>
      %get3A_350 = arith.constant 7 : index
      %get3A_351 = arith.constant 0 : index
      %get3A_352 = arith.constant 0 : index
      %get3A_353 = vector.load %arg3[%get3A_350, %get3A_351, %get3A_352] : memref<16x128x128xf32, #tpu.memory_space<vmem>>, vector<1x128x128xf32>
      %get3A_354 = vector.shape_cast %get3A_353 : vector<1x128x128xf32> to vector<128x128xf32>
      %dot_general3A_355 = arith.constant dense<0.000000e+00> : vector<256x128xf32>
      %dot_general3A_356 = tpu.matmul %get3A_71, %get3A_354, %dot_general3A_355 {dimension_numbers = #tpu.dot_dimension_numbers<[1], [0], [0], [1], [0, 0, 1, 1], [], []>, transpose_lhs_hint = false} : vector<256x128xf32>, vector<128x128xf32>, vector<256x128xf32> -> vector<256x128xf32>
      %get3A_357 = arith.constant 7 : index
      %get3A_358 = arith.constant 0 : index
      %get3A_359 = vector.load %arg4[%get3A_357, %get3A_358] : memref<16x128xf32, #tpu.memory_space<vmem>>, vector<1x128xf32>
      %add3A_360 = vector.broadcast %get3A_359 : vector<1x128xf32> to vector<256x128xf32>
      %add3A_361 = arith.addf %dot_general3A_356, %add3A_360 : vector<256x128xf32>
      %jit3A_362 = arith.constant 0.000000e+00 : f32
      %broadcast_in_dim3A_363 = vector.shape_cast %and3A_349 : vector<256x1xi1> to vector<256x1xi1>
      %broadcast_in_dim3A_364 = vector.broadcast %broadcast_in_dim3A_363 : vector<256x1xi1> to vector<256x128xi1>
      %broadcast_in_dim3A_365 = vector.broadcast %jit3A_362 : f32 to vector<256x128xf32>
      %select_n3A_366 = arith.select %broadcast_in_dim3A_364, %add3A_361, %broadcast_in_dim3A_365 : vector<256x128xi1>, vector<256x128xf32>
      %add3A_367 = arith.addf %add3A_330, %select_n3A_366 : vector<256x128xf32>
      %mul3A_368 = arith.constant 16 : i32
      %mul3A_369 = arith.muli %arg0, %mul3A_368 : i32
      %add3A_370 = arith.constant 8 : i32
      %add3A_371 = arith.addi %mul3A_369, %add3A_370 : i32
      %get3A_372 = arith.index_cast %add3A_371 : i32 to index
      %get3A_373 = memref.load %arg1[%get3A_372] : memref<1025xi32, #tpu.memory_space<smem>>
      %mul3A_374 = arith.constant 16 : i32
      %mul3A_375 = arith.muli %arg0, %mul3A_374 : i32
      %add3A_376 = arith.constant 8 : i32
      %add3A_377 = arith.addi %mul3A_375, %add3A_376 : i32
      %add3A_378 = arith.constant 1 : i32
      %add3A_379 = arith.addi %add3A_377, %add3A_378 : i32
      %get3A_380 = arith.index_cast %add3A_379 : i32 to index
      %get3A_381 = memref.load %arg1[%get3A_380] : memref<1025xi32, #tpu.memory_space<smem>>
      %ge3A_382 = vector.broadcast %get3A_373 : i32 to vector<256x1xi32>
      %ge3A_383 = arith.cmpi sge, %add3A_73, %ge3A_382 : vector<256x1xi32>
      %lt3A_384 = vector.broadcast %get3A_381 : i32 to vector<256x1xi32>
      %lt3A_385 = arith.cmpi slt, %add3A_73, %lt3A_384 : vector<256x1xi32>
      %and3A_386 = arith.andi %ge3A_383, %lt3A_385 : vector<256x1xi1>
      %get3A_387 = arith.constant 8 : index
      %get3A_388 = arith.constant 0 : index
      %get3A_389 = arith.constant 0 : index
      %get3A_390 = vector.load %arg3[%get3A_387, %get3A_388, %get3A_389] : memref<16x128x128xf32, #tpu.memory_space<vmem>>, vector<1x128x128xf32>
      %get3A_391 = vector.shape_cast %get3A_390 : vector<1x128x128xf32> to vector<128x128xf32>
      %dot_general3A_392 = arith.constant dense<0.000000e+00> : vector<256x128xf32>
      %dot_general3A_393 = tpu.matmul %get3A_71, %get3A_391, %dot_general3A_392 {dimension_numbers = #tpu.dot_dimension_numbers<[1], [0], [0], [1], [0, 0, 1, 1], [], []>, transpose_lhs_hint = false} : vector<256x128xf32>, vector<128x128xf32>, vector<256x128xf32> -> vector<256x128xf32>
      %get3A_394 = arith.constant 8 : index
      %get3A_395 = arith.constant 0 : index
      %get3A_396 = vector.load %arg4[%get3A_394, %get3A_395] : memref<16x128xf32, #tpu.memory_space<vmem>>, vector<1x128xf32>
      %add3A_397 = vector.broadcast %get3A_396 : vector<1x128xf32> to vector<256x128xf32>
      %add3A_398 = arith.addf %dot_general3A_393, %add3A_397 : vector<256x128xf32>
      %jit3A_399 = arith.constant 0.000000e+00 : f32
      %broadcast_in_dim3A_400 = vector.shape_cast %and3A_386 : vector<256x1xi1> to vector<256x1xi1>
      %broadcast_in_dim3A_401 = vector.broadcast %broadcast_in_dim3A_400 : vector<256x1xi1> to vector<256x128xi1>
      %broadcast_in_dim3A_402 = vector.broadcast %jit3A_399 : f32 to vector<256x128xf32>
      %select_n3A_403 = arith.select %broadcast_in_dim3A_401, %add3A_398, %broadcast_in_dim3A_402 : vector<256x128xi1>, vector<256x128xf32>
      %add3A_404 = arith.addf %add3A_367, %select_n3A_403 : vector<256x128xf32>
      %mul3A_405 = arith.constant 16 : i32
      %mul3A_406 = arith.muli %arg0, %mul3A_405 : i32
      %add3A_407 = arith.constant 9 : i32
      %add3A_408 = arith.addi %mul3A_406, %add3A_407 : i32
      %get3A_409 = arith.index_cast %add3A_408 : i32 to index
      %get3A_410 = memref.load %arg1[%get3A_409] : memref<1025xi32, #tpu.memory_space<smem>>
      %mul3A_411 = arith.constant 16 : i32
      %mul3A_412 = arith.muli %arg0, %mul3A_411 : i32
      %add3A_413 = arith.constant 9 : i32
      %add3A_414 = arith.addi %mul3A_412, %add3A_413 : i32
      %add3A_415 = arith.constant 1 : i32
      %add3A_416 = arith.addi %add3A_414, %add3A_415 : i32
      %get3A_417 = arith.index_cast %add3A_416 : i32 to index
      %get3A_418 = memref.load %arg1[%get3A_417] : memref<1025xi32, #tpu.memory_space<smem>>
      %ge3A_419 = vector.broadcast %get3A_410 : i32 to vector<256x1xi32>
      %ge3A_420 = arith.cmpi sge, %add3A_73, %ge3A_419 : vector<256x1xi32>
      %lt3A_421 = vector.broadcast %get3A_418 : i32 to vector<256x1xi32>
      %lt3A_422 = arith.cmpi slt, %add3A_73, %lt3A_421 : vector<256x1xi32>
      %and3A_423 = arith.andi %ge3A_420, %lt3A_422 : vector<256x1xi1>
      %get3A_424 = arith.constant 9 : index
      %get3A_425 = arith.constant 0 : index
      %get3A_426 = arith.constant 0 : index
      %get3A_427 = vector.load %arg3[%get3A_424, %get3A_425, %get3A_426] : memref<16x128x128xf32, #tpu.memory_space<vmem>>, vector<1x128x128xf32>
      %get3A_428 = vector.shape_cast %get3A_427 : vector<1x128x128xf32> to vector<128x128xf32>
      %dot_general3A_429 = arith.constant dense<0.000000e+00> : vector<256x128xf32>
      %dot_general3A_430 = tpu.matmul %get3A_71, %get3A_428, %dot_general3A_429 {dimension_numbers = #tpu.dot_dimension_numbers<[1], [0], [0], [1], [0, 0, 1, 1], [], []>, transpose_lhs_hint = false} : vector<256x128xf32>, vector<128x128xf32>, vector<256x128xf32> -> vector<256x128xf32>
      %get3A_431 = arith.constant 9 : index
      %get3A_432 = arith.constant 0 : index
      %get3A_433 = vector.load %arg4[%get3A_431, %get3A_432] : memref<16x128xf32, #tpu.memory_space<vmem>>, vector<1x128xf32>
      %add3A_434 = vector.broadcast %get3A_433 : vector<1x128xf32> to vector<256x128xf32>
      %add3A_435 = arith.addf %dot_general3A_430, %add3A_434 : vector<256x128xf32>
      %jit3A_436 = arith.constant 0.000000e+00 : f32
      %broadcast_in_dim3A_437 = vector.shape_cast %and3A_423 : vector<256x1xi1> to vector<256x1xi1>
      %broadcast_in_dim3A_438 = vector.broadcast %broadcast_in_dim3A_437 : vector<256x1xi1> to vector<256x128xi1>
      %broadcast_in_dim3A_439 = vector.broadcast %jit3A_436 : f32 to vector<256x128xf32>
      %select_n3A_440 = arith.select %broadcast_in_dim3A_438, %add3A_435, %broadcast_in_dim3A_439 : vector<256x128xi1>, vector<256x128xf32>
      %add3A_441 = arith.addf %add3A_404, %select_n3A_440 : vector<256x128xf32>
      %mul3A_442 = arith.constant 16 : i32
      %mul3A_443 = arith.muli %arg0, %mul3A_442 : i32
      %add3A_444 = arith.constant 10 : i32
      %add3A_445 = arith.addi %mul3A_443, %add3A_444 : i32
      %get3A_446 = arith.index_cast %add3A_445 : i32 to index
      %get3A_447 = memref.load %arg1[%get3A_446] : memref<1025xi32, #tpu.memory_space<smem>>
      %mul3A_448 = arith.constant 16 : i32
      %mul3A_449 = arith.muli %arg0, %mul3A_448 : i32
      %add3A_450 = arith.constant 10 : i32
      %add3A_451 = arith.addi %mul3A_449, %add3A_450 : i32
      %add3A_452 = arith.constant 1 : i32
      %add3A_453 = arith.addi %add3A_451, %add3A_452 : i32
      %get3A_454 = arith.index_cast %add3A_453 : i32 to index
      %get3A_455 = memref.load %arg1[%get3A_454] : memref<1025xi32, #tpu.memory_space<smem>>
      %ge3A_456 = vector.broadcast %get3A_447 : i32 to vector<256x1xi32>
      %ge3A_457 = arith.cmpi sge, %add3A_73, %ge3A_456 : vector<256x1xi32>
      %lt3A_458 = vector.broadcast %get3A_455 : i32 to vector<256x1xi32>
      %lt3A_459 = arith.cmpi slt, %add3A_73, %lt3A_458 : vector<256x1xi32>
      %and3A_460 = arith.andi %ge3A_457, %lt3A_459 : vector<256x1xi1>
      %get3A_461 = arith.constant 10 : index
      %get3A_462 = arith.constant 0 : index
      %get3A_463 = arith.constant 0 : index
      %get3A_464 = vector.load %arg3[%get3A_461, %get3A_462, %get3A_463] : memref<16x128x128xf32, #tpu.memory_space<vmem>>, vector<1x128x128xf32>
      %get3A_465 = vector.shape_cast %get3A_464 : vector<1x128x128xf32> to vector<128x128xf32>
      %dot_general3A_466 = arith.constant dense<0.000000e+00> : vector<256x128xf32>
      %dot_general3A_467 = tpu.matmul %get3A_71, %get3A_465, %dot_general3A_466 {dimension_numbers = #tpu.dot_dimension_numbers<[1], [0], [0], [1], [0, 0, 1, 1], [], []>, transpose_lhs_hint = false} : vector<256x128xf32>, vector<128x128xf32>, vector<256x128xf32> -> vector<256x128xf32>
      %get3A_468 = arith.constant 10 : index
      %get3A_469 = arith.constant 0 : index
      %get3A_470 = vector.load %arg4[%get3A_468, %get3A_469] : memref<16x128xf32, #tpu.memory_space<vmem>>, vector<1x128xf32>
      %add3A_471 = vector.broadcast %get3A_470 : vector<1x128xf32> to vector<256x128xf32>
      %add3A_472 = arith.addf %dot_general3A_467, %add3A_471 : vector<256x128xf32>
      %jit3A_473 = arith.constant 0.000000e+00 : f32
      %broadcast_in_dim3A_474 = vector.shape_cast %and3A_460 : vector<256x1xi1> to vector<256x1xi1>
      %broadcast_in_dim3A_475 = vector.broadcast %broadcast_in_dim3A_474 : vector<256x1xi1> to vector<256x128xi1>
      %broadcast_in_dim3A_476 = vector.broadcast %jit3A_473 : f32 to vector<256x128xf32>
      %select_n3A_477 = arith.select %broadcast_in_dim3A_475, %add3A_472, %broadcast_in_dim3A_476 : vector<256x128xi1>, vector<256x128xf32>
      %add3A_478 = arith.addf %add3A_441, %select_n3A_477 : vector<256x128xf32>
      %mul3A_479 = arith.constant 16 : i32
      %mul3A_480 = arith.muli %arg0, %mul3A_479 : i32
      %add3A_481 = arith.constant 11 : i32
      %add3A_482 = arith.addi %mul3A_480, %add3A_481 : i32
      %get3A_483 = arith.index_cast %add3A_482 : i32 to index
      %get3A_484 = memref.load %arg1[%get3A_483] : memref<1025xi32, #tpu.memory_space<smem>>
      %mul3A_485 = arith.constant 16 : i32
      %mul3A_486 = arith.muli %arg0, %mul3A_485 : i32
      %add3A_487 = arith.constant 11 : i32
      %add3A_488 = arith.addi %mul3A_486, %add3A_487 : i32
      %add3A_489 = arith.constant 1 : i32
      %add3A_490 = arith.addi %add3A_488, %add3A_489 : i32
      %get3A_491 = arith.index_cast %add3A_490 : i32 to index
      %get3A_492 = memref.load %arg1[%get3A_491] : memref<1025xi32, #tpu.memory_space<smem>>
      %ge3A_493 = vector.broadcast %get3A_484 : i32 to vector<256x1xi32>
      %ge3A_494 = arith.cmpi sge, %add3A_73, %ge3A_493 : vector<256x1xi32>
      %lt3A_495 = vector.broadcast %get3A_492 : i32 to vector<256x1xi32>
      %lt3A_496 = arith.cmpi slt, %add3A_73, %lt3A_495 : vector<256x1xi32>
      %and3A_497 = arith.andi %ge3A_494, %lt3A_496 : vector<256x1xi1>
      %get3A_498 = arith.constant 11 : index
      %get3A_499 = arith.constant 0 : index
      %get3A_500 = arith.constant 0 : index
      %get3A_501 = vector.load %arg3[%get3A_498, %get3A_499, %get3A_500] : memref<16x128x128xf32, #tpu.memory_space<vmem>>, vector<1x128x128xf32>
      %get3A_502 = vector.shape_cast %get3A_501 : vector<1x128x128xf32> to vector<128x128xf32>
      %dot_general3A_503 = arith.constant dense<0.000000e+00> : vector<256x128xf32>
      %dot_general3A_504 = tpu.matmul %get3A_71, %get3A_502, %dot_general3A_503 {dimension_numbers = #tpu.dot_dimension_numbers<[1], [0], [0], [1], [0, 0, 1, 1], [], []>, transpose_lhs_hint = false} : vector<256x128xf32>, vector<128x128xf32>, vector<256x128xf32> -> vector<256x128xf32>
      %get3A_505 = arith.constant 11 : index
      %get3A_506 = arith.constant 0 : index
      %get3A_507 = vector.load %arg4[%get3A_505, %get3A_506] : memref<16x128xf32, #tpu.memory_space<vmem>>, vector<1x128xf32>
      %add3A_508 = vector.broadcast %get3A_507 : vector<1x128xf32> to vector<256x128xf32>
      %add3A_509 = arith.addf %dot_general3A_504, %add3A_508 : vector<256x128xf32>
      %jit3A_510 = arith.constant 0.000000e+00 : f32
      %broadcast_in_dim3A_511 = vector.shape_cast %and3A_497 : vector<256x1xi1> to vector<256x1xi1>
      %broadcast_in_dim3A_512 = vector.broadcast %broadcast_in_dim3A_511 : vector<256x1xi1> to vector<256x128xi1>
      %broadcast_in_dim3A_513 = vector.broadcast %jit3A_510 : f32 to vector<256x128xf32>
      %select_n3A_514 = arith.select %broadcast_in_dim3A_512, %add3A_509, %broadcast_in_dim3A_513 : vector<256x128xi1>, vector<256x128xf32>
      %add3A_515 = arith.addf %add3A_478, %select_n3A_514 : vector<256x128xf32>
      %mul3A_516 = arith.constant 16 : i32
      %mul3A_517 = arith.muli %arg0, %mul3A_516 : i32
      %add3A_518 = arith.constant 12 : i32
      %add3A_519 = arith.addi %mul3A_517, %add3A_518 : i32
      %get3A_520 = arith.index_cast %add3A_519 : i32 to index
      %get3A_521 = memref.load %arg1[%get3A_520] : memref<1025xi32, #tpu.memory_space<smem>>
      %mul3A_522 = arith.constant 16 : i32
      %mul3A_523 = arith.muli %arg0, %mul3A_522 : i32
      %add3A_524 = arith.constant 12 : i32
      %add3A_525 = arith.addi %mul3A_523, %add3A_524 : i32
      %add3A_526 = arith.constant 1 : i32
      %add3A_527 = arith.addi %add3A_525, %add3A_526 : i32
      %get3A_528 = arith.index_cast %add3A_527 : i32 to index
      %get3A_529 = memref.load %arg1[%get3A_528] : memref<1025xi32, #tpu.memory_space<smem>>
      %ge3A_530 = vector.broadcast %get3A_521 : i32 to vector<256x1xi32>
      %ge3A_531 = arith.cmpi sge, %add3A_73, %ge3A_530 : vector<256x1xi32>
      %lt3A_532 = vector.broadcast %get3A_529 : i32 to vector<256x1xi32>
      %lt3A_533 = arith.cmpi slt, %add3A_73, %lt3A_532 : vector<256x1xi32>
      %and3A_534 = arith.andi %ge3A_531, %lt3A_533 : vector<256x1xi1>
      %get3A_535 = arith.constant 12 : index
      %get3A_536 = arith.constant 0 : index
      %get3A_537 = arith.constant 0 : index
      %get3A_538 = vector.load %arg3[%get3A_535, %get3A_536, %get3A_537] : memref<16x128x128xf32, #tpu.memory_space<vmem>>, vector<1x128x128xf32>
      %get3A_539 = vector.shape_cast %get3A_538 : vector<1x128x128xf32> to vector<128x128xf32>
      %dot_general3A_540 = arith.constant dense<0.000000e+00> : vector<256x128xf32>
      %dot_general3A_541 = tpu.matmul %get3A_71, %get3A_539, %dot_general3A_540 {dimension_numbers = #tpu.dot_dimension_numbers<[1], [0], [0], [1], [0, 0, 1, 1], [], []>, transpose_lhs_hint = false} : vector<256x128xf32>, vector<128x128xf32>, vector<256x128xf32> -> vector<256x128xf32>
      %get3A_542 = arith.constant 12 : index
      %get3A_543 = arith.constant 0 : index
      %get3A_544 = vector.load %arg4[%get3A_542, %get3A_543] : memref<16x128xf32, #tpu.memory_space<vmem>>, vector<1x128xf32>
      %add3A_545 = vector.broadcast %get3A_544 : vector<1x128xf32> to vector<256x128xf32>
      %add3A_546 = arith.addf %dot_general3A_541, %add3A_545 : vector<256x128xf32>
      %jit3A_547 = arith.constant 0.000000e+00 : f32
      %broadcast_in_dim3A_548 = vector.shape_cast %and3A_534 : vector<256x1xi1> to vector<256x1xi1>
      %broadcast_in_dim3A_549 = vector.broadcast %broadcast_in_dim3A_548 : vector<256x1xi1> to vector<256x128xi1>
      %broadcast_in_dim3A_550 = vector.broadcast %jit3A_547 : f32 to vector<256x128xf32>
      %select_n3A_551 = arith.select %broadcast_in_dim3A_549, %add3A_546, %broadcast_in_dim3A_550 : vector<256x128xi1>, vector<256x128xf32>
      %add3A_552 = arith.addf %add3A_515, %select_n3A_551 : vector<256x128xf32>
      %mul3A_553 = arith.constant 16 : i32
      %mul3A_554 = arith.muli %arg0, %mul3A_553 : i32
      %add3A_555 = arith.constant 13 : i32
      %add3A_556 = arith.addi %mul3A_554, %add3A_555 : i32
      %get3A_557 = arith.index_cast %add3A_556 : i32 to index
      %get3A_558 = memref.load %arg1[%get3A_557] : memref<1025xi32, #tpu.memory_space<smem>>
      %mul3A_559 = arith.constant 16 : i32
      %mul3A_560 = arith.muli %arg0, %mul3A_559 : i32
      %add3A_561 = arith.constant 13 : i32
      %add3A_562 = arith.addi %mul3A_560, %add3A_561 : i32
      %add3A_563 = arith.constant 1 : i32
      %add3A_564 = arith.addi %add3A_562, %add3A_563 : i32
      %get3A_565 = arith.index_cast %add3A_564 : i32 to index
      %get3A_566 = memref.load %arg1[%get3A_565] : memref<1025xi32, #tpu.memory_space<smem>>
      %ge3A_567 = vector.broadcast %get3A_558 : i32 to vector<256x1xi32>
      %ge3A_568 = arith.cmpi sge, %add3A_73, %ge3A_567 : vector<256x1xi32>
      %lt3A_569 = vector.broadcast %get3A_566 : i32 to vector<256x1xi32>
      %lt3A_570 = arith.cmpi slt, %add3A_73, %lt3A_569 : vector<256x1xi32>
      %and3A_571 = arith.andi %ge3A_568, %lt3A_570 : vector<256x1xi1>
      %get3A_572 = arith.constant 13 : index
      %get3A_573 = arith.constant 0 : index
      %get3A_574 = arith.constant 0 : index
      %get3A_575 = vector.load %arg3[%get3A_572, %get3A_573, %get3A_574] : memref<16x128x128xf32, #tpu.memory_space<vmem>>, vector<1x128x128xf32>
      %get3A_576 = vector.shape_cast %get3A_575 : vector<1x128x128xf32> to vector<128x128xf32>
      %dot_general3A_577 = arith.constant dense<0.000000e+00> : vector<256x128xf32>
      %dot_general3A_578 = tpu.matmul %get3A_71, %get3A_576, %dot_general3A_577 {dimension_numbers = #tpu.dot_dimension_numbers<[1], [0], [0], [1], [0, 0, 1, 1], [], []>, transpose_lhs_hint = false} : vector<256x128xf32>, vector<128x128xf32>, vector<256x128xf32> -> vector<256x128xf32>
      %get3A_579 = arith.constant 13 : index
      %get3A_580 = arith.constant 0 : index
      %get3A_581 = vector.load %arg4[%get3A_579, %get3A_580] : memref<16x128xf32, #tpu.memory_space<vmem>>, vector<1x128xf32>
      %add3A_582 = vector.broadcast %get3A_581 : vector<1x128xf32> to vector<256x128xf32>
      %add3A_583 = arith.addf %dot_general3A_578, %add3A_582 : vector<256x128xf32>
      %jit3A_584 = arith.constant 0.000000e+00 : f32
      %broadcast_in_dim3A_585 = vector.shape_cast %and3A_571 : vector<256x1xi1> to vector<256x1xi1>
      %broadcast_in_dim3A_586 = vector.broadcast %broadcast_in_dim3A_585 : vector<256x1xi1> to vector<256x128xi1>
      %broadcast_in_dim3A_587 = vector.broadcast %jit3A_584 : f32 to vector<256x128xf32>
      %select_n3A_588 = arith.select %broadcast_in_dim3A_586, %add3A_583, %broadcast_in_dim3A_587 : vector<256x128xi1>, vector<256x128xf32>
      %add3A_589 = arith.addf %add3A_552, %select_n3A_588 : vector<256x128xf32>
      %mul3A_590 = arith.constant 16 : i32
      %mul3A_591 = arith.muli %arg0, %mul3A_590 : i32
      %add3A_592 = arith.constant 14 : i32
      %add3A_593 = arith.addi %mul3A_591, %add3A_592 : i32
      %get3A_594 = arith.index_cast %add3A_593 : i32 to index
      %get3A_595 = memref.load %arg1[%get3A_594] : memref<1025xi32, #tpu.memory_space<smem>>
      %mul3A_596 = arith.constant 16 : i32
      %mul3A_597 = arith.muli %arg0, %mul3A_596 : i32
      %add3A_598 = arith.constant 14 : i32
      %add3A_599 = arith.addi %mul3A_597, %add3A_598 : i32
      %add3A_600 = arith.constant 1 : i32
      %add3A_601 = arith.addi %add3A_599, %add3A_600 : i32
      %get3A_602 = arith.index_cast %add3A_601 : i32 to index
      %get3A_603 = memref.load %arg1[%get3A_602] : memref<1025xi32, #tpu.memory_space<smem>>
      %ge3A_604 = vector.broadcast %get3A_595 : i32 to vector<256x1xi32>
      %ge3A_605 = arith.cmpi sge, %add3A_73, %ge3A_604 : vector<256x1xi32>
      %lt3A_606 = vector.broadcast %get3A_603 : i32 to vector<256x1xi32>
      %lt3A_607 = arith.cmpi slt, %add3A_73, %lt3A_606 : vector<256x1xi32>
      %and3A_608 = arith.andi %ge3A_605, %lt3A_607 : vector<256x1xi1>
      %get3A_609 = arith.constant 14 : index
      %get3A_610 = arith.constant 0 : index
      %get3A_611 = arith.constant 0 : index
      %get3A_612 = vector.load %arg3[%get3A_609, %get3A_610, %get3A_611] : memref<16x128x128xf32, #tpu.memory_space<vmem>>, vector<1x128x128xf32>
      %get3A_613 = vector.shape_cast %get3A_612 : vector<1x128x128xf32> to vector<128x128xf32>
      %dot_general3A_614 = arith.constant dense<0.000000e+00> : vector<256x128xf32>
      %dot_general3A_615 = tpu.matmul %get3A_71, %get3A_613, %dot_general3A_614 {dimension_numbers = #tpu.dot_dimension_numbers<[1], [0], [0], [1], [0, 0, 1, 1], [], []>, transpose_lhs_hint = false} : vector<256x128xf32>, vector<128x128xf32>, vector<256x128xf32> -> vector<256x128xf32>
      %get3A_616 = arith.constant 14 : index
      %get3A_617 = arith.constant 0 : index
      %get3A_618 = vector.load %arg4[%get3A_616, %get3A_617] : memref<16x128xf32, #tpu.memory_space<vmem>>, vector<1x128xf32>
      %add3A_619 = vector.broadcast %get3A_618 : vector<1x128xf32> to vector<256x128xf32>
      %add3A_620 = arith.addf %dot_general3A_615, %add3A_619 : vector<256x128xf32>
      %jit3A_621 = arith.constant 0.000000e+00 : f32
      %broadcast_in_dim3A_622 = vector.shape_cast %and3A_608 : vector<256x1xi1> to vector<256x1xi1>
      %broadcast_in_dim3A_623 = vector.broadcast %broadcast_in_dim3A_622 : vector<256x1xi1> to vector<256x128xi1>
      %broadcast_in_dim3A_624 = vector.broadcast %jit3A_621 : f32 to vector<256x128xf32>
      %select_n3A_625 = arith.select %broadcast_in_dim3A_623, %add3A_620, %broadcast_in_dim3A_624 : vector<256x128xi1>, vector<256x128xf32>
      %add3A_626 = arith.addf %add3A_589, %select_n3A_625 : vector<256x128xf32>
      %mul3A_627 = arith.constant 16 : i32
      %mul3A_628 = arith.muli %arg0, %mul3A_627 : i32
      %add3A_629 = arith.constant 15 : i32
      %add3A_630 = arith.addi %mul3A_628, %add3A_629 : i32
      %get3A_631 = arith.index_cast %add3A_630 : i32 to index
      %get3A_632 = memref.load %arg1[%get3A_631] : memref<1025xi32, #tpu.memory_space<smem>>
      %mul3A_633 = arith.constant 16 : i32
      %mul3A_634 = arith.muli %arg0, %mul3A_633 : i32
      %add3A_635 = arith.constant 15 : i32
      %add3A_636 = arith.addi %mul3A_634, %add3A_635 : i32
      %add3A_637 = arith.constant 1 : i32
      %add3A_638 = arith.addi %add3A_636, %add3A_637 : i32
      %get3A_639 = arith.index_cast %add3A_638 : i32 to index
      %get3A_640 = memref.load %arg1[%get3A_639] : memref<1025xi32, #tpu.memory_space<smem>>
      %ge3A_641 = vector.broadcast %get3A_632 : i32 to vector<256x1xi32>
      %ge3A_642 = arith.cmpi sge, %add3A_73, %ge3A_641 : vector<256x1xi32>
      %lt3A_643 = vector.broadcast %get3A_640 : i32 to vector<256x1xi32>
      %lt3A_644 = arith.cmpi slt, %add3A_73, %lt3A_643 : vector<256x1xi32>
      %and3A_645 = arith.andi %ge3A_642, %lt3A_644 : vector<256x1xi1>
      %get3A_646 = arith.constant 15 : index
      %get3A_647 = arith.constant 0 : index
      %get3A_648 = arith.constant 0 : index
      %get3A_649 = vector.load %arg3[%get3A_646, %get3A_647, %get3A_648] : memref<16x128x128xf32, #tpu.memory_space<vmem>>, vector<1x128x128xf32>
      %get3A_650 = vector.shape_cast %get3A_649 : vector<1x128x128xf32> to vector<128x128xf32>
      %dot_general3A_651 = arith.constant dense<0.000000e+00> : vector<256x128xf32>
      %dot_general3A_652 = tpu.matmul %get3A_71, %get3A_650, %dot_general3A_651 {dimension_numbers = #tpu.dot_dimension_numbers<[1], [0], [0], [1], [0, 0, 1, 1], [], []>, transpose_lhs_hint = false} : vector<256x128xf32>, vector<128x128xf32>, vector<256x128xf32> -> vector<256x128xf32>
      %get3A_653 = arith.constant 15 : index
      %get3A_654 = arith.constant 0 : index
      %get3A_655 = vector.load %arg4[%get3A_653, %get3A_654] : memref<16x128xf32, #tpu.memory_space<vmem>>, vector<1x128xf32>
      %add3A_656 = vector.broadcast %get3A_655 : vector<1x128xf32> to vector<256x128xf32>
      %add3A_657 = arith.addf %dot_general3A_652, %add3A_656 : vector<256x128xf32>
      %jit3A_658 = arith.constant 0.000000e+00 : f32
      %broadcast_in_dim3A_659 = vector.shape_cast %and3A_645 : vector<256x1xi1> to vector<256x1xi1>
      %broadcast_in_dim3A_660 = vector.broadcast %broadcast_in_dim3A_659 : vector<256x1xi1> to vector<256x128xi1>
      %broadcast_in_dim3A_661 = vector.broadcast %jit3A_658 : f32 to vector<256x128xf32>
      %select_n3A_662 = arith.select %broadcast_in_dim3A_660, %add3A_657, %broadcast_in_dim3A_661 : vector<256x128xi1>, vector<256x128xf32>
      %add3A_663 = arith.addf %add3A_626, %select_n3A_662 : vector<256x128xf32>
      %get3A_664 = arith.index_cast %add3A_68 : i32 to index
      %get3A_665 = arith.constant 0 : index
      %get3A_666 = vector.load %arg5[%get3A_664, %get3A_665] : memref<16640x128xf32, #tpu.memory_space<vmem>>, vector<256x128xf32>
      %add3A_667 = arith.addf %get3A_666, %add3A_663 : vector<256x128xf32>
      %swap3A = arith.index_cast %add3A_68 : i32 to index
      %swap3A_668 = arith.constant 0 : index
      %swap3A_669 = vector.load %arg5[%swap3A, %swap3A_668] : memref<16640x128xf32, #tpu.memory_space<vmem>>, vector<256x128xf32>
      tpu.vector_store %arg5[%swap3A, %swap3A_668], %add3A_667 {strides = array<i32>} : memref<16640x128xf32, #tpu.memory_space<vmem>>, vector<256x128xf32>,
    }
    return
  }
  func.func @transform_0(%arg0: i32, %arg1: memref<1025xi32, #tpu.memory_space<smem>>) -> (i32, i32) {
    %c0_i32 = arith.constant 0 : i32
    %c0_i32_0 = arith.constant 0 : i32
    %c0_i32_1 = arith.constant 0 : i32
    return %c0_i32, %c0_i32_0 : i32, i32
  }
  func.func @transform_1(%arg0: i32, %arg1: memref<1025xi32, #tpu.memory_space<smem>>) -> (i32, i32, i32) {
    %c0_i32 = arith.constant 0 : i32
    %c0_i32_0 = arith.constant 0 : i32
    %c0_i32_1 = arith.constant 0 : i32
    return %arg0, %c0_i32, %c0_i32_0 : i32, i32, i32
  }
  func.func @transform_2(%arg0: i32, %arg1: memref<1025xi32, #tpu.memory_space<smem>>) -> (i32, i32) {
    %c0_i32 = arith.constant 0 : i32
    %c0_i32_0 = arith.constant 0 : i32
    return %arg0, %c0_i32 : i32, i32
  }
  func.func @transform_3(%arg0: i32, %arg1: memref<1025xi32, #tpu.memory_space<smem>>) -> (i32, i32) {
    %c0_i32 = arith.constant 0 : i32
    %c0_i32_0 = arith.constant 0 : i32
    %c0_i32_1 = arith.constant 0 : i32
    return %c0_i32, %c0_i32_0 : i32, i32
  }
}

</mosaic_0001>

<sc_bundles>
// kernel: kernel.12.cloned.1.call-start
scs
__scs_entry_jumppad:
0x0: {  	(pc) =	sbr.rel $0x88, $3  }
0x1: {  	(tag) =	ssettag $0x0;
	lr =	simm.s32 $0x1  }
0x2: {  	[smem:$0x3F9D] =	sst lr;
	_ =	strace $0xD0000000  }
0x3: {  	_ = 	snop  }
0x4: {  	_ = 	snop  }
0x5: {  	_ = 	snop  }
0x6: {  	_ = 	snop  }
0x7: {  	_ = 	snop  }
__scs_overlays_trampoline_lowered:
0x8: {  	[smem:$0x3FAC] =	sst s0  }
0x9: {  	[smem:$0x3FAD] =	sst s1  }
0xa: {  	[smem:$0x3FAE] =	sst s2  }
0xb: {  	[smem:$0x3FAF] =	sst s3  }
0xc: {  	[smem:$0x3FB0] =	sst s4  }
0xd: {  	[smem:$0x3FB1] =	sst s5  }
0xe: {  	[smem:$0x3FB2] =	sst s6  }
0xf: {  	[smem:$0x3FB3] =	sst s7  }
0x10: {  	[smem:$0x3FB4] =	sst s8  }
0x11: {  	[smem:$0x3FB5] =	sst s9;
	s0 =	simm.s32 @!p0 $0x0  }
0x12: {  	s1 =	sld [smem:$0x3F9B];
	s0 =	simm.s32 @p0 $0x1  }
0x13: {  	[smem:$0x3FB6] =	sst s0;
	s0 =	simm.s32 @!p1 $0x0  }
0x14: {  	s2 =	sld [smem:$0x3F9A];
	s0 =	simm.s32 @p1 $0x1  }
0x15: {  	[smem:$0x3FB7] =	sst s0;
	s0 =	simm.s32 @!p2 $0x0  }
0x16: {  	s3 =	sld [smem:$0x3FDB];
	s0 =	simm.s32 @p2 $0x1  }
0x17: {  	s4 =	simm.s32 $0x1BF5;
	[smem:$0x3FB9] =	sst s0  }
0x18: {  	s0 =	sld [smem:$0x3F9C];
	_ =	swait.ge [sflag:s4], $0x0  }
0x19: {  	s7 =	sld [smem:$0x3F9D]  }
0x1a: {  	s8 =	sadd.s32 $0xFFFFE003, lr  }
0x1b: {  	s9 =	sadd.s32 $0xFFFFFEF7, lr;
	s5 =	simm.s32 $0xFFFFFFFF;
	p2 =	slt.u32 s8, $0xFFFFF086  }
0x1c: {  	p1 =	slt.u32 s9, $0xF7A;
	s5 =	simm.s32 @!p2 $0x0  }
0x1d: {  	s5 =	simm.s32 @p1 $0x1;
	p0 =	seq.s32 s7, s2  }
0x1e: {  	s7 =	smul.u32 @!p0 $0xF7A, s2;
	p2 =	seq.s32 @!p0 s5, $0x0  }
0x1f: {  	s9 =	smul.u32 $0xF7A, s1;
	s8 =	simm.s32 @!p0 $0x1BF5;
	p2 =	por !p2, p0  }
0x20: {  	[sflag:s8] =	ssyncset.s32 @!p0 $0xFFFFF086;
	s6 =	sadd.s32 @!p0 s3, s7;
	s7 =	simm.s32 @!p0 $0x108  }
0x21: {  	s3 =	sadd.s32 s3, s9;
	s6 =	sadd.s32 @!p0 $0x88, s6;
	s7 =	simm.s32 @p2 $0x1082  }
0x22: {  	[simem:s7], [sflag:s8] =	dma.local @!p0 [hbm:s6], $0xF7A  }
0x23: {  	s9 =	sor.u32 $0xD0000000, s2;
	s6 =	simm.s32 $0x108;
	_ =	swait.ge @!p0 [sflag:s8], $0x0  }
0x24: {  	s3 =	sadd.s32 $0x88, s3;
	s6 =	simm.s32 @!p1 $0x1082;
	[sflag:s4] =	ssyncset.s32 $0xFFFFF086  }
0x25: {  	[simem:s6], [sflag:s4] =	dma.local [hbm:s3], $0xF7A  }
0x26: {  	[smem:$0x3F9D] =	sst s1;
	(tag) =	ssettag s2;
	_ =	strace s9  }
0x27: {  	s1 =	sld [smem:$0x3FAD]  }
0x28: {  	s2 =	sld [smem:$0x3FAE]  }
0x29: {  	s4 =	sld [smem:$0x3FB0]  }
0x2a: {  	p0 =	seq.s32 s5, $0x0;
	s5 =	sld [smem:$0x3FB1]  }
0x2b: {  	s6 =	sld [smem:$0x3FB2]  }
0x2c: {  	s7 =	sld [smem:$0x3FB3]  }
0x2d: {  	s3 =	simm.s32 $0x108;
	s8 =	sld [smem:$0x3FB4]  }
0x2e: {  	s3 =	simm.s32 @!p0 $0x1082;
	s9 =	sld [smem:$0x3FB5]  }
0x2f: {  	lr =	sadd.s32 s0, s3;
	s0 =	sld [smem:$0x3FAC]  }
0x30: {  	s3 =	sld [smem:$0x3FAF]  }
0x31: {  	[smem:$0x3FB8] =	sst s10  }
0x32: {  	s10 =	sld [smem:$0x3FB6];
	_ =	sdelay $0x3  }
0x33: {  	p0 =	seq.s32 s10, $0x1;
	s10 =	sld [smem:$0x3FB8];
	_ =	sdelay $0x3  }
0x34: {  	[smem:$0x3FB8] =	sst s10  }
0x35: {  	s10 =	sld [smem:$0x3FB7];
	_ =	sdelay $0x3  }
0x36: {  	p1 =	seq.s32 s10, $0x1;
	s10 =	sld [smem:$0x3FB8];
	_ =	sdelay $0x3  }
0x37: {  	[smem:$0x3FB8] =	sst s10  }
0x38: {  	s10 =	sld [smem:$0x3FB9]  }
0x39: {  	_ = 	snop;
	(pc) =	sbr.ind lr, $3  }
0x3a: {  	_ = 	snop  }
0x3b: {  	_ = 	snop  }
0x3c: {  	p2 =	seq.s32 s10, $0x1;
	s10 =	sld [smem:$0x3FB8]  }
0x3d: {  	_ =	shalt  }
0x3e: {  	_ =	shalt  }
0x3f: {  	_ =	shalt  }
0x40: {  	_ =	shalt  }
0x41: {  	_ =	shalt  }
0x42: {  	_ =	shalt  }
0x43: {  	_ =	shalt  }
0x44: {  	_ =	shalt  }
0x45: {  	_ =	shalt  }
0x46: {  	_ =	shalt  }
0x47: {  	_ =	shalt  }
0x48: {  	_ =	shalt  }
0x49: {  	_ =	shalt  }
0x4a: {  	_ =	shalt  }
0x4b: {  	_ =	shalt  }
0x4c: {  	_ =	shalt  }
0x4d: {  	_ =	shalt  }
0x4e: {  	_ =	shalt  }
0x4f: {  	_ =	shalt  }
0x50: {  	_ =	shalt  }
0x51: {  	_ =	shalt  }
0x52: {  	_ =	shalt  }
0x53: {  	_ =	shalt  }
0x54: {  	_ =	shalt  }
0x55: {  	_ =	shalt  }
0x56: {  	_ =	shalt  }
0x57: {  	_ =	shalt  }
0x58: {  	_ =	shalt  }
0x59: {  	_ =	shalt  }
0x5a: {  	_ =	shalt  }
0x5b: {  	_ =	shalt  }
0x5c: {  	_ =	shalt  }
0x5d: {  	_ =	shalt  }
0x5e: {  	_ =	shalt  }
0x5f: {  	_ =	shalt  }
0x60: {  	_ =	shalt  }
0x61: {  	_ =	shalt  }
0x62: {  	_ =	shalt  }
0x63: {  	_ =	shalt  }
0x64: {  	_ =	shalt  }
0x65: {  	_ =	shalt  }
0x66: {  	_ =	shalt  }
0x67: {  	_ =	shalt  }
0x68: {  	_ =	shalt  }
0x69: {  	_ =	shalt  }
0x6a: {  	_ =	shalt  }
0x6b: {  	_ =	shalt  }
0x6c: {  	_ =	shalt  }
0x6d: {  	_ =	shalt  }
0x6e: {  	_ =	shalt  }
0x6f: {  	_ =	shalt  }
0x70: {  	_ =	shalt  }
0x71: {  	_ =	shalt  }
0x72: {  	_ =	shalt  }
0x73: {  	_ =	shalt  }
0x74: {  	_ =	shalt  }
0x75: {  	_ =	shalt  }
0x76: {  	_ =	shalt  }
0x77: {  	_ =	shalt  }
0x78: {  	_ =	shalt  }
0x79: {  	_ =	shalt  }
0x7a: {  	_ =	shalt  }
0x7b: {  	_ =	shalt  }
0x7c: {  	_ =	shalt  }
0x7d: {  	_ =	shalt  }
0x7e: {  	_ =	shalt  }
0x7f: {  	_ =	shalt  }
0x80: {  	_ =	shalt  }
0x81: {  	_ =	shalt  }
0x82: {  	_ =	shalt  }
0x83: {  	_ =	shalt  }
0x84: {  	_ =	shalt  }
0x85: {  	_ =	shalt  }
0x86: {  	_ =	shalt  }
0x87: {  	_ =	shalt  }
.Lfunc_end0:
.L_simem_size_0:
called_computation.2_lowered:
.L_overlay_start_0:
0x88: {  	s2 =	sld [smem:$0x3FD9]  }
0x89: {  	s3 =	sld [smem:$0x3FFE];
	_ =	sdelay $0x1  }
0x8a: {  	s1 =	srdreg.scid  }
0x8b: {  	s0 =	sand.u32 $0x1, s1  }
0x8c: {  	s17 =	sshll.u32 s0, $0xA;
	s2 =	sadd.s32 s3, s2  }
0x8d: {  	s2 =	sadd.s32 s2, s17  }
0x8e: {  	[smem:$0x3FC4] =	sst s2  }
0x8f: {  	_ = 	snop  }
0x90: {  	s2 =	sld [smem:$0x3FD0];
	(tm) =	ssettm $0x1  }
0x91: {  	s18 =	sld [smem:$0x3FFB];
	_ =	sdelay $0x3  }
0x92: {  	_ =	strace s18  }
0x93: {  	s3 =	sld [smem:$0x3FFC];
	_ =	sdelay $0x3  }
0x94: {  	_ =	strace s3  }
0x95: {  	s3 =	sld [smem:$0x3FFD];
	_ =	sdelay $0x3  }
0x96: {  	_ =	strace s3  }
0x97: {  	_ =	strace $0x8FFFFFFF  }
0x98: {  	s19 =	sld [smem:$0x3FDB];
	_ =	sdelay $0x1  }
0x99: {  	s4 =	simm.s32 $_scs_section_size  }
0x9a: {  	s5 =	simm.s32 $_size__tile_overlayer_lowered;
	s6 =	simm.s32 $_tile_overlayer_lowered  }
0x9b: {  	s22 =	simm.s32 $0x1BFF;
	s21 =	sshll.u32 s6, $0x1;
	s3 =	sadd.s32 s4, s19  }
0x9c: {  	s7 =	simm.s32 $0x0;
	s20 =	sshll.u32 s5, $0x1;
	s5 =	sadd.s32 s21, s3  }
0x9d: {  	[timem:s7], [sflag:s22] =	dma.local [hbm:s5], s20  }
0x9e: {  	_ =	swait.ge [sflag:s22], s20  }
0x9f: {  	s4 =	ssub.s32 $0x0, s20;
	[sflag:s22] =	ssyncset.done $0x0  }
0xa0: {  	[sflag:s22] =	ssyncadd.s32 s4;
	_ =	sdelay $0x1  }
0xa1: {  	s23 =	simm.s32 $0x1B8B  }
0xa2: {  	_ =	swait.ge [sflag:s23], $0x1  }
0xa3: {  	[sflag:s23] =	ssyncset.done $0x0  }
0xa4: {  	s25 =	simm.s32 $0x1B8E;
	s24 =	sld [smem:$0x3FFE];
	[sflag:s23] =	ssyncadd.s32 $0xFFFFFFFF  }
0xa5: {  	s26 =	simm.s32 $execute0_lowered;
	[smem:$0x3FD2] =	sst s25  }
0xa6: {  	s5 =	sshll.u32 s26, $0x1;
	_ =	strace $0x8000004C;
	[dreg:$0x1] =	wrdreg $0xFFFFFFFF  }
0xa7: {  	s28 =	simm.s32 $_size_execute0_lowered;
	s3 =	sadd.s32 s3, s5;
	[dreg:$0x0] =	wrdreg $0x0  }
0xa8: {  	s5 =	sshll.u32 s28, $0x1;
	[dreg:$0x2] =	wrdreg s3  }
0xa9: {  	[dreg:$0x3] =	wrdreg s5  }
0xaa: {  	[dreg:$0x4] =	wrdreg $0xC0  }
0xab: {  	_ =	task [dreg:s7], $0x5FFFF  }
0xac: {  	[dreg:$0x1] =	wrdreg $0xFFFFFFFF  }
0xad: {  	[dreg:$0x0] =	wrdreg $0x60  }
0xae: {  	[dreg:$0x2] =	wrdreg s24  }
0xaf: {  	[dreg:$0x3] =	wrdreg s2  }
0xb0: {  	[dreg:$0x4] =	wrdreg $0x9  }
0xb1: {  	_ =	task.clear_ibuf [dreg:s7], $0x5FFFF;
	_ =	strace $0x9000004C  }
0xb2: {  	s29 =	simm.s32 $0x9;
	_ =	strace $0x8000004E  }
0xb3: {  	_ =	swait.ge [sflag:s29], $0x1  }
0xb4: {  	[sflag:s29] =	ssyncadd.s32 $0xFFFFFFFF  }
0xb5: {  	_ =	strace $0x9000004E  }
0xb6: {  	_ =	sfence  }
0xb7: {  	s30 =	sld [smem:$0x0];
	_ =	sdelay $0x2  }
0xb8: {  	s31 =	sshll.u32 s1, $0xD;
	s1 =	sshrl.u32 s1, $0x2  }
0xb9: {  	s3 =	sand.u32 $0x4000, s31;
	s1 =	sadd.s32 s1, s30  }
0xba: {  	s0 =	sor.u32 s3, s0;
	s1 =	sshll.u32 s1, $0x11  }
0xbb: {  	s0 =	sor.u32 s1, s0  }
0xbc: {  	s0 =	sadd.s32 $0x8F2B, s0  }
0xbd: {  	[sflag:s0] =	ssyncadd.remote.s32 $0x1  }
0xbe: {  	_ =	sfence.sel $0xFFFF  }
0xbf: {  	[dreg:$0x0] =	wrdreg $0xFFFFFFFF;
	(pc) =	sbr.abs _section_cstart, $3  }
0xc0: {  	[dreg:$0x1] =	wrdreg $0xFFFFFFFF  }
0xc1: {  	_ =	task.clear_ibuf [dreg:s7], $0x2FFFF;
	_ =	strace $0x9FFFFFFF  }
0xc2: {  	(tm) =	ssettm $0x7FFFFFFF  }
0xc3: {  	_ =	shalt  }
tec
execute0_lowered:
.L_overlay_start_1:
0x0: {  	(tag) =	ssettag $0x1  }
0x1: {  	s1 =	srdreg.scid  }
0x2: {  	s0 =	stileid.u32;
	s14 =	sand.u32 $0x1, s1  }
0x3: {  	s2 =	rddreg [dreg:$0x0];
	s29 =	sshll.u32 s0, $0xA;
	s3 =	sshll.u32 s14, $0x9  }
0x4: {  	s15 =	rddreg [dreg:$0x1];
	s16 =	sor.u32 s3, s29  }
0x5: {  	s1 =	rddreg [dreg:$0x2];
	s3 =	simm.s32 $0x0;
	s4 =	sshrl.u32 s16, $0x3  }
0x6: {  	[smem:$0x7FF] =	sst s3;
	s4 =	sadd.s32 s4, s2  }
0x7: {  	_ =	strace $0x8000004D;
	s5 =	sadd.s32 $0x41800, s4;
	s4 =	simm.s32 $0x2  }
0x8: {  	[tilespmem:s3], [sflag:$0x2] =	stream.linear.gather [hbm4b:s5+s3], $0x200, $0x38;
	[tilespmem:$0x10200] =	vst v63  }
0x9: {  	_ =	swait.ge [sflag:s4], $0x200  }
0xa: {  	[sflag:s4] =	ssyncset.done $0x0  }
0xb: {  	s6 =	simm.s32 $0x80;
	s7 =	simm.s32 $0x200;
	[sflag:s4] =	ssyncadd.s32 $0xFFFFFE00  }
0xc: {  	[tilespmem:s7], [sflag:$0x1] =	stream.indirect.gather [hbm4b:s2+s6], $0x80, s3, s6, $0xb8;
	[tilespmem:$0x10200] =	vst v63  }
0xd: {  	s8 =	simm.s32 $0x4200  }
0xe: {  	[tilespmem:s8], [sflag:$0x1] =	stream.indirect.gather [hbm4b:s2+s6], $0x80, s6, s6, $0xb8;
	[tilespmem:$0x10200] =	vst v63  }
0xf: {  	s9 =	simm.s32 $0x100;
	s10 =	simm.s32 $0x8200  }
0x10: {  	[tilespmem:s10], [sflag:$0x1] =	stream.indirect.gather [hbm4b:s2+s6], $0x80, s9, s6, $0xb8;
	[tilespmem:$0x10200] =	vst v63  }
0x11: {  	s11 =	simm.s32 $0x180;
	s12 =	simm.s32 $0xC200;
	s13 =	simm.s32 $0x1  }
0x12: {  	[tilespmem:s12], [sflag:$0x1] =	stream.indirect.gather [hbm4b:s2+s6], $0x80, s11, s6, $0xb8;
	[tilespmem:$0x10200] =	vst v63  }
0x13: {  	_ =	swait.ge [sflag:s13], $0x4000  }
0x14: {  	[sflag:s13] =	ssyncset.done $0x0  }
0x15: {  	[sflag:s13] =	ssyncadd.s32 $0xFFFFC000  }
0x16: {  	_ =	swait.ge [sflag:s13], $0x4000  }
0x17: {  	[sflag:s13] =	ssyncset.done $0x0  }
0x18: {  	s14 =	ssub.s32 $0x2, s14;
	[sflag:s13] =	ssyncadd.s32 $0xFFFFC000  }
0x19: {  	s17 =	sshrl.u32 s14, $0x1;
	_ =	swait.ge [sflag:s13], $0x4000  }
0x1a: {  	s17 =	ssub.s32 s14, s17;
	[sflag:s13] =	ssyncset.done $0x0  }
0x1b: {  	s31 =	smax.u32 s17, $0x1;
	[sflag:s13] =	ssyncadd.s32 $0xFFFFC000  }
0x1c: {  	p0 =	sne.s32 s31, $0x1;
	_ =	swait.ge [sflag:s13], $0x4000  }
.Ltmp0:
0x1d: {  	s30 =	sshll.u32 s16, $0x4;
	[sflag:s13] =	ssyncset.done $0x0;
	(pc) =	sbr.rel @!p0 .LBB2_2-.Ltmp0, $4  }
0x1e: {  	s14 =	sadd.s32 s15, s30;
	[sflag:s13] =	ssyncadd.s32 $0xFFFFC000  }
0x1f: {  	[hbm4b:s14+s3] =	stream.linear.scatter [tilespmem:s7], [sflag:$0x2], $0x10000, $0x38;
	[tilespmem:$0x10200] =	vst v63  }
0x20: {  	_ =	swait.ge [sflag:s4], $0x10000  }
0x21: {  	s15 =	sadd.s32 $0xFFFFFFFF, s31;
	[sflag:s4] =	ssyncset.done $0x0  }
.LBB2_1:
0x22: {  	p0 =	sne.s32 s15, $0x1;
	s15 =	sadd.s32 $0xFFFFFFFF, s15;
	[sflag:s4] =	ssyncadd.s32 $0xFFFF0000  }
0x23: {  	[tilespmem:s3], [sflag:$0x2] =	stream.linear.gather [hbm4b:s5+s3], $0x200, $0x38;
	[tilespmem:$0x10200] =	vst v63  }
0x24: {  	_ =	swait.ge [sflag:s4], $0x200  }
0x25: {  	[sflag:s4] =	ssyncset.done $0x0  }
0x26: {  	[sflag:s4] =	ssyncadd.s32 $0xFFFFFE00  }
0x27: {  	[tilespmem:s7], [sflag:$0x1] =	stream.indirect.gather [hbm4b:s2+s6], $0x80, s3, s6, $0xb8;
	[tilespmem:$0x10200] =	vst v63  }
0x28: {  	_ = 	snop  }
0x29: {  	[tilespmem:s8], [sflag:$0x1] =	stream.indirect.gather [hbm4b:s2+s6], $0x80, s6, s6, $0xb8;
	[tilespmem:$0x10200] =	vst v63  }
0x2a: {  	_ = 	snop  }
0x2b: {  	[tilespmem:s10], [sflag:$0x1] =	stream.indirect.gather [hbm4b:s2+s6], $0x80, s9, s6, $0xb8;
	[tilespmem:$0x10200] =	vst v63  }
0x2c: {  	_ = 	snop  }
0x2d: {  	[tilespmem:s12], [sflag:$0x1] =	stream.indirect.gather [hbm4b:s2+s6], $0x80, s11, s6, $0xb8;
	[tilespmem:$0x10200] =	vst v63  }
0x2e: {  	_ =	swait.ge [sflag:s13], $0x4000  }
0x2f: {  	[sflag:s13] =	ssyncset.done $0x0  }
0x30: {  	[sflag:s13] =	ssyncadd.s32 $0xFFFFC000  }
0x31: {  	_ =	swait.ge [sflag:s13], $0x4000  }
0x32: {  	[sflag:s13] =	ssyncset.done $0x0  }
0x33: {  	[sflag:s13] =	ssyncadd.s32 $0xFFFFC000  }
0x34: {  	_ =	swait.ge [sflag:s13], $0x4000  }
0x35: {  	[sflag:s13] =	ssyncset.done $0x0  }
0x36: {  	[sflag:s13] =	ssyncadd.s32 $0xFFFFC000  }
0x37: {  	_ =	swait.ge [sflag:s13], $0x4000  }
.Ltmp1:
0x38: {  	[sflag:s13] =	ssyncset.done $0x0;
	(pc) =	sbr.rel @p0 .LBB2_1-.Ltmp1, $4  }
0x39: {  	[sflag:s13] =	ssyncadd.s32 $0xFFFFC000  }
0x3a: {  	[hbm4b:s14+s3] =	stream.linear.scatter [tilespmem:s7], [sflag:$0x2], $0x10000, $0x38;
	[tilespmem:$0x10200] =	vst v63  }
0x3b: {  	_ =	swait.ge [sflag:s4], $0x10000  }
0x3c: {  	[sflag:s4] =	ssyncset.done $0x0  }
.LBB2_2:
0x3d: {  	[sflag:s4] =	ssyncadd.s32 $0xFFFF0000  }
0x3e: {  	_ =	sfence.sel $0x180000  }
0x3f: {  	[bflag:$0x0] =	sbarrier.arrive $0xFFFF  }
0x40: {  	p0 =	sne.s32 s0, $0x0;
	_ =	strace $0x9000004D  }
0x41: {  	s0 =	sadd.s32 @!p0 $0x100000, s1;
	[bflag:$0x2] =	sbarrier.arrive $0xFFFF  }
0x42: {  	[sflag:s0] =	ssyncadd.tile.s32 @!p0 $0x1;
	_ =	shalt  }
.Lfunc_end2:
_tile_overlayer_lowered:
.L_overlay_start_2:
0x43: {  	(tag) =	ssettag $0x2  }
0x44: {  	s0 =	rddreg [dreg:$0x0];
	s2 =	stileid.u32  }
0x45: {  	s1 =	rddreg [dreg:$0x1];
	p0 =	sne.s32 s2, $0x0  }
0x46: {  	s3 =	rddreg [dreg:$0x2];
	[bflag:$0x3] =	sbarrier.arrive $0xFFFF;
	s2 =	simm.s32 @!p0 $0x1C02  }
0x47: {  	[timem:s3], [sflag:s2] =	dma.local @!p0 [hbm:s0], s1  }
0x48: {  	s0 =	simm.s32 @!p0 $0x2  }
0x49: {  	_ =	swait.ge @!p0 [sflag:s0], s1  }
0x4a: {  	s1 =	ssub.s32 @!p0 $0x0, s1;
	[sflag:s0] =	ssyncset.done @!p0 $0x0  }
0x4b: {  	[sflag:s0] =	ssyncadd.s32 @!p0 s1  }
0x4c: {  	[bflag:$0x3] =	sbarrier.arrive $0xFFFF  }
0x4d: {  	_ =	shalt  }

// kernel: kernel.6.cloned.1.call-start
scs
__scs_entry_jumppad:
0x0: {  	(pc) =	sbr.rel $0x88, $3  }
0x1: {  	(tag) =	ssettag $0x0;
	lr =	simm.s32 $0x1  }
0x2: {  	[smem:$0x3F9D] =	sst lr;
	_ =	strace $0xD0000000  }
0x3: {  	_ = 	snop  }
0x4: {  	_ = 	snop  }
0x5: {  	_ = 	snop  }
0x6: {  	_ = 	snop  }
0x7: {  	_ = 	snop  }
__scs_overlays_trampoline_lowered:
0x8: {  	[smem:$0x3FAC] =	sst s0  }
0x9: {  	[smem:$0x3FAD] =	sst s1  }
0xa: {  	[smem:$0x3FAE] =	sst s2  }
0xb: {  	[smem:$0x3FAF] =	sst s3  }
0xc: {  	[smem:$0x3FB0] =	sst s4  }
0xd: {  	[smem:$0x3FB1] =	sst s5  }
0xe: {  	[smem:$0x3FB2] =	sst s6  }
0xf: {  	[smem:$0x3FB3] =	sst s7  }
0x10: {  	[smem:$0x3FB4] =	sst s8  }
0x11: {  	[smem:$0x3FB5] =	sst s9;
	s0 =	simm.s32 @!p0 $0x0  }
0x12: {  	s1 =	sld [smem:$0x3F9B];
	s0 =	simm.s32 @p0 $0x1  }
0x13: {  	[smem:$0x3FB6] =	sst s0;
	s0 =	simm.s32 @!p1 $0x0  }
0x14: {  	s2 =	sld [smem:$0x3F9A];
	s0 =	simm.s32 @p1 $0x1  }
0x15: {  	[smem:$0x3FB7] =	sst s0;
	s0 =	simm.s32 @!p2 $0x0  }
0x16: {  	s3 =	sld [smem:$0x3FDB];
	s0 =	simm.s32 @p2 $0x1  }
0x17: {  	s4 =	simm.s32 $0x1BF5;
	[smem:$0x3FB9] =	sst s0  }
0x18: {  	s0 =	sld [smem:$0x3F9C];
	_ =	swait.ge [sflag:s4], $0x0  }
0x19: {  	s7 =	sld [smem:$0x3F9D]  }
0x1a: {  	s8 =	sadd.s32 $0xFFFFE003, lr  }
0x1b: {  	s9 =	sadd.s32 $0xFFFFFEF7, lr;
	s5 =	simm.s32 $0xFFFFFFFF;
	p2 =	slt.u32 s8, $0xFFFFF086  }
0x1c: {  	p1 =	slt.u32 s9, $0xF7A;
	s5 =	simm.s32 @!p2 $0x0  }
0x1d: {  	s5 =	simm.s32 @p1 $0x1;
	p0 =	seq.s32 s7, s2  }
0x1e: {  	s7 =	smul.u32 @!p0 $0xF7A, s2;
	p2 =	seq.s32 @!p0 s5, $0x0  }
0x1f: {  	s9 =	smul.u32 $0xF7A, s1;
	s8 =	simm.s32 @!p0 $0x1BF5;
	p2 =	por !p2, p0  }
0x20: {  	[sflag:s8] =	ssyncset.s32 @!p0 $0xFFFFF086;
	s6 =	sadd.s32 @!p0 s3, s7;
	s7 =	simm.s32 @!p0 $0x108  }
0x21: {  	s3 =	sadd.s32 s3, s9;
	s6 =	sadd.s32 @!p0 $0x88, s6;
	s7 =	simm.s32 @p2 $0x1082  }
0x22: {  	[simem:s7], [sflag:s8] =	dma.local @!p0 [hbm:s6], $0xF7A  }
0x23: {  	s9 =	sor.u32 $0xD0000000, s2;
	s6 =	simm.s32 $0x108;
	_ =	swait.ge @!p0 [sflag:s8], $0x0  }
0x24: {  	s3 =	sadd.s32 $0x88, s3;
	s6 =	simm.s32 @!p1 $0x1082;
	[sflag:s4] =	ssyncset.s32 $0xFFFFF086  }
0x25: {  	[simem:s6], [sflag:s4] =	dma.local [hbm:s3], $0xF7A  }
0x26: {  	[smem:$0x3F9D] =	sst s1;
	(tag) =	ssettag s2;
	_ =	strace s9  }
0x27: {  	s1 =	sld [smem:$0x3FAD]  }
0x28: {  	s2 =	sld [smem:$0x3FAE]  }
0x29: {  	s4 =	sld [smem:$0x3FB0]  }
0x2a: {  	p0 =	seq.s32 s5, $0x0;
	s5 =	sld [smem:$0x3FB1]  }
0x2b: {  	s6 =	sld [smem:$0x3FB2]  }
0x2c: {  	s7 =	sld [smem:$0x3FB3]  }
0x2d: {  	s3 =	simm.s32 $0x108;
	s8 =	sld [smem:$0x3FB4]  }
0x2e: {  	s3 =	simm.s32 @!p0 $0x1082;
	s9 =	sld [smem:$0x3FB5]  }
0x2f: {  	lr =	sadd.s32 s0, s3;
	s0 =	sld [smem:$0x3FAC]  }
0x30: {  	s3 =	sld [smem:$0x3FAF]  }
0x31: {  	[smem:$0x3FB8] =	sst s10  }
0x32: {  	s10 =	sld [smem:$0x3FB6];
	_ =	sdelay $0x3  }
0x33: {  	p0 =	seq.s32 s10, $0x1;
	s10 =	sld [smem:$0x3FB8];
	_ =	sdelay $0x3  }
0x34: {  	[smem:$0x3FB8] =	sst s10  }
0x35: {  	s10 =	sld [smem:$0x3FB7];
	_ =	sdelay $0x3  }
0x36: {  	p1 =	seq.s32 s10, $0x1;
	s10 =	sld [smem:$0x3FB8];
	_ =	sdelay $0x3  }
0x37: {  	[smem:$0x3FB8] =	sst s10  }
0x38: {  	s10 =	sld [smem:$0x3FB9]  }
0x39: {  	_ = 	snop;
	(pc) =	sbr.ind lr, $3  }
0x3a: {  	_ = 	snop  }
0x3b: {  	_ = 	snop  }
0x3c: {  	p2 =	seq.s32 s10, $0x1;
	s10 =	sld [smem:$0x3FB8]  }
0x3d: {  	_ =	shalt  }
0x3e: {  	_ =	shalt  }
0x3f: {  	_ =	shalt  }
0x40: {  	_ =	shalt  }
0x41: {  	_ =	shalt  }
0x42: {  	_ =	shalt  }
0x43: {  	_ =	shalt  }
0x44: {  	_ =	shalt  }
0x45: {  	_ =	shalt  }
0x46: {  	_ =	shalt  }
0x47: {  	_ =	shalt  }
0x48: {  	_ =	shalt  }
0x49: {  	_ =	shalt  }
0x4a: {  	_ =	shalt  }
0x4b: {  	_ =	shalt  }
0x4c: {  	_ =	shalt  }
0x4d: {  	_ =	shalt  }
0x4e: {  	_ =	shalt  }
0x4f: {  	_ =	shalt  }
0x50: {  	_ =	shalt  }
0x51: {  	_ =	shalt  }
0x52: {  	_ =	shalt  }
0x53: {  	_ =	shalt  }
0x54: {  	_ =	shalt  }
0x55: {  	_ =	shalt  }
0x56: {  	_ =	shalt  }
0x57: {  	_ =	shalt  }
0x58: {  	_ =	shalt  }
0x59: {  	_ =	shalt  }
0x5a: {  	_ =	shalt  }
0x5b: {  	_ =	shalt  }
0x5c: {  	_ =	shalt  }
0x5d: {  	_ =	shalt  }
0x5e: {  	_ =	shalt  }
0x5f: {  	_ =	shalt  }
0x60: {  	_ =	shalt  }
0x61: {  	_ =	shalt  }
0x62: {  	_ =	shalt  }
0x63: {  	_ =	shalt  }
0x64: {  	_ =	shalt  }
0x65: {  	_ =	shalt  }
0x66: {  	_ =	shalt  }
0x67: {  	_ =	shalt  }
0x68: {  	_ =	shalt  }
0x69: {  	_ =	shalt  }
0x6a: {  	_ =	shalt  }
0x6b: {  	_ =	shalt  }
0x6c: {  	_ =	shalt  }
0x6d: {  	_ =	shalt  }
0x6e: {  	_ =	shalt  }
0x6f: {  	_ =	shalt  }
0x70: {  	_ =	shalt  }
0x71: {  	_ =	shalt  }
0x72: {  	_ =	shalt  }
0x73: {  	_ =	shalt  }
0x74: {  	_ =	shalt  }
0x75: {  	_ =	shalt  }
0x76: {  	_ =	shalt  }
0x77: {  	_ =	shalt  }
0x78: {  	_ =	shalt  }
0x79: {  	_ =	shalt  }
0x7a: {  	_ =	shalt  }
0x7b: {  	_ =	shalt  }
0x7c: {  	_ =	shalt  }
0x7d: {  	_ =	shalt  }
0x7e: {  	_ =	shalt  }
0x7f: {  	_ =	shalt  }
0x80: {  	_ =	shalt  }
0x81: {  	_ =	shalt  }
0x82: {  	_ =	shalt  }
0x83: {  	_ =	shalt  }
0x84: {  	_ =	shalt  }
0x85: {  	_ =	shalt  }
0x86: {  	_ =	shalt  }
0x87: {  	_ =	shalt  }
.Lfunc_end0:
.L_simem_size_0:
called_computation_lowered:
.L_overlay_start_0:
0x88: {  	s2 =	sld [smem:$0x3FD9]  }
0x89: {  	s3 =	sld [smem:$0x3FFE];
	_ =	sdelay $0x1  }
0x8a: {  	s1 =	srdreg.scid  }
0x8b: {  	s0 =	sand.u32 $0x1, s1  }
0x8c: {  	s17 =	sshll.u32 s0, $0xA;
	s2 =	sadd.s32 s3, s2  }
0x8d: {  	s2 =	sadd.s32 s2, s17  }
0x8e: {  	[smem:$0x3FC4] =	sst s2  }
0x8f: {  	_ = 	snop  }
0x90: {  	s2 =	sld [smem:$0x3FC8]  }
0x91: {  	s18 =	sld [smem:$0x3FD0];
	(tm) =	ssettm $0x1  }
0x92: {  	s4 =	sld [smem:$0x3FFB];
	_ =	sdelay $0x3  }
0x93: {  	_ =	strace s4  }
0x94: {  	s4 =	sld [smem:$0x3FFC];
	_ =	sdelay $0x3  }
0x95: {  	_ =	strace s4  }
0x96: {  	s4 =	sld [smem:$0x3FFD];
	_ =	sdelay $0x3  }
0x97: {  	_ =	strace s4  }
0x98: {  	_ =	strace $0x8FFFFFFF  }
0x99: {  	s19 =	sld [smem:$0x3FDB];
	_ =	sdelay $0x1  }
0x9a: {  	s5 =	simm.s32 $_scs_section_size  }
0x9b: {  	s6 =	simm.s32 $_size__tile_overlayer_lowered;
	s7 =	simm.s32 $_tile_overlayer_lowered  }
0x9c: {  	s22 =	simm.s32 $0x1BFF;
	s21 =	sshll.u32 s7, $0x1;
	s4 =	sadd.s32 s5, s19  }
0x9d: {  	s8 =	simm.s32 $0x0;
	s20 =	sshll.u32 s6, $0x1;
	s6 =	sadd.s32 s21, s4  }
0x9e: {  	[timem:s8], [sflag:s22] =	dma.local [hbm:s6], s20  }
0x9f: {  	_ =	swait.ge [sflag:s22], s20  }
0xa0: {  	s5 =	ssub.s32 $0x0, s20;
	[sflag:s22] =	ssyncset.done $0x0  }
0xa1: {  	[sflag:s22] =	ssyncadd.s32 s5;
	_ =	sdelay $0x1  }
0xa2: {  	s23 =	simm.s32 $0x1B8B  }
0xa3: {  	_ =	swait.ge [sflag:s23], $0x1  }
0xa4: {  	[sflag:s23] =	ssyncset.done $0x0  }
0xa5: {  	s25 =	simm.s32 $0x1B8E;
	s24 =	sld [smem:$0x3FFE];
	[sflag:s23] =	ssyncadd.s32 $0xFFFFFFFF  }
0xa6: {  	s26 =	simm.s32 $execute0_lowered;
	[smem:$0x3FD2] =	sst s25  }
0xa7: {  	s6 =	sshll.u32 s26, $0x1;
	_ =	strace $0x80000046;
	[dreg:$0x1] =	wrdreg $0xFFFFFFFF  }
0xa8: {  	s28 =	simm.s32 $_size_execute0_lowered;
	s4 =	sadd.s32 s4, s6;
	[dreg:$0x0] =	wrdreg $0x0  }
0xa9: {  	s6 =	sshll.u32 s28, $0x1;
	[dreg:$0x2] =	wrdreg s4  }
0xaa: {  	[dreg:$0x3] =	wrdreg s6  }
0xab: {  	[dreg:$0x4] =	wrdreg $0xC0  }
0xac: {  	_ =	task [dreg:s8], $0x5FFFF  }
0xad: {  	[dreg:$0x1] =	wrdreg $0xFFFFFFFF  }
0xae: {  	[dreg:$0x0] =	wrdreg $0x60  }
0xaf: {  	[dreg:$0x2] =	wrdreg s2  }
0xb0: {  	[dreg:$0x3] =	wrdreg s18  }
0xb1: {  	[dreg:$0x4] =	wrdreg s24  }
0xb2: {  	[dreg:$0x5] =	wrdreg $0x9  }
0xb3: {  	_ =	task.clear_ibuf [dreg:s8], $0x6FFFF;
	_ =	strace $0x90000046  }
0xb4: {  	s29 =	simm.s32 $0x9;
	_ =	strace $0x80000048  }
0xb5: {  	_ =	swait.ge [sflag:s29], $0x1  }
0xb6: {  	[sflag:s29] =	ssyncadd.s32 $0xFFFFFFFF  }
0xb7: {  	_ =	strace $0x90000048  }
0xb8: {  	_ =	sfence  }
0xb9: {  	s30 =	sld [smem:$0x0];
	_ =	sdelay $0x2  }
0xba: {  	s31 =	sshll.u32 s1, $0xD;
	s1 =	sshrl.u32 s1, $0x2  }
0xbb: {  	s3 =	sand.u32 $0x4000, s31;
	s1 =	sadd.s32 s1, s30  }
0xbc: {  	s0 =	sor.u32 s3, s0;
	s1 =	sshll.u32 s1, $0x11  }
0xbd: {  	s0 =	sor.u32 s1, s0  }
0xbe: {  	s0 =	sadd.s32 $0x8F2B, s0  }
0xbf: {  	[sflag:s0] =	ssyncadd.remote.s32 $0x1  }
0xc0: {  	_ =	sfence.sel $0xFFFF  }
0xc1: {  	[dreg:$0x0] =	wrdreg $0xFFFFFFFF;
	(pc) =	sbr.abs _section_cstart, $3  }
0xc2: {  	[dreg:$0x1] =	wrdreg $0xFFFFFFFF  }
0xc3: {  	_ =	task.clear_ibuf [dreg:s8], $0x2FFFF;
	_ =	strace $0x9FFFFFFF  }
0xc4: {  	(tm) =	ssettm $0x7FFFFFFF  }
0xc5: {  	_ =	shalt  }
tec
execute0_lowered:
.L_overlay_start_1:
0x0: {  	(tag) =	ssettag $0x1  }
0x1: {  	s3 =	rddreg [dreg:$0x0]  }
0x2: {  	s4 =	rddreg [dreg:$0x1]  }
0x3: {  	s5 =	rddreg [dreg:$0x2];
	s1 =	srdreg.scid  }
0x4: {  	s0 =	rddreg [dreg:$0x3];
	s2 =	simm.s32 $0x0;
	s10 =	simm.s32 $0x80  }
0x5: {  	s11 =	simm.s32 $0x400;
	s12 =	simm.s32 $0x0;
	s6 =	sand.u32 $0x1, s1  }
0x6: {  	[smem:$0x7FF] =	sst s2;
	s1 =	stileid.u32;
	s7 =	ssub.s32 $0x2, s6  }
0x7: {  	_ =	strace $0x80000047;
	s9 =	sshll.u32 s1, $0x1;
	s8 =	sshrl.u32 s7, $0x1  }
0x8: {  	s31 =	sshll.u32 s1, $0xC;
	s6 =	sor.u32 s6, s9;
	s7 =	ssub.s32 s7, s8  }
0x9: {  	s9 =	sshll.u32 s6, $0x6;
	s8 =	sand.u32 $0xC000, s31;
	s6 =	sshll.u32 s6, $0x4  }
0xa: {  	s3 =	sadd.s32 s3, s9;
	s6 =	sand.u32 $0x70, s6;
	s4 =	sadd.s32 s4, s8  }
0xb: {  	v2 =	vlaneseq.u32;
	s5 =	sadd.s32 s5, s9;
	s8 =	simm.s32 $0x200;
	s9 =	simm.s32 $0x4200  }
0xc: {  	v0 =	vimm.s32 $0x0;
	v1 =	vmul.u32 $0x20, v2;
	v2 =	vmul.u32 $0x400, v2;
	s4 =	sadd.s32 s6, s4;
	s6 =	smax.u32 s7, $0x1;
	s7 =	simm.s32 $0x1  }
.LBB2_1:
0xd: {  	[tilespmem:s2], [sflag:$0x1] =	stream.linear.gather [hbm4b:s3+s2], $0x200, $0x38;
	[tilespmem:$0x4400] =	vst v63  }
0xe: {  	_ =	swait.ge [sflag:s7], $0x200  }
0xf: {  	[sflag:s7] =	ssyncset.done $0x0  }
0x10: {  	s13 =	simm.s32 $0x0;
	s14 =	simm.s32 $0x400;
	[sflag:s7] =	ssyncadd.s32 $0xFFFFFE00  }
.LBB2_2:
0x11: {  	p0 =	sne.s32 s14, $0xFC00;
	[tilespmem:s13+$0x2F0] =	vst v0  }
0x12: {  	[tilespmem:s13+$0x200] =	vst v0  }
0x13: {  	[tilespmem:s13+$0x210] =	vst v0  }
0x14: {  	[tilespmem:s13+$0x220] =	vst v0  }
0x15: {  	[tilespmem:s13+$0x230] =	vst v0  }
0x16: {  	[tilespmem:s13+$0x240] =	vst v0  }
0x17: {  	[tilespmem:s13+$0x250] =	vst v0  }
0x18: {  	[tilespmem:s13+$0x260] =	vst v0  }
0x19: {  	[tilespmem:s13+$0x270] =	vst v0  }
0x1a: {  	[tilespmem:s13+$0x280] =	vst v0  }
0x1b: {  	[tilespmem:s13+$0x290] =	vst v0  }
.Ltmp0:
0x1c: {  	[tilespmem:s13+$0x2A0] =	vst v0;
	(pc) =	sbr.rel @p0 .LBB2_2-.Ltmp0, $4  }
0x1d: {  	[tilespmem:s13+$0x2B0] =	vst v0  }
0x1e: {  	[tilespmem:s13+$0x2C0] =	vst v0  }
0x1f: {  	[tilespmem:s13+$0x2D0] =	vst v0  }
0x20: {  	[tilespmem:s13+$0x2E0] =	vst v0;
	s13 =	sshra.s32 s14, $0x2;
	s14 =	sadd.s32 $0x400, s14  }
0x21: {  	[tilespmem:s13+$0x2F0] =	vst v0  }
0x22: {  	[tilespmem:s13+$0x200] =	vst v0  }
0x23: {  	[tilespmem:s13+$0x210] =	vst v0  }
0x24: {  	[tilespmem:s13+$0x220] =	vst v0  }
0x25: {  	[tilespmem:s13+$0x230] =	vst v0  }
0x26: {  	[tilespmem:s13+$0x240] =	vst v0  }
0x27: {  	[tilespmem:s13+$0x250] =	vst v0  }
0x28: {  	[tilespmem:s13+$0x260] =	vst v0  }
0x29: {  	[tilespmem:s13+$0x270] =	vst v0  }
0x2a: {  	[tilespmem:s13+$0x280] =	vst v0  }
0x2b: {  	[tilespmem:s13+$0x290] =	vst v0;
	s14 =	simm.s32 $0x0  }
0x2c: {  	[tilespmem:s13+$0x2A0] =	vst v0;
	v3 =	vor.u32 s14, v1  }
0x2d: {  	[tilespmem:s13+$0x2B0] =	vst v0  }
0x2e: {  	[tilespmem:s13+$0x2C0] =	vst v0  }
0x2f: {  	[tilespmem:s13+$0x2D0] =	vst v0  }
0x30: {  	[tilespmem:s13+$0x2E0] =	vst v0  }
0x31: {  	v4 =	vld.idx.msk [tilespmem:v3+s2+$0x0], $0xffff;
	_ =	sdelay $0x4  }
0x32: {  	v4 =	vadd.s32 v2, v4;
	_ =	sdelay $0x4  }
0x33: {  	v6 =	vld.idx.msk [tilespmem:v4+s8+$0x0], $0xffff;
	_ =	sdelay $0x2  }
0x34: {  	s31 =	simm.s32 $0x1  }
0x35: {  	s13 =	simm.s32 $0x2;
	v5 =	vor.u32 s31, v1  }
.LBB2_4:
0x36: {  	p0 =	sne.s32 s13, $0x1F;
	v7 =	vadd.s32 $0x1, v6  }
0x37: {  	[tilespmem:v4+s8+$0x0] =	vst.idx.msk $0xffff, v7  }
0x38: {  	[tilespmem:v3+s9+$0x0] =	vst.idx.msk $0xffff, v6;
	v3 =	vmov v5  }
0x39: {  	v4 =	vld.idx.msk [tilespmem:v5+s2+$0x0], $0xffff;
	_ =	sdelay $0x5  }
0x3a: {  	v4 =	vadd.s32 v2, v4;
	_ =	sdelay $0x4  }
0x3b: {  	v6 =	vld.idx.msk [tilespmem:v4+s8+$0x0], $0xffff  }
.Ltmp1:
0x3c: {  	(pc) =	sbr.rel @p0 .LBB2_4-.Ltmp1, $3  }
0x3d: {  	_ =	sdelay $0x1  }
0x3e: {  	v5 =	vor.u32 s13, v1  }
0x3f: {  	s13 =	sadd.s32 $0x1, s13  }
0x40: {  	_ =	sdelay $0x2  }
0x41: {  	v7 =	vadd.s32 $0x1, v6  }
0x42: {  	[tilespmem:v4+s8+$0x0] =	vst.idx.msk $0xffff, v7  }
0x43: {  	[tilespmem:v3+s9+$0x0] =	vst.idx.msk $0xffff, v6  }
0x44: {  	v3 =	vld.idx.msk [tilespmem:v5+s2+$0x0], $0xffff;
	_ =	sdelay $0x4  }
0x45: {  	v3 =	vadd.s32 v2, v3;
	_ =	sdelay $0x4  }
0x46: {  	v4 =	vld.idx.msk [tilespmem:v3+s8+$0x0], $0xffff;
	_ =	sdelay $0x4  }
0x47: {  	v63 =	vadd.s32 $0x1, v4  }
0x48: {  	[tilespmem:v3+s8+$0x0] =	vst.idx.msk $0xffff, v63  }
0x49: {  	[tilespmem:v5+s9+$0x0] =	vst.idx.msk $0xffff, v4  }
0x4a: {  	[hbm4b:s4+s10] =	stream.strided.scatter [tilespmem:s8], [sflag:$0x1], $0x4000, s11, s10, $0x38;
	[tilespmem:$0x4400] =	vst v63  }
0x4b: {  	s12 =	sadd.s32 $0x1, s12;
	_ =	swait.ge [sflag:s7], $0x4000  }
0x4c: {  	p0 =	sne.s32 s12, s6;
	[sflag:s7] =	ssyncset.done $0x0  }
.Ltmp2:
0x4d: {  	[sflag:s7] =	ssyncadd.s32 $0xFFFFC000;
	(pc) =	sbr.rel @p0 .LBB2_1-.Ltmp2, $4  }
0x4e: {  	[hbm4b:s5+s2] =	stream.linear.scatter [tilespmem:s9], [sflag:$0x1], $0x200, $0x38;
	[tilespmem:$0x4400] =	vst v63  }
0x4f: {  	_ =	swait.ge [sflag:s7], $0x200  }
0x50: {  	[sflag:s7] =	ssyncset.done $0x0  }
0x51: {  	[sflag:s7] =	ssyncadd.s32 $0xFFFFFE00  }
0x52: {  	_ =	sfence.sel $0x180000  }
0x53: {  	[bflag:$0x0] =	sbarrier.arrive $0xFFFF  }
0x54: {  	p0 =	sne.s32 s1, $0x0;
	_ =	strace $0x90000047  }
0x55: {  	s0 =	sadd.s32 @!p0 $0x100000, s0;
	[bflag:$0x2] =	sbarrier.arrive $0xFFFF  }
0x56: {  	[sflag:s0] =	ssyncadd.tile.s32 @!p0 $0x1;
	_ =	shalt  }
.Lfunc_end2:
_tile_overlayer_lowered:
.L_overlay_start_2:
0x57: {  	(tag) =	ssettag $0x2  }
0x58: {  	s0 =	rddreg [dreg:$0x0];
	s2 =	stileid.u32  }
0x59: {  	s1 =	rddreg [dreg:$0x1];
	p0 =	sne.s32 s2, $0x0  }
0x5a: {  	s3 =	rddreg [dreg:$0x2];
	[bflag:$0x3] =	sbarrier.arrive $0xFFFF;
	s2 =	simm.s32 @!p0 $0x1C01  }
0x5b: {  	[timem:s3], [sflag:s2] =	dma.local @!p0 [hbm:s0], s1  }
0x5c: {  	s0 =	simm.s32 @!p0 $0x1  }
0x5d: {  	_ =	swait.ge @!p0 [sflag:s0], s1  }
0x5e: {  	s1 =	ssub.s32 @!p0 $0x0, s1;
	[sflag:s0] =	ssyncset.done @!p0 $0x0  }
0x5f: {  	[sflag:s0] =	ssyncadd.s32 @!p0 s1  }
0x60: {  	[bflag:$0x3] =	sbarrier.arrive $0xFFFF  }
0x61: {  	_ =	shalt  }

// kernel: kernel.9.cloned.1.call-start
scs
__scs_entry_jumppad:
0x0: {  	(pc) =	sbr.rel $0x88, $3  }
0x1: {  	(tag) =	ssettag $0x0;
	lr =	simm.s32 $0x1  }
0x2: {  	[smem:$0x3F9D] =	sst lr;
	_ =	strace $0xD0000000  }
0x3: {  	_ = 	snop  }
0x4: {  	_ = 	snop  }
0x5: {  	_ = 	snop  }
0x6: {  	_ = 	snop  }
0x7: {  	_ = 	snop  }
__scs_overlays_trampoline_lowered:
0x8: {  	[smem:$0x3FAC] =	sst s0  }
0x9: {  	[smem:$0x3FAD] =	sst s1  }
0xa: {  	[smem:$0x3FAE] =	sst s2  }
0xb: {  	[smem:$0x3FAF] =	sst s3  }
0xc: {  	[smem:$0x3FB0] =	sst s4  }
0xd: {  	[smem:$0x3FB1] =	sst s5  }
0xe: {  	[smem:$0x3FB2] =	sst s6  }
0xf: {  	[smem:$0x3FB3] =	sst s7  }
0x10: {  	[smem:$0x3FB4] =	sst s8  }
0x11: {  	[smem:$0x3FB5] =	sst s9;
	s0 =	simm.s32 @!p0 $0x0  }
0x12: {  	s1 =	sld [smem:$0x3F9B];
	s0 =	simm.s32 @p0 $0x1  }
0x13: {  	[smem:$0x3FB6] =	sst s0;
	s0 =	simm.s32 @!p1 $0x0  }
0x14: {  	s2 =	sld [smem:$0x3F9A];
	s0 =	simm.s32 @p1 $0x1  }
0x15: {  	[smem:$0x3FB7] =	sst s0;
	s0 =	simm.s32 @!p2 $0x0  }
0x16: {  	s3 =	sld [smem:$0x3FDB];
	s0 =	simm.s32 @p2 $0x1  }
0x17: {  	s4 =	simm.s32 $0x1BF5;
	[smem:$0x3FB9] =	sst s0  }
0x18: {  	s0 =	sld [smem:$0x3F9C];
	_ =	swait.ge [sflag:s4], $0x0  }
0x19: {  	s7 =	sld [smem:$0x3F9D]  }
0x1a: {  	s8 =	sadd.s32 $0xFFFFE003, lr  }
0x1b: {  	s9 =	sadd.s32 $0xFFFFFEF7, lr;
	s5 =	simm.s32 $0xFFFFFFFF;
	p2 =	slt.u32 s8, $0xFFFFF086  }
0x1c: {  	p1 =	slt.u32 s9, $0xF7A;
	s5 =	simm.s32 @!p2 $0x0  }
0x1d: {  	s5 =	simm.s32 @p1 $0x1;
	p0 =	seq.s32 s7, s2  }
0x1e: {  	s7 =	smul.u32 @!p0 $0xF7A, s2;
	p2 =	seq.s32 @!p0 s5, $0x0  }
0x1f: {  	s9 =	smul.u32 $0xF7A, s1;
	s8 =	simm.s32 @!p0 $0x1BF5;
	p2 =	por !p2, p0  }
0x20: {  	[sflag:s8] =	ssyncset.s32 @!p0 $0xFFFFF086;
	s6 =	sadd.s32 @!p0 s3, s7;
	s7 =	simm.s32 @!p0 $0x108  }
0x21: {  	s3 =	sadd.s32 s3, s9;
	s6 =	sadd.s32 @!p0 $0x88, s6;
	s7 =	simm.s32 @p2 $0x1082  }
0x22: {  	[simem:s7], [sflag:s8] =	dma.local @!p0 [hbm:s6], $0xF7A  }
0x23: {  	s9 =	sor.u32 $0xD0000000, s2;
	s6 =	simm.s32 $0x108;
	_ =	swait.ge @!p0 [sflag:s8], $0x0  }
0x24: {  	s3 =	sadd.s32 $0x88, s3;
	s6 =	simm.s32 @!p1 $0x1082;
	[sflag:s4] =	ssyncset.s32 $0xFFFFF086  }
0x25: {  	[simem:s6], [sflag:s4] =	dma.local [hbm:s3], $0xF7A  }
0x26: {  	[smem:$0x3F9D] =	sst s1;
	(tag) =	ssettag s2;
	_ =	strace s9  }
0x27: {  	s1 =	sld [smem:$0x3FAD]  }
0x28: {  	s2 =	sld [smem:$0x3FAE]  }
0x29: {  	s4 =	sld [smem:$0x3FB0]  }
0x2a: {  	p0 =	seq.s32 s5, $0x0;
	s5 =	sld [smem:$0x3FB1]  }
0x2b: {  	s6 =	sld [smem:$0x3FB2]  }
0x2c: {  	s7 =	sld [smem:$0x3FB3]  }
0x2d: {  	s3 =	simm.s32 $0x108;
	s8 =	sld [smem:$0x3FB4]  }
0x2e: {  	s3 =	simm.s32 @!p0 $0x1082;
	s9 =	sld [smem:$0x3FB5]  }
0x2f: {  	lr =	sadd.s32 s0, s3;
	s0 =	sld [smem:$0x3FAC]  }
0x30: {  	s3 =	sld [smem:$0x3FAF]  }
0x31: {  	[smem:$0x3FB8] =	sst s10  }
0x32: {  	s10 =	sld [smem:$0x3FB6];
	_ =	sdelay $0x3  }
0x33: {  	p0 =	seq.s32 s10, $0x1;
	s10 =	sld [smem:$0x3FB8];
	_ =	sdelay $0x3  }
0x34: {  	[smem:$0x3FB8] =	sst s10  }
0x35: {  	s10 =	sld [smem:$0x3FB7];
	_ =	sdelay $0x3  }
0x36: {  	p1 =	seq.s32 s10, $0x1;
	s10 =	sld [smem:$0x3FB8];
	_ =	sdelay $0x3  }
0x37: {  	[smem:$0x3FB8] =	sst s10  }
0x38: {  	s10 =	sld [smem:$0x3FB9]  }
0x39: {  	_ = 	snop;
	(pc) =	sbr.ind lr, $3  }
0x3a: {  	_ = 	snop  }
0x3b: {  	_ = 	snop  }
0x3c: {  	p2 =	seq.s32 s10, $0x1;
	s10 =	sld [smem:$0x3FB8]  }
0x3d: {  	_ =	shalt  }
0x3e: {  	_ =	shalt  }
0x3f: {  	_ =	shalt  }
0x40: {  	_ =	shalt  }
0x41: {  	_ =	shalt  }
0x42: {  	_ =	shalt  }
0x43: {  	_ =	shalt  }
0x44: {  	_ =	shalt  }
0x45: {  	_ =	shalt  }
0x46: {  	_ =	shalt  }
0x47: {  	_ =	shalt  }
0x48: {  	_ =	shalt  }
0x49: {  	_ =	shalt  }
0x4a: {  	_ =	shalt  }
0x4b: {  	_ =	shalt  }
0x4c: {  	_ =	shalt  }
0x4d: {  	_ =	shalt  }
0x4e: {  	_ =	shalt  }
0x4f: {  	_ =	shalt  }
0x50: {  	_ =	shalt  }
0x51: {  	_ =	shalt  }
0x52: {  	_ =	shalt  }
0x53: {  	_ =	shalt  }
0x54: {  	_ =	shalt  }
0x55: {  	_ =	shalt  }
0x56: {  	_ =	shalt  }
0x57: {  	_ =	shalt  }
0x58: {  	_ =	shalt  }
0x59: {  	_ =	shalt  }
0x5a: {  	_ =	shalt  }
0x5b: {  	_ =	shalt  }
0x5c: {  	_ =	shalt  }
0x5d: {  	_ =	shalt  }
0x5e: {  	_ =	shalt  }
0x5f: {  	_ =	shalt  }
0x60: {  	_ =	shalt  }
0x61: {  	_ =	shalt  }
0x62: {  	_ =	shalt  }
0x63: {  	_ =	shalt  }
0x64: {  	_ =	shalt  }
0x65: {  	_ =	shalt  }
0x66: {  	_ =	shalt  }
0x67: {  	_ =	shalt  }
0x68: {  	_ =	shalt  }
0x69: {  	_ =	shalt  }
0x6a: {  	_ =	shalt  }
0x6b: {  	_ =	shalt  }
0x6c: {  	_ =	shalt  }
0x6d: {  	_ =	shalt  }
0x6e: {  	_ =	shalt  }
0x6f: {  	_ =	shalt  }
0x70: {  	_ =	shalt  }
0x71: {  	_ =	shalt  }
0x72: {  	_ =	shalt  }
0x73: {  	_ =	shalt  }
0x74: {  	_ =	shalt  }
0x75: {  	_ =	shalt  }
0x76: {  	_ =	shalt  }
0x77: {  	_ =	shalt  }
0x78: {  	_ =	shalt  }
0x79: {  	_ =	shalt  }
0x7a: {  	_ =	shalt  }
0x7b: {  	_ =	shalt  }
0x7c: {  	_ =	shalt  }
0x7d: {  	_ =	shalt  }
0x7e: {  	_ =	shalt  }
0x7f: {  	_ =	shalt  }
0x80: {  	_ =	shalt  }
0x81: {  	_ =	shalt  }
0x82: {  	_ =	shalt  }
0x83: {  	_ =	shalt  }
0x84: {  	_ =	shalt  }
0x85: {  	_ =	shalt  }
0x86: {  	_ =	shalt  }
0x87: {  	_ =	shalt  }
.Lfunc_end0:
.L_simem_size_0:
called_computation.1_lowered:
.L_overlay_start_0:
0x88: {  	s2 =	sld [smem:$0x3FD9]  }
0x89: {  	s3 =	sld [smem:$0x3FFE];
	_ =	sdelay $0x1  }
0x8a: {  	s1 =	srdreg.scid  }
0x8b: {  	s0 =	sand.u32 $0x1, s1  }
0x8c: {  	s17 =	sshll.u32 s0, $0xA;
	s2 =	sadd.s32 s3, s2  }
0x8d: {  	s2 =	sadd.s32 s2, s17  }
0x8e: {  	[smem:$0x3FC4] =	sst s2  }
0x8f: {  	_ = 	snop  }
0x90: {  	s2 =	sld [smem:$0x3FC9]  }
0x91: {  	s18 =	sld [smem:$0x3FC8]  }
0x92: {  	s4 =	sld [smem:$0x3FD0];
	(tm) =	ssettm $0x1  }
0x93: {  	s5 =	sld [smem:$0x3FFB];
	_ =	sdelay $0x3  }
0x94: {  	_ =	strace s5  }
0x95: {  	s5 =	sld [smem:$0x3FFC];
	_ =	sdelay $0x3  }
0x96: {  	_ =	strace s5  }
0x97: {  	s5 =	sld [smem:$0x3FFD];
	_ =	sdelay $0x3  }
0x98: {  	_ =	strace s5  }
0x99: {  	_ =	strace $0x8FFFFFFF  }
0x9a: {  	s19 =	sld [smem:$0x3FDB];
	_ =	sdelay $0x1  }
0x9b: {  	s6 =	simm.s32 $_scs_section_size  }
0x9c: {  	s7 =	simm.s32 $_size__tile_overlayer_lowered;
	s8 =	simm.s32 $_tile_overlayer_lowered  }
0x9d: {  	s22 =	simm.s32 $0x1BFF;
	s21 =	sshll.u32 s8, $0x1;
	s5 =	sadd.s32 s6, s19  }
0x9e: {  	s9 =	simm.s32 $0x0;
	s20 =	sshll.u32 s7, $0x1;
	s7 =	sadd.s32 s21, s5  }
0x9f: {  	[timem:s9], [sflag:s22] =	dma.local [hbm:s7], s20  }
0xa0: {  	_ =	swait.ge [sflag:s22], s20  }
0xa1: {  	s6 =	ssub.s32 $0x0, s20;
	[sflag:s22] =	ssyncset.done $0x0  }
0xa2: {  	[sflag:s22] =	ssyncadd.s32 s6;
	_ =	sdelay $0x1  }
0xa3: {  	s23 =	simm.s32 $0x1B8B  }
0xa4: {  	_ =	swait.ge [sflag:s23], $0x1  }
0xa5: {  	[sflag:s23] =	ssyncset.done $0x0  }
0xa6: {  	s25 =	simm.s32 $0x1B8E;
	s24 =	sld [smem:$0x3FFE];
	[sflag:s23] =	ssyncadd.s32 $0xFFFFFFFF  }
0xa7: {  	s26 =	simm.s32 $execute0_lowered;
	[smem:$0x3FD2] =	sst s25  }
0xa8: {  	s7 =	sshll.u32 s26, $0x1;
	_ =	strace $0x80000049;
	[dreg:$0x1] =	wrdreg $0xFFFFFFFF  }
0xa9: {  	s28 =	simm.s32 $_size_execute0_lowered;
	s5 =	sadd.s32 s5, s7;
	[dreg:$0x0] =	wrdreg $0x0  }
0xaa: {  	s7 =	sshll.u32 s28, $0x1;
	[dreg:$0x2] =	wrdreg s5  }
0xab: {  	[dreg:$0x3] =	wrdreg s7  }
0xac: {  	[dreg:$0x4] =	wrdreg $0xC0  }
0xad: {  	_ =	task [dreg:s9], $0x5FFFF  }
0xae: {  	[dreg:$0x1] =	wrdreg $0xFFFFFFFF  }
0xaf: {  	[dreg:$0x0] =	wrdreg $0x60  }
0xb0: {  	[dreg:$0x2] =	wrdreg s2  }
0xb1: {  	[dreg:$0x3] =	wrdreg s18  }
0xb2: {  	[dreg:$0x4] =	wrdreg s24  }
0xb3: {  	[dreg:$0x5] =	wrdreg s4  }
0xb4: {  	[dreg:$0x6] =	wrdreg $0x9  }
0xb5: {  	_ =	task.clear_ibuf [dreg:s9], $0x7FFFF;
	_ =	strace $0x90000049  }
0xb6: {  	s29 =	simm.s32 $0x9;
	_ =	strace $0x8000004B  }
0xb7: {  	_ =	swait.ge [sflag:s29], $0x1  }
0xb8: {  	[sflag:s29] =	ssyncadd.s32 $0xFFFFFFFF  }
0xb9: {  	_ =	strace $0x9000004B  }
0xba: {  	_ =	sfence  }
0xbb: {  	s30 =	sld [smem:$0x0];
	_ =	sdelay $0x2  }
0xbc: {  	s31 =	sshll.u32 s1, $0xD;
	s1 =	sshrl.u32 s1, $0x2  }
0xbd: {  	s3 =	sand.u32 $0x4000, s31;
	s1 =	sadd.s32 s1, s30  }
0xbe: {  	s0 =	sor.u32 s3, s0;
	s1 =	sshll.u32 s1, $0x11  }
0xbf: {  	s0 =	sor.u32 s1, s0  }
0xc0: {  	s0 =	sadd.s32 $0x8F2B, s0  }
0xc1: {  	[sflag:s0] =	ssyncadd.remote.s32 $0x1  }
0xc2: {  	_ =	sfence.sel $0xFFFF  }
0xc3: {  	[dreg:$0x0] =	wrdreg $0xFFFFFFFF;
	(pc) =	sbr.abs _section_cstart, $3  }
0xc4: {  	[dreg:$0x1] =	wrdreg $0xFFFFFFFF  }
0xc5: {  	_ =	task.clear_ibuf [dreg:s9], $0x2FFFF;
	_ =	strace $0x9FFFFFFF  }
0xc6: {  	(tm) =	ssettm $0x7FFFFFFF  }
0xc7: {  	_ =	shalt  }
tec
execute0_lowered:
.L_overlay_start_1:
0x0: {  	(tag) =	ssettag $0x1  }
0x1: {  	s10 =	rddreg [dreg:$0x0]  }
0x2: {  	s3 =	rddreg [dreg:$0x1]  }
0x3: {  	s12 =	rddreg [dreg:$0x2]  }
0x4: {  	s1 =	srdreg.scid;
	s0 =	stileid.u32  }
0x5: {  	s7 =	rddreg [dreg:$0x3];
	s21 =	sand.u32 $0x1, s1;
	s4 =	sshll.u32 s0, $0x1  }
0x6: {  	s2 =	simm.s32 $0x0;
	s1 =	rddreg [dreg:$0x4];
	s11 =	sor.u32 s21, s4  }
0x7: {  	[smem:$0x7FF] =	sst s2;
	s5 =	sshll.u32 s11, $0x6  }
0x8: {  	_ =	strace $0x8000004A;
	s4 =	sadd.s32 s3, s5;
	s3 =	simm.s32 $0x2  }
0x9: {  	[tilespmem:s2], [sflag:$0x2] =	stream.linear.gather [hbm4b:s4+s2], $0x200, $0x38;
	[tilespmem:$0x14600] =	vst v63  }
0xa: {  	s6 =	sshll.u32 s0, $0xC;
	_ =	swait.ge [sflag:s3], $0x200  }
0xb: {  	s8 =	sand.u32 $0xC000, s6;
	[sflag:s3] =	ssyncset.done $0x0  }
0xc: {  	s6 =	simm.s32 $0x200;
	s5 =	sadd.s32 s12, s5;
	[sflag:s3] =	ssyncadd.s32 $0xFFFFFE00  }
0xd: {  	[tilespmem:s6], [sflag:$0x2] =	stream.linear.gather [hbm4b:s5+s2], $0x200, $0x38;
	[tilespmem:$0x14600] =	vst v63  }
0xe: {  	s9 =	sshll.u32 s11, $0x4;
	s7 =	sadd.s32 s7, s8;
	_ =	swait.ge [sflag:s3], $0x200  }
0xf: {  	s8 =	simm.s32 $0x80;
	s9 =	sand.u32 $0x70, s9;
	[sflag:s3] =	ssyncset.done $0x0  }
0x10: {  	s7 =	sadd.s32 s9, s7;
	s9 =	simm.s32 $0x400;
	[sflag:s3] =	ssyncadd.s32 $0xFFFFFE00  }
0x11: {  	[tilespmem:s9], [sflag:$0x2] =	stream.strided.gather [hbm4b:s7+s8], $0x4000, s9, s8, $0x38;
	[tilespmem:$0x14600] =	vst v63  }
0x12: {  	_ =	swait.ge [sflag:s3], $0x4000  }
0x13: {  	s11 =	sshll.u32 s11, $0xD;
	[sflag:s3] =	ssyncset.done $0x0  }
0x14: {  	s10 =	sadd.s32 s10, s11;
	s11 =	simm.s32 $0x4600;
	[sflag:s3] =	ssyncadd.s32 $0xFFFFC000  }
0x15: {  	[tilespmem:s11], [sflag:$0x2] =	stream.linear.gather [hbm4b:s10+s2], $0x10000, $0x38;
	[tilespmem:$0x14600] =	vst v63  }
0x16: {  	_ =	swait.ge [sflag:s3], $0x10000  }
0x17: {  	[sflag:s3] =	ssyncset.done $0x0  }
0x18: {  	[sflag:s3] =	ssyncadd.s32 $0xFFFF0000  }
0x19: {  	v0 =	vld [tilespmem:$0x0];
	_ =	sdelay $0x5  }
0x1a: {  	v1 =	vld [tilespmem:$0x10]  }
0x1b: {  	v2 =	vld [tilespmem:$0x200]  }
0x1c: {  	v0 =	vld.idx.msk [tilespmem:v0+s9+$0x0], $0xffff;
	_ =	sdelay $0x3  }
0x1d: {  	v63 =	vld [tilespmem:$0x20]  }
0x1e: {  	v0 =	vadd.s32 v2, v0  }
0x1f: {  	v4 =	vld [tilespmem:$0x210];
	[tilespmem:$0x4400] =	vst v0  }
0x20: {  	v0 =	vld.idx.msk [tilespmem:v1+s9+$0x0], $0xffff;
	_ =	sdelay $0x1  }
0x21: {  	v2 =	vadd.s32 $0x400, v63;
	_ =	sdelay $0x1  }
0x22: {  	v5 =	vld [tilespmem:$0x30]  }
0x23: {  	v0 =	vadd.s32 v4, v0  }
0x24: {  	v6 =	vld [tilespmem:$0x220];
	[tilespmem:$0x4410] =	vst v0  }
0x25: {  	v0 =	vld.idx.msk [tilespmem:v2+s9+$0x0], $0xffff;
	_ =	sdelay $0x1  }
0x26: {  	v1 =	vadd.s32 $0x400, v5;
	_ =	sdelay $0x1  }
0x27: {  	v7 =	vld [tilespmem:$0x40]  }
0x28: {  	v0 =	vadd.s32 v6, v0  }
0x29: {  	v8 =	vld [tilespmem:$0x230];
	[tilespmem:$0x4420] =	vst v0  }
0x2a: {  	v0 =	vld.idx.msk [tilespmem:v1+s9+$0x0], $0xffff;
	_ =	sdelay $0x1  }
0x2b: {  	v2 =	vadd.s32 $0x800, v7;
	_ =	sdelay $0x1  }
0x2c: {  	v9 =	vld [tilespmem:$0x50]  }
0x2d: {  	v0 =	vadd.s32 v8, v0  }
0x2e: {  	v10 =	vld [tilespmem:$0x240];
	[tilespmem:$0x4430] =	vst v0  }
0x2f: {  	v0 =	vld.idx.msk [tilespmem:v2+s9+$0x0], $0xffff;
	_ =	sdelay $0x1  }
0x30: {  	v1 =	vadd.s32 $0x800, v9;
	_ =	sdelay $0x1  }
0x31: {  	v11 =	vld [tilespmem:$0x60]  }
0x32: {  	v0 =	vadd.s32 v10, v0  }
0x33: {  	v12 =	vld [tilespmem:$0x250];
	[tilespmem:$0x4440] =	vst v0  }
0x34: {  	v0 =	vld.idx.msk [tilespmem:v1+s9+$0x0], $0xffff;
	_ =	sdelay $0x1  }
0x35: {  	v2 =	vadd.s32 $0xC00, v11;
	_ =	sdelay $0x1  }
0x36: {  	v13 =	vld [tilespmem:$0x70]  }
0x37: {  	v0 =	vadd.s32 v12, v0  }
0x38: {  	v14 =	vld [tilespmem:$0x260];
	[tilespmem:$0x4450] =	vst v0  }
0x39: {  	v0 =	vld.idx.msk [tilespmem:v2+s9+$0x0], $0xffff;
	_ =	sdelay $0x1  }
0x3a: {  	v1 =	vadd.s32 $0xC00, v13;
	_ =	sdelay $0x1  }
0x3b: {  	v15 =	vld [tilespmem:$0x80]  }
0x3c: {  	v0 =	vadd.s32 v14, v0  }
0x3d: {  	v16 =	vld [tilespmem:$0x270];
	[tilespmem:$0x4460] =	vst v0  }
0x3e: {  	v0 =	vld.idx.msk [tilespmem:v1+s9+$0x0], $0xffff;
	_ =	sdelay $0x1  }
0x3f: {  	v2 =	vadd.s32 $0x1000, v15;
	_ =	sdelay $0x1  }
0x40: {  	v17 =	vld [tilespmem:$0x90]  }
0x41: {  	v0 =	vadd.s32 v16, v0  }
0x42: {  	v18 =	vld [tilespmem:$0x280];
	[tilespmem:$0x4470] =	vst v0  }
0x43: {  	v0 =	vld.idx.msk [tilespmem:v2+s9+$0x0], $0xffff;
	_ =	sdelay $0x1  }
0x44: {  	v1 =	vadd.s32 $0x1000, v17;
	_ =	sdelay $0x1  }
0x45: {  	v19 =	vld [tilespmem:$0xA0]  }
0x46: {  	v0 =	vadd.s32 v18, v0  }
0x47: {  	v20 =	vld [tilespmem:$0x290];
	[tilespmem:$0x4480] =	vst v0  }
0x48: {  	v0 =	vld.idx.msk [tilespmem:v1+s9+$0x0], $0xffff;
	_ =	sdelay $0x1  }
0x49: {  	v2 =	vadd.s32 $0x1400, v19;
	_ =	sdelay $0x1  }
0x4a: {  	v21 =	vld [tilespmem:$0xB0]  }
0x4b: {  	v0 =	vadd.s32 v20, v0  }
0x4c: {  	v22 =	vld [tilespmem:$0x2A0];
	[tilespmem:$0x4490] =	vst v0  }
0x4d: {  	v0 =	vld.idx.msk [tilespmem:v2+s9+$0x0], $0xffff;
	_ =	sdelay $0x1  }
0x4e: {  	v1 =	vadd.s32 $0x1400, v21;
	_ =	sdelay $0x1  }
0x4f: {  	v23 =	vld [tilespmem:$0xC0]  }
0x50: {  	v0 =	vadd.s32 v22, v0  }
0x51: {  	v24 =	vld [tilespmem:$0x2B0];
	[tilespmem:$0x44A0] =	vst v0  }
0x52: {  	v0 =	vld.idx.msk [tilespmem:v1+s9+$0x0], $0xffff;
	_ =	sdelay $0x1  }
0x53: {  	v2 =	vadd.s32 $0x1800, v23;
	_ =	sdelay $0x1  }
0x54: {  	v25 =	vld [tilespmem:$0xD0]  }
0x55: {  	v0 =	vadd.s32 v24, v0  }
0x56: {  	v26 =	vld [tilespmem:$0x2C0];
	[tilespmem:$0x44B0] =	vst v0  }
0x57: {  	v0 =	vld.idx.msk [tilespmem:v2+s9+$0x0], $0xffff;
	_ =	sdelay $0x1  }
0x58: {  	v1 =	vadd.s32 $0x1800, v25;
	_ =	sdelay $0x1  }
0x59: {  	v27 =	vld [tilespmem:$0xE0]  }
0x5a: {  	v0 =	vadd.s32 v26, v0  }
0x5b: {  	v28 =	vld [tilespmem:$0x2D0];
	[tilespmem:$0x44C0] =	vst v0  }
0x5c: {  	v0 =	vld.idx.msk [tilespmem:v1+s9+$0x0], $0xffff;
	_ =	sdelay $0x1  }
0x5d: {  	v2 =	vadd.s32 $0x1C00, v27;
	_ =	sdelay $0x1  }
0x5e: {  	v29 =	vld [tilespmem:$0xF0]  }
0x5f: {  	v0 =	vadd.s32 v28, v0  }
0x60: {  	v30 =	vld [tilespmem:$0x2E0];
	[tilespmem:$0x44D0] =	vst v0  }
0x61: {  	v0 =	vld.idx.msk [tilespmem:v2+s9+$0x0], $0xffff;
	_ =	sdelay $0x1  }
0x62: {  	v1 =	vadd.s32 $0x1C00, v29;
	_ =	sdelay $0x1  }
0x63: {  	v31 =	vld [tilespmem:$0x100]  }
0x64: {  	v0 =	vadd.s32 v30, v0  }
0x65: {  	v32 =	vld [tilespmem:$0x2F0];
	[tilespmem:$0x44E0] =	vst v0  }
0x66: {  	v0 =	vld.idx.msk [tilespmem:v1+s9+$0x0], $0xffff;
	_ =	sdelay $0x1  }
0x67: {  	v2 =	vadd.s32 $0x2000, v31;
	_ =	sdelay $0x1  }
0x68: {  	v33 =	vld [tilespmem:$0x110]  }
0x69: {  	v0 =	vadd.s32 v32, v0  }
0x6a: {  	v34 =	vld [tilespmem:$0x300];
	[tilespmem:$0x44F0] =	vst v0  }
0x6b: {  	v0 =	vld.idx.msk [tilespmem:v2+s9+$0x0], $0xffff;
	_ =	sdelay $0x1  }
0x6c: {  	v1 =	vadd.s32 $0x2000, v33;
	_ =	sdelay $0x1  }
0x6d: {  	v35 =	vld [tilespmem:$0x120]  }
0x6e: {  	v0 =	vadd.s32 v34, v0  }
0x6f: {  	v36 =	vld [tilespmem:$0x310];
	[tilespmem:$0x4500] =	vst v0  }
0x70: {  	v0 =	vld.idx.msk [tilespmem:v1+s9+$0x0], $0xffff;
	_ =	sdelay $0x1  }
0x71: {  	v2 =	vadd.s32 $0x2400, v35;
	_ =	sdelay $0x1  }
0x72: {  	v37 =	vld [tilespmem:$0x130]  }
0x73: {  	v0 =	vadd.s32 v36, v0  }
0x74: {  	v38 =	vld [tilespmem:$0x320];
	[tilespmem:$0x4510] =	vst v0  }
0x75: {  	v0 =	vld.idx.msk [tilespmem:v2+s9+$0x0], $0xffff;
	_ =	sdelay $0x1  }
0x76: {  	v1 =	vadd.s32 $0x2400, v37;
	_ =	sdelay $0x1  }
0x77: {  	v39 =	vld [tilespmem:$0x140]  }
0x78: {  	v0 =	vadd.s32 v38, v0  }
0x79: {  	v40 =	vld [tilespmem:$0x330];
	[tilespmem:$0x4520] =	vst v0  }
0x7a: {  	v0 =	vld.idx.msk [tilespmem:v1+s9+$0x0], $0xffff;
	_ =	sdelay $0x1  }
0x7b: {  	v2 =	vadd.s32 $0x2800, v39;
	_ =	sdelay $0x1  }
0x7c: {  	v41 =	vld [tilespmem:$0x150]  }
0x7d: {  	v0 =	vadd.s32 v40, v0  }
0x7e: {  	v42 =	vld [tilespmem:$0x340];
	[tilespmem:$0x4530] =	vst v0  }
0x7f: {  	v0 =	vld.idx.msk [tilespmem:v2+s9+$0x0], $0xffff;
	_ =	sdelay $0x1  }
0x80: {  	v1 =	vadd.s32 $0x2800, v41;
	_ =	sdelay $0x1  }
0x81: {  	v43 =	vld [tilespmem:$0x160]  }
0x82: {  	v0 =	vadd.s32 v42, v0  }
0x83: {  	v44 =	vld [tilespmem:$0x350];
	[tilespmem:$0x4540] =	vst v0  }
0x84: {  	v0 =	vld.idx.msk [tilespmem:v1+s9+$0x0], $0xffff;
	_ =	sdelay $0x1  }
0x85: {  	v2 =	vadd.s32 $0x2C00, v43;
	_ =	sdelay $0x1  }
0x86: {  	v45 =	vld [tilespmem:$0x170]  }
0x87: {  	v0 =	vadd.s32 v44, v0  }
0x88: {  	v46 =	vld [tilespmem:$0x360];
	[tilespmem:$0x4550] =	vst v0  }
0x89: {  	v0 =	vld.idx.msk [tilespmem:v2+s9+$0x0], $0xffff;
	_ =	sdelay $0x1  }
0x8a: {  	v1 =	vadd.s32 $0x2C00, v45;
	_ =	sdelay $0x1  }
0x8b: {  	v47 =	vld [tilespmem:$0x180]  }
0x8c: {  	v0 =	vadd.s32 v46, v0  }
0x8d: {  	v48 =	vld [tilespmem:$0x370];
	[tilespmem:$0x4560] =	vst v0  }
0x8e: {  	v0 =	vld.idx.msk [tilespmem:v1+s9+$0x0], $0xffff;
	_ =	sdelay $0x1  }
0x8f: {  	v2 =	vadd.s32 $0x3000, v47;
	_ =	sdelay $0x1  }
0x90: {  	v49 =	vld [tilespmem:$0x190]  }
0x91: {  	v0 =	vadd.s32 v48, v0  }
0x92: {  	v50 =	vld [tilespmem:$0x380];
	[tilespmem:$0x4570] =	vst v0  }
0x93: {  	v0 =	vld.idx.msk [tilespmem:v2+s9+$0x0], $0xffff;
	_ =	sdelay $0x1  }
0x94: {  	v1 =	vadd.s32 $0x3000, v49;
	_ =	sdelay $0x1  }
0x95: {  	v51 =	vld [tilespmem:$0x1A0]  }
0x96: {  	v0 =	vadd.s32 v50, v0  }
0x97: {  	v52 =	vld [tilespmem:$0x390];
	[tilespmem:$0x4580] =	vst v0  }
0x98: {  	v0 =	vld.idx.msk [tilespmem:v1+s9+$0x0], $0xffff;
	_ =	sdelay $0x1  }
0x99: {  	v2 =	vadd.s32 $0x3400, v51;
	_ =	sdelay $0x1  }
0x9a: {  	v53 =	vld [tilespmem:$0x1B0]  }
0x9b: {  	v0 =	vadd.s32 v52, v0  }
0x9c: {  	v54 =	vld [tilespmem:$0x3A0];
	[tilespmem:$0x4590] =	vst v0  }
0x9d: {  	v0 =	vld.idx.msk [tilespmem:v2+s9+$0x0], $0xffff;
	_ =	sdelay $0x1  }
0x9e: {  	v1 =	vadd.s32 $0x3400, v53;
	_ =	sdelay $0x1  }
0x9f: {  	v55 =	vld [tilespmem:$0x1C0]  }
0xa0: {  	v0 =	vadd.s32 v54, v0  }
0xa1: {  	v56 =	vld [tilespmem:$0x3B0];
	[tilespmem:$0x45A0] =	vst v0  }
0xa2: {  	v0 =	vld.idx.msk [tilespmem:v1+s9+$0x0], $0xffff;
	_ =	sdelay $0x1  }
0xa3: {  	v2 =	vadd.s32 $0x3800, v55;
	_ =	sdelay $0x1  }
0xa4: {  	v57 =	vld [tilespmem:$0x1D0]  }
0xa5: {  	v0 =	vadd.s32 v56, v0  }
0xa6: {  	v58 =	vld [tilespmem:$0x3C0];
	[tilespmem:$0x45B0] =	vst v0  }
0xa7: {  	v0 =	vld.idx.msk [tilespmem:v2+s9+$0x0], $0xffff;
	_ =	sdelay $0x1  }
0xa8: {  	v1 =	vadd.s32 $0x3800, v57;
	_ =	sdelay $0x1  }
0xa9: {  	v59 =	vld [tilespmem:$0x1E0]  }
0xaa: {  	v0 =	vadd.s32 v58, v0  }
0xab: {  	v60 =	vld [tilespmem:$0x3D0];
	[tilespmem:$0x45C0] =	vst v0  }
0xac: {  	v0 =	vld.idx.msk [tilespmem:v1+s9+$0x0], $0xffff;
	_ =	sdelay $0x1  }
0xad: {  	v2 =	vadd.s32 $0x3C00, v59;
	_ =	sdelay $0x1  }
0xae: {  	v61 =	vld [tilespmem:$0x1F0]  }
0xaf: {  	v0 =	vadd.s32 v60, v0  }
0xb0: {  	v62 =	vld [tilespmem:$0x3E0];
	[tilespmem:$0x45D0] =	vst v0  }
0xb1: {  	v0 =	vld.idx.msk [tilespmem:v2+s9+$0x0], $0xffff;
	_ =	sdelay $0x1  }
0xb2: {  	v1 =	vadd.s32 $0x3C00, v61;
	_ =	sdelay $0x2  }
0xb3: {  	v0 =	vadd.s32 v62, v0  }
0xb4: {  	v63 =	vld [tilespmem:$0x3F0];
	[tilespmem:$0x45E0] =	vst v0  }
0xb5: {  	v0 =	vld.idx.msk [tilespmem:v1+s9+$0x0], $0xffff;
	_ =	sdelay $0x4  }
0xb6: {  	v0 =	vadd.s32 v63, v0  }
0xb7: {  	s13 =	simm.s32 $0x4400;
	s12 =	sadd.s32 $0x800, s12;
	[tilespmem:$0x45F0] =	vst v0  }
0xb8: {  	[hbm4b:s12+s8] =	stream.indirect.scatter [tilespmem:s11], [sflag:$0x1], $0x80, s13, s8, $0xb8;
	[tilespmem:$0x14600] =	vst v63  }
0xb9: {  	s14 =	simm.s32 $0x4480;
	s15 =	simm.s32 $0x8600  }
0xba: {  	[hbm4b:s12+s8] =	stream.indirect.scatter [tilespmem:s15], [sflag:$0x1], $0x80, s14, s8, $0xb8;
	[tilespmem:$0x14600] =	vst v63  }
0xbb: {  	s16 =	simm.s32 $0x4500;
	s17 =	simm.s32 $0xC600  }
0xbc: {  	[hbm4b:s12+s8] =	stream.indirect.scatter [tilespmem:s17], [sflag:$0x1], $0x80, s16, s8, $0xb8;
	[tilespmem:$0x14600] =	vst v63  }
0xbd: {  	s18 =	simm.s32 $0x4580;
	s19 =	simm.s32 $0x10600;
	s20 =	simm.s32 $0x1  }
0xbe: {  	[hbm4b:s12+s8] =	stream.indirect.scatter [tilespmem:s19], [sflag:$0x1], $0x80, s18, s8, $0xb8;
	[tilespmem:$0x14600] =	vst v63  }
0xbf: {  	_ =	swait.ge [sflag:s20], $0x4000  }
0xc0: {  	[sflag:s20] =	ssyncset.done $0x0  }
0xc1: {  	[sflag:s20] =	ssyncadd.s32 $0xFFFFC000  }
0xc2: {  	_ =	swait.ge [sflag:s20], $0x4000  }
0xc3: {  	[sflag:s20] =	ssyncset.done $0x0  }
0xc4: {  	s21 =	ssub.s32 $0x2, s21;
	[sflag:s20] =	ssyncadd.s32 $0xFFFFC000  }
0xc5: {  	s22 =	sshrl.u32 s21, $0x1;
	_ =	swait.ge [sflag:s20], $0x4000  }
0xc6: {  	s22 =	ssub.s32 s21, s22;
	[sflag:s20] =	ssyncset.done $0x0  }
0xc7: {  	s22 =	smax.u32 s22, $0x1;
	[sflag:s20] =	ssyncadd.s32 $0xFFFFC000  }
0xc8: {  	p0 =	sne.s32 s22, $0x1;
	_ =	swait.ge [sflag:s20], $0x4000  }
.Ltmp0:
0xc9: {  	[sflag:s20] =	ssyncset.done $0x0;
	(pc) =	sbr.rel @!p0 .LBB2_2-.Ltmp0, $4  }
0xca: {  	s21 =	sadd.s32 $0x41800, s5;
	[sflag:s20] =	ssyncadd.s32 $0xFFFFC000  }
0xcb: {  	[hbm4b:s21+s2] =	stream.linear.scatter [tilespmem:s13], [sflag:$0x2], $0x200, $0x38;
	[tilespmem:$0x14600] =	vst v63  }
0xcc: {  	_ =	swait.ge [sflag:s3], $0x200  }
0xcd: {  	s22 =	sadd.s32 $0xFFFFFFFF, s22;
	[sflag:s3] =	ssyncset.done $0x0  }
.LBB2_1:
0xce: {  	p0 =	sne.s32 s22, $0x1;
	s22 =	sadd.s32 $0xFFFFFFFF, s22;
	[sflag:s3] =	ssyncadd.s32 $0xFFFFFE00  }
0xcf: {  	[tilespmem:s2], [sflag:$0x2] =	stream.linear.gather [hbm4b:s4+s2], $0x200, $0x38;
	[tilespmem:$0x14600] =	vst v63  }
0xd0: {  	_ =	swait.ge [sflag:s3], $0x200  }
0xd1: {  	[sflag:s3] =	ssyncset.done $0x0  }
0xd2: {  	[sflag:s3] =	ssyncadd.s32 $0xFFFFFE00  }
0xd3: {  	[tilespmem:s6], [sflag:$0x2] =	stream.linear.gather [hbm4b:s5+s2], $0x200, $0x38;
	[tilespmem:$0x14600] =	vst v63  }
0xd4: {  	_ =	swait.ge [sflag:s3], $0x200  }
0xd5: {  	[sflag:s3] =	ssyncset.done $0x0  }
0xd6: {  	[sflag:s3] =	ssyncadd.s32 $0xFFFFFE00  }
0xd7: {  	[tilespmem:s9], [sflag:$0x2] =	stream.strided.gather [hbm4b:s7+s8], $0x4000, s9, s8, $0x38;
	[tilespmem:$0x14600] =	vst v63  }
0xd8: {  	_ =	swait.ge [sflag:s3], $0x4000  }
0xd9: {  	[sflag:s3] =	ssyncset.done $0x0  }
0xda: {  	[sflag:s3] =	ssyncadd.s32 $0xFFFFC000  }
0xdb: {  	[tilespmem:s11], [sflag:$0x2] =	stream.linear.gather [hbm4b:s10+s2], $0x10000, $0x38;
	[tilespmem:$0x14600] =	vst v63  }
0xdc: {  	_ =	swait.ge [sflag:s3], $0x10000  }
0xdd: {  	[sflag:s3] =	ssyncset.done $0x0  }
0xde: {  	[sflag:s3] =	ssyncadd.s32 $0xFFFF0000  }
0xdf: {  	v0 =	vld [tilespmem:$0x0];
	_ =	sdelay $0x6  }
0xe0: {  	v1 =	vld [tilespmem:$0x10]  }
0xe1: {  	v0 =	vld.idx.msk [tilespmem:v0+s9+$0x0], $0xffff  }
0xe2: {  	v2 =	vld [tilespmem:$0x200];
	_ =	sdelay $0x4  }
0xe3: {  	v0 =	vadd.s32 v2, v0;
	v2 =	vld [tilespmem:$0x20]  }
0xe4: {  	[tilespmem:$0x4400] =	vst v0  }
0xe5: {  	v0 =	vld.idx.msk [tilespmem:v1+s9+$0x0], $0xffff  }
0xe6: {  	v1 =	vld [tilespmem:$0x210];
	_ =	sdelay $0x1  }
0xe7: {  	v2 =	vadd.s32 $0x400, v2;
	_ =	sdelay $0x2  }
0xe8: {  	v0 =	vadd.s32 v1, v0;
	v1 =	vld [tilespmem:$0x30]  }
0xe9: {  	[tilespmem:$0x4410] =	vst v0  }
0xea: {  	v0 =	vld.idx.msk [tilespmem:v2+s9+$0x0], $0xffff  }
0xeb: {  	v2 =	vld [tilespmem:$0x220];
	_ =	sdelay $0x1  }
0xec: {  	v1 =	vadd.s32 $0x400, v1;
	_ =	sdelay $0x2  }
0xed: {  	v0 =	vadd.s32 v2, v0;
	v2 =	vld [tilespmem:$0x40]  }
0xee: {  	[tilespmem:$0x4420] =	vst v0  }
0xef: {  	v0 =	vld.idx.msk [tilespmem:v1+s9+$0x0], $0xffff  }
0xf0: {  	v1 =	vld [tilespmem:$0x230];
	_ =	sdelay $0x1  }
0xf1: {  	v2 =	vadd.s32 $0x800, v2;
	_ =	sdelay $0x2  }
0xf2: {  	v0 =	vadd.s32 v1, v0;
	v1 =	vld [tilespmem:$0x50]  }
0xf3: {  	[tilespmem:$0x4430] =	vst v0  }
0xf4: {  	v0 =	vld.idx.msk [tilespmem:v2+s9+$0x0], $0xffff  }
0xf5: {  	v2 =	vld [tilespmem:$0x240];
	_ =	sdelay $0x1  }
0xf6: {  	v1 =	vadd.s32 $0x800, v1;
	_ =	sdelay $0x2  }
0xf7: {  	v0 =	vadd.s32 v2, v0;
	v2 =	vld [tilespmem:$0x60]  }
0xf8: {  	[tilespmem:$0x4440] =	vst v0  }
0xf9: {  	v0 =	vld.idx.msk [tilespmem:v1+s9+$0x0], $0xffff  }
0xfa: {  	v1 =	vld [tilespmem:$0x250];
	_ =	sdelay $0x1  }
0xfb: {  	v2 =	vadd.s32 $0xC00, v2;
	_ =	sdelay $0x2  }
0xfc: {  	v0 =	vadd.s32 v1, v0;
	v1 =	vld [tilespmem:$0x70]  }
0xfd: {  	[tilespmem:$0x4450] =	vst v0  }
0xfe: {  	v0 =	vld.idx.msk [tilespmem:v2+s9+$0x0], $0xffff  }
0xff: {  	v2 =	vld [tilespmem:$0x260];
	_ =	sdelay $0x1  }
0x100: {  	v1 =	vadd.s32 $0xC00, v1;
	_ =	sdelay $0x2  }
0x101: {  	v0 =	vadd.s32 v2, v0;
	v2 =	vld [tilespmem:$0x80]  }
0x102: {  	[tilespmem:$0x4460] =	vst v0  }
0x103: {  	v0 =	vld.idx.msk [tilespmem:v1+s9+$0x0], $0xffff  }
0x104: {  	v1 =	vld [tilespmem:$0x270];
	_ =	sdelay $0x1  }
0x105: {  	v2 =	vadd.s32 $0x1000, v2;
	_ =	sdelay $0x2  }
0x106: {  	v0 =	vadd.s32 v1, v0;
	v1 =	vld [tilespmem:$0x90]  }
0x107: {  	[tilespmem:$0x4470] =	vst v0  }
0x108: {  	v0 =	vld.idx.msk [tilespmem:v2+s9+$0x0], $0xffff  }
0x109: {  	v2 =	vld [tilespmem:$0x280];
	_ =	sdelay $0x1  }
0x10a: {  	v1 =	vadd.s32 $0x1000, v1;
	_ =	sdelay $0x2  }
0x10b: {  	v0 =	vadd.s32 v2, v0;
	v2 =	vld [tilespmem:$0xA0]  }
0x10c: {  	[tilespmem:$0x4480] =	vst v0  }
0x10d: {  	v0 =	vld.idx.msk [tilespmem:v1+s9+$0x0], $0xffff  }
0x10e: {  	v1 =	vld [tilespmem:$0x290];
	_ =	sdelay $0x1  }
0x10f: {  	v2 =	vadd.s32 $0x1400, v2;
	_ =	sdelay $0x2  }
0x110: {  	v0 =	vadd.s32 v1, v0;
	v1 =	vld [tilespmem:$0xB0]  }
0x111: {  	[tilespmem:$0x4490] =	vst v0  }
0x112: {  	v0 =	vld.idx.msk [tilespmem:v2+s9+$0x0], $0xffff  }
0x113: {  	v2 =	vld [tilespmem:$0x2A0];
	_ =	sdelay $0x1  }
0x114: {  	v1 =	vadd.s32 $0x1400, v1;
	_ =	sdelay $0x2  }
0x115: {  	v0 =	vadd.s32 v2, v0;
	v2 =	vld [tilespmem:$0xC0]  }
0x116: {  	[tilespmem:$0x44A0] =	vst v0  }
0x117: {  	v0 =	vld.idx.msk [tilespmem:v1+s9+$0x0], $0xffff  }
0x118: {  	v1 =	vld [tilespmem:$0x2B0];
	_ =	sdelay $0x1  }
0x119: {  	v2 =	vadd.s32 $0x1800, v2;
	_ =	sdelay $0x2  }
0x11a: {  	v0 =	vadd.s32 v1, v0;
	v1 =	vld [tilespmem:$0xD0]  }
0x11b: {  	[tilespmem:$0x44B0] =	vst v0  }
0x11c: {  	v0 =	vld.idx.msk [tilespmem:v2+s9+$0x0], $0xffff  }
0x11d: {  	v2 =	vld [tilespmem:$0x2C0];
	_ =	sdelay $0x1  }
0x11e: {  	v1 =	vadd.s32 $0x1800, v1;
	_ =	sdelay $0x2  }
0x11f: {  	v0 =	vadd.s32 v2, v0;
	v2 =	vld [tilespmem:$0xE0]  }
0x120: {  	[tilespmem:$0x44C0] =	vst v0  }
0x121: {  	v0 =	vld.idx.msk [tilespmem:v1+s9+$0x0], $0xffff  }
0x122: {  	v1 =	vld [tilespmem:$0x2D0];
	_ =	sdelay $0x1  }
0x123: {  	v2 =	vadd.s32 $0x1C00, v2;
	_ =	sdelay $0x2  }
0x124: {  	v0 =	vadd.s32 v1, v0;
	v1 =	vld [tilespmem:$0xF0]  }
0x125: {  	[tilespmem:$0x44D0] =	vst v0  }
0x126: {  	v0 =	vld.idx.msk [tilespmem:v2+s9+$0x0], $0xffff  }
0x127: {  	v2 =	vld [tilespmem:$0x2E0];
	_ =	sdelay $0x1  }
0x128: {  	v1 =	vadd.s32 $0x1C00, v1;
	_ =	sdelay $0x2  }
0x129: {  	v0 =	vadd.s32 v2, v0;
	v2 =	vld [tilespmem:$0x100]  }
0x12a: {  	[tilespmem:$0x44E0] =	vst v0  }
0x12b: {  	v0 =	vld.idx.msk [tilespmem:v1+s9+$0x0], $0xffff  }
0x12c: {  	v1 =	vld [tilespmem:$0x2F0];
	_ =	sdelay $0x1  }
0x12d: {  	v2 =	vadd.s32 $0x2000, v2;
	_ =	sdelay $0x2  }
0x12e: {  	v0 =	vadd.s32 v1, v0;
	v1 =	vld [tilespmem:$0x110]  }
0x12f: {  	[tilespmem:$0x44F0] =	vst v0  }
0x130: {  	v0 =	vld.idx.msk [tilespmem:v2+s9+$0x0], $0xffff  }
0x131: {  	v2 =	vld [tilespmem:$0x300];
	_ =	sdelay $0x1  }
0x132: {  	v1 =	vadd.s32 $0x2000, v1;
	_ =	sdelay $0x2  }
0x133: {  	v0 =	vadd.s32 v2, v0;
	v2 =	vld [tilespmem:$0x120]  }
0x134: {  	[tilespmem:$0x4500] =	vst v0  }
0x135: {  	v0 =	vld.idx.msk [tilespmem:v1+s9+$0x0], $0xffff  }
0x136: {  	v1 =	vld [tilespmem:$0x310];
	_ =	sdelay $0x1  }
0x137: {  	v2 =	vadd.s32 $0x2400, v2;
	_ =	sdelay $0x2  }
0x138: {  	v0 =	vadd.s32 v1, v0;
	v1 =	vld [tilespmem:$0x130]  }
0x139: {  	[tilespmem:$0x4510] =	vst v0  }
0x13a: {  	v0 =	vld.idx.msk [tilespmem:v2+s9+$0x0], $0xffff  }
0x13b: {  	v2 =	vld [tilespmem:$0x320];
	_ =	sdelay $0x1  }
0x13c: {  	v1 =	vadd.s32 $0x2400, v1;
	_ =	sdelay $0x2  }
0x13d: {  	v0 =	vadd.s32 v2, v0;
	v2 =	vld [tilespmem:$0x140]  }
0x13e: {  	[tilespmem:$0x4520] =	vst v0  }
0x13f: {  	v0 =	vld.idx.msk [tilespmem:v1+s9+$0x0], $0xffff  }
0x140: {  	v1 =	vld [tilespmem:$0x330];
	_ =	sdelay $0x1  }
0x141: {  	v2 =	vadd.s32 $0x2800, v2;
	_ =	sdelay $0x2  }
0x142: {  	v0 =	vadd.s32 v1, v0;
	v1 =	vld [tilespmem:$0x150]  }
0x143: {  	[tilespmem:$0x4530] =	vst v0  }
0x144: {  	v0 =	vld.idx.msk [tilespmem:v2+s9+$0x0], $0xffff  }
0x145: {  	v2 =	vld [tilespmem:$0x340];
	_ =	sdelay $0x1  }
0x146: {  	v1 =	vadd.s32 $0x2800, v1;
	_ =	sdelay $0x2  }
0x147: {  	v0 =	vadd.s32 v2, v0;
	v2 =	vld [tilespmem:$0x160]  }
0x148: {  	[tilespmem:$0x4540] =	vst v0  }
0x149: {  	v0 =	vld.idx.msk [tilespmem:v1+s9+$0x0], $0xffff  }
0x14a: {  	v1 =	vld [tilespmem:$0x350];
	_ =	sdelay $0x1  }
0x14b: {  	v2 =	vadd.s32 $0x2C00, v2;
	_ =	sdelay $0x2  }
0x14c: {  	v0 =	vadd.s32 v1, v0;
	v1 =	vld [tilespmem:$0x170]  }
0x14d: {  	[tilespmem:$0x4550] =	vst v0  }
0x14e: {  	v0 =	vld.idx.msk [tilespmem:v2+s9+$0x0], $0xffff  }
0x14f: {  	v2 =	vld [tilespmem:$0x360];
	_ =	sdelay $0x1  }
0x150: {  	v1 =	vadd.s32 $0x2C00, v1;
	_ =	sdelay $0x2  }
0x151: {  	v0 =	vadd.s32 v2, v0;
	v2 =	vld [tilespmem:$0x180]  }
0x152: {  	[tilespmem:$0x4560] =	vst v0  }
0x153: {  	v0 =	vld.idx.msk [tilespmem:v1+s9+$0x0], $0xffff  }
0x154: {  	v1 =	vld [tilespmem:$0x370];
	_ =	sdelay $0x1  }
0x155: {  	v2 =	vadd.s32 $0x3000, v2;
	_ =	sdelay $0x2  }
0x156: {  	v0 =	vadd.s32 v1, v0;
	v1 =	vld [tilespmem:$0x190]  }
0x157: {  	[tilespmem:$0x4570] =	vst v0  }
0x158: {  	v0 =	vld.idx.msk [tilespmem:v2+s9+$0x0], $0xffff  }
0x159: {  	v2 =	vld [tilespmem:$0x380];
	_ =	sdelay $0x1  }
0x15a: {  	v1 =	vadd.s32 $0x3000, v1;
	_ =	sdelay $0x2  }
0x15b: {  	v0 =	vadd.s32 v2, v0;
	v2 =	vld [tilespmem:$0x1A0]  }
0x15c: {  	[tilespmem:$0x4580] =	vst v0  }
0x15d: {  	v0 =	vld.idx.msk [tilespmem:v1+s9+$0x0], $0xffff  }
0x15e: {  	v1 =	vld [tilespmem:$0x390];
	_ =	sdelay $0x1  }
0x15f: {  	v2 =	vadd.s32 $0x3400, v2;
	_ =	sdelay $0x2  }
0x160: {  	v0 =	vadd.s32 v1, v0;
	v1 =	vld [tilespmem:$0x1B0]  }
0x161: {  	[tilespmem:$0x4590] =	vst v0  }
0x162: {  	v0 =	vld.idx.msk [tilespmem:v2+s9+$0x0], $0xffff  }
0x163: {  	v2 =	vld [tilespmem:$0x3A0];
	_ =	sdelay $0x1  }
0x164: {  	v1 =	vadd.s32 $0x3400, v1;
	_ =	sdelay $0x2  }
0x165: {  	v0 =	vadd.s32 v2, v0;
	v2 =	vld [tilespmem:$0x1C0]  }
0x166: {  	[tilespmem:$0x45A0] =	vst v0  }
0x167: {  	v0 =	vld.idx.msk [tilespmem:v1+s9+$0x0], $0xffff  }
0x168: {  	v1 =	vld [tilespmem:$0x3B0];
	_ =	sdelay $0x1  }
0x169: {  	v2 =	vadd.s32 $0x3800, v2;
	_ =	sdelay $0x2  }
0x16a: {  	v0 =	vadd.s32 v1, v0;
	v1 =	vld [tilespmem:$0x1D0]  }
0x16b: {  	[tilespmem:$0x45B0] =	vst v0  }
0x16c: {  	v0 =	vld.idx.msk [tilespmem:v2+s9+$0x0], $0xffff  }
0x16d: {  	v2 =	vld [tilespmem:$0x3C0];
	_ =	sdelay $0x1  }
0x16e: {  	v1 =	vadd.s32 $0x3800, v1;
	_ =	sdelay $0x2  }
0x16f: {  	v0 =	vadd.s32 v2, v0;
	v2 =	vld [tilespmem:$0x1E0]  }
0x170: {  	[tilespmem:$0x45C0] =	vst v0  }
0x171: {  	v0 =	vld.idx.msk [tilespmem:v1+s9+$0x0], $0xffff  }
0x172: {  	v1 =	vld [tilespmem:$0x3D0];
	_ =	sdelay $0x1  }
0x173: {  	v2 =	vadd.s32 $0x3C00, v2;
	_ =	sdelay $0x2  }
0x174: {  	v0 =	vadd.s32 v1, v0;
	v1 =	vld [tilespmem:$0x1F0]  }
0x175: {  	[tilespmem:$0x45D0] =	vst v0  }
0x176: {  	v0 =	vld.idx.msk [tilespmem:v2+s9+$0x0], $0xffff  }
0x177: {  	v2 =	vld [tilespmem:$0x3E0];
	_ =	sdelay $0x1  }
0x178: {  	v1 =	vadd.s32 $0x3C00, v1;
	_ =	sdelay $0x2  }
0x179: {  	v0 =	vadd.s32 v2, v0  }
0x17a: {  	[tilespmem:$0x45E0] =	vst v0  }
0x17b: {  	v0 =	vld.idx.msk [tilespmem:v1+s9+$0x0], $0xffff  }
0x17c: {  	v1 =	vld [tilespmem:$0x3F0];
	_ =	sdelay $0x4  }
0x17d: {  	v0 =	vadd.s32 v1, v0  }
0x17e: {  	[tilespmem:$0x45F0] =	vst v0  }
0x17f: {  	[hbm4b:s12+s8] =	stream.indirect.scatter [tilespmem:s11], [sflag:$0x1], $0x80, s13, s8, $0xb8;
	[tilespmem:$0x14600] =	vst v63  }
0x180: {  	_ = 	snop  }
0x181: {  	[hbm4b:s12+s8] =	stream.indirect.scatter [tilespmem:s15], [sflag:$0x1], $0x80, s14, s8, $0xb8;
	[tilespmem:$0x14600] =	vst v63  }
0x182: {  	_ = 	snop  }
0x183: {  	[hbm4b:s12+s8] =	stream.indirect.scatter [tilespmem:s17], [sflag:$0x1], $0x80, s16, s8, $0xb8;
	[tilespmem:$0x14600] =	vst v63  }
0x184: {  	_ = 	snop  }
0x185: {  	[hbm4b:s12+s8] =	stream.indirect.scatter [tilespmem:s19], [sflag:$0x1], $0x80, s18, s8, $0xb8;
	[tilespmem:$0x14600] =	vst v63  }
0x186: {  	_ =	swait.ge [sflag:s20], $0x4000  }
0x187: {  	[sflag:s20] =	ssyncset.done $0x0  }
0x188: {  	[sflag:s20] =	ssyncadd.s32 $0xFFFFC000  }
0x189: {  	_ =	swait.ge [sflag:s20], $0x4000  }
0x18a: {  	[sflag:s20] =	ssyncset.done $0x0  }
0x18b: {  	[sflag:s20] =	ssyncadd.s32 $0xFFFFC000  }
0x18c: {  	_ =	swait.ge [sflag:s20], $0x4000  }
0x18d: {  	[sflag:s20] =	ssyncset.done $0x0  }
0x18e: {  	[sflag:s20] =	ssyncadd.s32 $0xFFFFC000  }
0x18f: {  	_ =	swait.ge [sflag:s20], $0x4000  }
.Ltmp1:
0x190: {  	[sflag:s20] =	ssyncset.done $0x0;
	(pc) =	sbr.rel @p0 .LBB2_1-.Ltmp1, $4  }
0x191: {  	[sflag:s20] =	ssyncadd.s32 $0xFFFFC000  }
0x192: {  	[hbm4b:s21+s2] =	stream.linear.scatter [tilespmem:s13], [sflag:$0x2], $0x200, $0x38;
	[tilespmem:$0x14600] =	vst v63  }
0x193: {  	_ =	swait.ge [sflag:s3], $0x200  }
0x194: {  	[sflag:s3] =	ssyncset.done $0x0  }
.LBB2_2:
0x195: {  	[sflag:s3] =	ssyncadd.s32 $0xFFFFFE00  }
0x196: {  	_ =	sfence.sel $0x180000  }
0x197: {  	[bflag:$0x0] =	sbarrier.arrive $0xFFFF  }
0x198: {  	p0 =	sne.s32 s0, $0x0;
	_ =	strace $0x9000004A  }
0x199: {  	s0 =	sadd.s32 @!p0 $0x100000, s1;
	[bflag:$0x2] =	sbarrier.arrive $0xFFFF  }
0x19a: {  	[sflag:s0] =	ssyncadd.tile.s32 @!p0 $0x1;
	_ =	shalt  }
.Lfunc_end2:
_tile_overlayer_lowered:
.L_overlay_start_2:
0x19b: {  	(tag) =	ssettag $0x2  }
0x19c: {  	s0 =	rddreg [dreg:$0x0];
	s2 =	stileid.u32  }
0x19d: {  	s1 =	rddreg [dreg:$0x1];
	p0 =	sne.s32 s2, $0x0  }
0x19e: {  	s3 =	rddreg [dreg:$0x2];
	[bflag:$0x3] =	sbarrier.arrive $0xFFFF;
	s2 =	simm.s32 @!p0 $0x1C02  }
0x19f: {  	[timem:s3], [sflag:s2] =	dma.local @!p0 [hbm:s0], s1  }
0x1a0: {  	s0 =	simm.s32 @!p0 $0x2  }
0x1a1: {  	_ =	swait.ge @!p0 [sflag:s0], s1  }
0x1a2: {  	s1 =	ssub.s32 @!p0 $0x0, s1;
	[sflag:s0] =	ssyncset.done @!p0 $0x0  }
0x1a3: {  	[sflag:s0] =	ssyncadd.s32 @!p0 s1  }
0x1a4: {  	[bflag:$0x3] =	sbarrier.arrive $0xFFFF  }
0x1a5: {  	_ =	shalt  }

</sc_bundles>
